<compile_context>
chip_gen: v7x
topology: tpu7x:2x2x1
jax: 0.10.2.dev20260603
libtpu: 0.0.44.dev20260713+nightly
codegen_flags: <defaults>
</compile_context>

<pallas_src>
import functools

import jax
import jax.numpy as jnp
from jax import lax
from jax.experimental import pallas as pl
from jax.experimental.pallas import tpu as pltpu
from jax.experimental.pallas import tpu_sc as plsc

N = 10000
NP = 10240
E = 320000
D = 128
NC = 2
NS = 16
NW = NC * NS
EPW = E // NW
CH = 125
NCH = EPW // CH
RPT = NP // NS
BLK = 256
GRID = NP // BLK

_mesh = plsc.VectorSubcoreMesh(
    core_axis_name="c", subcore_axis_name="s", num_cores=NC, num_subcores=NS)
_sc_params = pltpu.CompilerParams(needs_layout_passes=False)


@functools.partial(
    pl.kernel,
    out_type=jax.ShapeDtypeStruct((NC, NP), jnp.float32),
    mesh=_mesh,
    scratch_types=[
        pltpu.VMEM((EPW // 16, 16), jnp.int32),
        pltpu.VMEM((NP,), jnp.float32),
        pltpu.VMEM((NS, RPT), jnp.float32),
        pltpu.VMEM_SHARED((NS, NP), jnp.float32),
    ],
    compiler_params=_sc_params,
)
def _deg_kernel(dst_hbm, out_hbm, didx, pdeg, tmp, slab):
  c = lax.axis_index("c")
  s = lax.axis_index("s")
  wid = s * NC + c

  pltpu.sync_copy(dst_hbm.at[wid], didx)

  zero16 = jnp.zeros((16,), jnp.float32)

  def _zero(i, _):
    pdeg[pl.ds(i * 16, 16)] = zero16
    return 0
  lax.fori_loop(0, NP // 16, _zero, 0)

  ones16 = jnp.ones((16,), jnp.float32)

  def _count(i, _):
    idx = didx[i]
    plsc.addupdate_scatter(pdeg, [idx], ones16)
    return 0
  lax.fori_loop(0, EPW // 16, _count, 0)

  pltpu.sync_copy(pdeg, slab.at[s])
  plsc.subcore_barrier()
  for r in range(NS):
    pltpu.sync_copy(slab.at[r, pl.ds(s * RPT, RPT)], tmp.at[r])

  def _reduce(k, _):
    v = tmp[0, pl.ds(k * 16, 16)]
    for r in range(1, NS):
      v = v + tmp[r, pl.ds(k * 16, 16)]
    pdeg[pl.ds(k * 16, 16)] = v
    return 0
  lax.fori_loop(0, RPT // 16, _reduce, 0)

  pltpu.sync_copy(pdeg.at[pl.ds(0, RPT)], out_hbm.at[c, pl.ds(s * RPT, RPT)])


@functools.partial(
    pl.kernel,
    out_type=jax.ShapeDtypeStruct((NC, NP, D), jnp.float32),
    mesh=_mesh,
    scratch_types=[
        pltpu.VMEM((NCH // 2, CH), jnp.int32),
        pltpu.VMEM((NCH // 2, CH), jnp.int32),
        pltpu.VMEM((CH, D), jnp.float32),
        pltpu.VMEM((CH, D), jnp.float32),
        pltpu.VMEM((32, D), jnp.float32),
        pltpu.VMEM_SHARED((NP, D), jnp.float32),
        pltpu.SemaphoreType.DMA,
        pltpu.SemaphoreType.DMA,
    ],
    compiler_params=_sc_params,
)
def _agg_kernel(u_hbm, src_hbm, dst_hbm, out_hbm,
                sidx, didx, bufa, bufb, zbuf, acc, sga, sgb):
  c = lax.axis_index("c")
  s = lax.axis_index("s")
  wid = s * NC + c

  @pl.when(c == 0)
  def _():
    pltpu.sync_copy(u_hbm.at[pl.ds(s * RPT, RPT)], acc.at[pl.ds(s * RPT, RPT)])

  @pl.when(c != 0)
  def _():
    zero16 = jnp.zeros((16,), jnp.float32)

    def _zrow(i, _):
      for j in range(D // 16):
        zbuf[i, pl.ds(j * 16, 16)] = zero16
      return 0
    lax.fori_loop(0, 32, _zrow, 0)

    def _zacc(k, _):
      pltpu.sync_copy(zbuf, acc.at[pl.ds(s * RPT + k * 32, 32)])
      return 0
    lax.fori_loop(0, RPT // 32, _zacc, 0)

  plsc.subcore_barrier()

  half = NCH // 2
  for h in range(2):
    pltpu.sync_copy(src_hbm.at[wid, pl.ds(h * half, half)], sidx)
    pltpu.sync_copy(dst_hbm.at[wid, pl.ds(h * half, half)], didx)
    pltpu.make_async_copy(u_hbm.at[sidx.at[0]], bufa, sga).start()

    def _body(i, _):
      j0 = 2 * i
      j1 = 2 * i + 1
      pltpu.make_async_copy(u_hbm.at[sidx.at[j0]], bufa, sga).wait()
      pltpu.make_async_copy(u_hbm.at[sidx.at[j1]], bufb, sgb).start()
      pltpu.sync_copy(bufa, acc.at[didx.at[j0]], add=True)
      pltpu.make_async_copy(u_hbm.at[sidx.at[j1]], bufb, sgb).wait()

      @pl.when(i < half // 2 - 1)
      def _():
        pltpu.make_async_copy(u_hbm.at[sidx.at[j0 + 2]], bufa, sga).start()

      pltpu.sync_copy(bufb, acc.at[didx.at[j1]], add=True)
      return 0
    lax.fori_loop(0, half // 2, _body, 0)

  plsc.subcore_barrier()
  pltpu.sync_copy(acc.at[pl.ds(s * RPT, RPT)],
                  out_hbm.at[c, pl.ds(s * RPT, RPT)])


def _scale_body(pdt_ref, x_ref, o_ref):
  deg = 1.0 + pdt_ref[:, 0] + pdt_ref[:, 1]
  dinv = lax.rsqrt(deg)
  o_ref[...] = x_ref[...] * dinv[:, None]


def _mid_body(pdt_ref, s_ref, w1_ref, b1_ref, w2_ref, o_ref):
  deg = 1.0 + pdt_ref[:, 0] + pdt_ref[:, 1]
  dinv = lax.rsqrt(deg)
  agg = (s_ref[0] + s_ref[1]) * dinv[:, None]
  h1 = jnp.maximum(
      jnp.dot(agg, w1_ref[...], preferred_element_type=jnp.float32)
      + b1_ref[...], 0.0)
  z2 = jnp.dot(h1, w2_ref[...], preferred_element_type=jnp.float32)
  o_ref[...] = z2 * dinv[:, None]


def _head_body(pdt_ref, s_ref, b2_ref, wfc_ref, bfc_ref, o_ref):
  deg = 1.0 + pdt_ref[:, 0] + pdt_ref[:, 1]
  dinv = lax.rsqrt(deg)
  h2 = jnp.maximum(
      (s_ref[0] + s_ref[1]) * dinv[:, None] + b2_ref[...], 0.0)
  o_ref[...] = (jnp.dot(h2, wfc_ref[...], preferred_element_type=jnp.float32)
                + bfc_ref[...])


_pdt_spec = pl.BlockSpec((BLK, NC), lambda i: (i, 0))
_row_spec = pl.BlockSpec((BLK, D), lambda i: (i, 0))
_s_spec = pl.BlockSpec((NC, BLK, D), lambda i: (0, i, 0))


def _scale_call(pdt, xp):
  return pl.pallas_call(
      _scale_body,
      grid=(GRID,),
      in_specs=[_pdt_spec, _row_spec],
      out_specs=_row_spec,
      out_shape=jax.ShapeDtypeStruct((NP, D), jnp.float32),
  )(pdt, xp)


def _mid_call(pdt, s1, W1, b1, W2):
  h1w = W1.shape[1]
  return pl.pallas_call(
      _mid_body,
      grid=(GRID,),
      in_specs=[
          _pdt_spec, _s_spec,
          pl.BlockSpec((D, h1w), lambda i: (0, 0)),
          pl.BlockSpec((1, h1w), lambda i: (0, 0)),
          pl.BlockSpec((h1w, D), lambda i: (0, 0)),
      ],
      out_specs=_row_spec,
      out_shape=jax.ShapeDtypeStruct((NP, D), jnp.float32),
  )(pdt, s1, W1, b1.reshape(1, h1w), W2)


def _head_call(pdt, s2, b2, Wfc, bfc):
  return pl.pallas_call(
      _head_body,
      grid=(GRID,),
      in_specs=[
          _pdt_spec, _s_spec,
          pl.BlockSpec((1, D), lambda i: (0, 0)),
          pl.BlockSpec((D, 1), lambda i: (0, 0)),
          pl.BlockSpec((1, 1), lambda i: (0, 0)),
      ],
      out_specs=pl.BlockSpec((BLK, 1), lambda i: (i, 0)),
      out_shape=jax.ShapeDtypeStruct((NP, 1), jnp.float32),
  )(pdt, s2, b2.reshape(1, D), Wfc, bfc.reshape(1, 1))


@jax.jit
def kernel(x, edge_index, W1, b1, W2, b2, Wfc, bfc):
  src = edge_index[0].reshape(NW, NCH, CH)
  dst = edge_index[1].reshape(NW, NCH, CH)
  dst16 = edge_index[1].reshape(NW, EPW // 16, 16)

  pdt = _deg_kernel(dst16).T
  u1 = _scale_call(pdt, x)
  s1 = _agg_kernel(u1, src, dst)
  u2 = _mid_call(pdt, s1, W1, b1, W2)
  s2 = _agg_kernel(u2, src, dst)
  out = _head_call(pdt, s2, b2, Wfc, bfc)
  return out[:N]

# --- scband reference (transcript-rebuilt; emitter-appended) ---
"""Pipeline reference for scband-gcnnetwork-61873298866561 (READ-ONLY COPY).

The authoritative reference and input builder live on the scoring server;
editing this copy changes nothing except your own understanding.
"""

import jax, jax.numpy as jnp
import numpy as np

N = 10000
E = 320000
D_IN = 128
H1 = 256
H2 = 128
D_OUT = 1


def setup_inputs(seed: int = 0) -> dict:
    key = jax.random.key(seed)
    ks = jax.random.split(key, 8)
    x = jax.random.normal(ks[0], (N, D_IN), dtype=jnp.float32)
    edge_index = jax.random.randint(ks[1], (2, E), 0, N, dtype=jnp.int32)
    W1 = jax.random.normal(ks[2], (D_IN, H1), dtype=jnp.float32) * (1.0 / np.sqrt(D_IN))
    b1 = jnp.zeros((H1,), dtype=jnp.float32)
    W2 = jax.random.normal(ks[3], (H1, H2), dtype=jnp.float32) * (1.0 / np.sqrt(H1))
    b2 = jnp.zeros((H2,), dtype=jnp.float32)
    Wfc = jax.random.normal(ks[4], (H2, D_OUT), dtype=jnp.float32) * (1.0 / np.sqrt(H2))
    bfc = jnp.zeros((D_OUT,), dtype=jnp.float32)
    return {"x": x, "edge_index": edge_index, "W1": W1, "b1": b1, "W2": W2, "b2": b2, "Wfc": Wfc, "bfc": bfc}


def _gcn_conv(x, src, dst, W, b, n_nodes):
    # PyG GCNConv: add self-loops, symmetric normalization D^-1/2 (A+I) D^-1/2, then linear + bias
    sl = jnp.arange(n_nodes, dtype=src.dtype)
    src2 = jnp.concatenate([src, sl])
    dst2 = jnp.concatenate([dst, sl])
    deg = jnp.zeros((n_nodes,), dtype=x.dtype).at[dst2].add(1.0)
    dinv = jnp.where(deg > 0, jax.lax.rsqrt(deg), 0.0)
    norm = dinv[src2] * dinv[dst2]
    h = x @ W
    msg = h[src2] * norm[:, None]
    out = jnp.zeros((n_nodes, W.shape[1]), dtype=x.dtype).at[dst2].add(msg)
    return out + b


def reference(x, edge_index, W1, b1, W2, b2, Wfc, bfc):
    n = x.shape[0]
    src = edge_index[0]
    dst = edge_index[1]
    # conv1 + relu (dropout is identity in eval mode)
    h = _gcn_conv(x, src, dst, W1, b1, n)
    h = jax.nn.relu(h)
    # conv2 + relu
    h = _gcn_conv(h, src, dst, W2, b2, n)
    h = jax.nn.relu(h)
    # final linear
    out = h @ Wfc + bfc
    return out

if __name__ == "__main__":
    import jax
    _d = setup_inputs()
    print(jax.jit(kernel)(*tuple(_d.values())))

</pallas_src>

<mosaic_0001>
#map = affine_map<(d0, d1) -> (0, 0)>
#map1 = affine_map<(d0, d1) -> (0, 0, 0)>
module attributes {stable_mosaic.version = 14 : i64} {
  func.func @_agg_kernel(%arg0: i32, %arg1: i32, %arg2: memref<10240x128xf32, #tpu.memory_space<hbm>>, %arg3: memref<32x80x125xi32, #tpu.memory_space<hbm>>, %arg4: memref<32x80x125xi32, #tpu.memory_space<hbm>>, %arg5: memref<2x10240x128xf32, #tpu.memory_space<hbm>>, %arg6: memref<40x125xi32, #tpu.memory_space<vmem>>, %arg7: memref<40x125xi32, #tpu.memory_space<vmem>>, %arg8: memref<125x128xf32, #tpu.memory_space<vmem>>, %arg9: memref<125x128xf32, #tpu.memory_space<vmem>>, %arg10: memref<32x128xf32, #tpu.memory_space<vmem>>, %arg11: memref<10240x128xf32, #tpu.memory_space<vmem_shared>>, %arg12: memref<!tpu.dma_semaphore, #tpu.memory_space<semaphore_mem>>, %arg13: memref<!tpu.dma_semaphore, #tpu.memory_space<semaphore_mem>>) attributes {dimension_semantics = [#tpu.dimension_semantics<core_parallel>, #tpu.dimension_semantics<subcore_parallel>], iteration_bounds = array<i64: 2, 16>, scalar_prefetch = 0 : i64, scratch_operands = 8 : i64, tpu.core_type = #tpu.core_type<sc_vector_subcore>, window_params = [{transform_indices = #map}, {transform_indices = #map1}, {transform_indices = #map1}, {transform_indices = #map1}]} {
    %mul3A = arith.constant 2 : i32
    %mul3A_0 = arith.muli %arg1, %mul3A : i32
    %add3A = arith.addi %mul3A_0, %arg0 : i32
    %eq3A = arith.constant 0 : i32
    %eq3A_1 = arith.cmpi eq, %arg0, %eq3A : i32
    %convert_element_type3A = arith.extui %eq3A_1 : i1 to i32
    %cond3A = arith.constant 0 : i32
    %cond3A_2 = arith.cmpi ne, %convert_element_type3A, %cond3A : i32
    scf.if %cond3A_2 {
      %mul3A_38 = arith.constant 640 : i32
      %mul3A_39 = arith.muli %arg1, %mul3A_38 : i32
      %mul3A_40 = arith.constant 640 : i32
      %mul3A_41 = arith.muli %arg1, %mul3A_40 : i32
      "tpu.region"() ({
        %run_scoped3A = tpu.sem_alloc : memref<!tpu.dma_semaphore, #tpu.memory_space<semaphore_mem>>
        %dma_start3A_42 = arith.constant 0 : i32
        %dma_start3A_43 = tpu.memref_slice %arg11[%mul3A_41, %dma_start3A_42] : memref<10240x128xf32, #tpu.memory_space<vmem_shared>> -> memref<640x128xf32, #tpu.memory_space<vmem_shared>>
        %dma_start3A_44 = arith.constant 0 : i32
        %dma_start3A_45 = tpu.memref_slice %arg2[%mul3A_39, %dma_start3A_44] : memref<10240x128xf32, #tpu.memory_space<hbm>> -> memref<640x128xf32, #tpu.memory_space<hbm>>
        tpu.enqueue_dma source(%dma_start3A_45 : memref<640x128xf32, #tpu.memory_space<hbm>>) target(%dma_start3A_43 : memref<640x128xf32, #tpu.memory_space<vmem_shared>>) target_semaphore(%run_scoped3A : memref<!tpu.dma_semaphore, #tpu.memory_space<semaphore_mem>>)
        %dma_wait3A = arith.constant 0 : i32
        %dma_wait3A_46 = tpu.memref_slice %arg11[%mul3A_41, %dma_wait3A] : memref<10240x128xf32, #tpu.memory_space<vmem_shared>> -> memref<640x128xf32, #tpu.memory_space<vmem_shared>>
        %dma_wait3A_47 = arith.constant 0 : i32
        %dma_wait3A_48 = tpu.memref_slice %arg2[%mul3A_39, %dma_wait3A_47] : memref<10240x128xf32, #tpu.memory_space<hbm>> -> memref<640x128xf32, #tpu.memory_space<hbm>>
        tpu.wait_dma2 semaphore(%run_scoped3A : memref<!tpu.dma_semaphore, #tpu.memory_space<semaphore_mem>>) src(%dma_wait3A_48 : memref<640x128xf32, #tpu.memory_space<hbm>>) dst(%dma_wait3A_46 : memref<640x128xf32, #tpu.memory_space<vmem_shared>>)
        tpu.yield
      }) : () -> ()
    } else {
    }
    %ne3A = arith.constant 0 : i32
    %ne3A_3 = arith.cmpi ne, %arg0, %ne3A : i32
    %convert_element_type3A_4 = arith.extui %ne3A_3 : i1 to i32
    %cond3A_5 = arith.constant 0 : i32
    %cond3A_6 = arith.cmpi ne, %convert_element_type3A_4, %cond3A_5 : i32
    scf.if %cond3A_6 {
      %broadcast_in_dim3A = arith.constant 0.000000e+00 : f32
      %broadcast_in_dim3A_38 = vector.broadcast %broadcast_in_dim3A : f32 to vector<16xf32>
      %scan3A_39 = arith.constant 0 : i32
      %scan3A_40 = arith.constant 0 : i32
      %scan3A_41 = arith.constant 32 : i32
      %scan3A_42 = arith.addi %scan3A_40, %scan3A_41 : i32
      %scan3A_43 = arith.constant 1 : i32
      %scan3A_44 = scf.for %scan3A_53 = %scan3A_40 to %scan3A_42 step %scan3A_43 iter_args(%scan3A_54 = %scan3A_39) -> (i32)  : i32 {
        %swap3A = arith.index_cast %scan3A_53 : i32 to index
        %swap3A_55 = arith.constant 0 : index
        %swap3A_56 = tpu.vector_load %arg10[%swap3A, %swap3A_55] {strides = array<i32>} : memref<32x128xf32, #tpu.memory_space<vmem>>, vector<16xf32>,
        tpu.vector_store %arg10[%swap3A, %swap3A_55], %broadcast_in_dim3A_38 {strides = array<i32>} : memref<32x128xf32, #tpu.memory_space<vmem>>, vector<16xf32>,
        %swap3A_57 = arith.index_cast %scan3A_53 : i32 to index
        %swap3A_58 = arith.constant 16 : index
        %swap3A_59 = tpu.vector_load %arg10[%swap3A_57, %swap3A_58] {strides = array<i32>} : memref<32x128xf32, #tpu.memory_space<vmem>>, vector<16xf32>,
        tpu.vector_store %arg10[%swap3A_57, %swap3A_58], %broadcast_in_dim3A_38 {strides = array<i32>} : memref<32x128xf32, #tpu.memory_space<vmem>>, vector<16xf32>,
        %swap3A_60 = arith.index_cast %scan3A_53 : i32 to index
        %swap3A_61 = arith.constant 32 : index
        %swap3A_62 = tpu.vector_load %arg10[%swap3A_60, %swap3A_61] {strides = array<i32>} : memref<32x128xf32, #tpu.memory_space<vmem>>, vector<16xf32>,
        tpu.vector_store %arg10[%swap3A_60, %swap3A_61], %broadcast_in_dim3A_38 {strides = array<i32>} : memref<32x128xf32, #tpu.memory_space<vmem>>, vector<16xf32>,
        %swap3A_63 = arith.index_cast %scan3A_53 : i32 to index
        %swap3A_64 = arith.constant 48 : index
        %swap3A_65 = tpu.vector_load %arg10[%swap3A_63, %swap3A_64] {strides = array<i32>} : memref<32x128xf32, #tpu.memory_space<vmem>>, vector<16xf32>,
        tpu.vector_store %arg10[%swap3A_63, %swap3A_64], %broadcast_in_dim3A_38 {strides = array<i32>} : memref<32x128xf32, #tpu.memory_space<vmem>>, vector<16xf32>,
        %swap3A_66 = arith.index_cast %scan3A_53 : i32 to index
        %swap3A_67 = arith.constant 64 : index
        %swap3A_68 = tpu.vector_load %arg10[%swap3A_66, %swap3A_67] {strides = array<i32>} : memref<32x128xf32, #tpu.memory_space<vmem>>, vector<16xf32>,
        tpu.vector_store %arg10[%swap3A_66, %swap3A_67], %broadcast_in_dim3A_38 {strides = array<i32>} : memref<32x128xf32, #tpu.memory_space<vmem>>, vector<16xf32>,
        %swap3A_69 = arith.index_cast %scan3A_53 : i32 to index
        %swap3A_70 = arith.constant 80 : index
        %swap3A_71 = tpu.vector_load %arg10[%swap3A_69, %swap3A_70] {strides = array<i32>} : memref<32x128xf32, #tpu.memory_space<vmem>>, vector<16xf32>,
        tpu.vector_store %arg10[%swap3A_69, %swap3A_70], %broadcast_in_dim3A_38 {strides = array<i32>} : memref<32x128xf32, #tpu.memory_space<vmem>>, vector<16xf32>,
        %swap3A_72 = arith.index_cast %scan3A_53 : i32 to index
        %swap3A_73 = arith.constant 96 : index
        %swap3A_74 = tpu.vector_load %arg10[%swap3A_72, %swap3A_73] {strides = array<i32>} : memref<32x128xf32, #tpu.memory_space<vmem>>, vector<16xf32>,
        tpu.vector_store %arg10[%swap3A_72, %swap3A_73], %broadcast_in_dim3A_38 {strides = array<i32>} : memref<32x128xf32, #tpu.memory_space<vmem>>, vector<16xf32>,
        %swap3A_75 = arith.index_cast %scan3A_53 : i32 to index
        %swap3A_76 = arith.constant 112 : index
        %swap3A_77 = tpu.vector_load %arg10[%swap3A_75, %swap3A_76] {strides = array<i32>} : memref<32x128xf32, #tpu.memory_space<vmem>>, vector<16xf32>,
        tpu.vector_store %arg10[%swap3A_75, %swap3A_76], %broadcast_in_dim3A_38 {strides = array<i32>} : memref<32x128xf32, #tpu.memory_space<vmem>>, vector<16xf32>,
        %scan3A_78 = arith.constant 0 : i32
        scf.yield %scan3A_78 : i32
      }
      %scan3A_45 = arith.constant 32 : i32
      %scan3A_46 = arith.constant 0 : i32
      %scan3A_47 = arith.constant 0 : i32
      %scan3A_48 = arith.constant 20 : i32
      %scan3A_49 = arith.addi %scan3A_47, %scan3A_48 : i32
      %scan3A_50 = arith.constant 1 : i32
      %scan3A_51 = scf.for %scan3A_53 = %scan3A_47 to %scan3A_49 step %scan3A_50 iter_args(%scan3A_54 = %scan3A_46) -> (i32)  : i32 {
        %mul3A_55 = arith.constant 640 : i32
        %mul3A_56 = arith.muli %arg1, %mul3A_55 : i32
        %mul3A_57 = arith.constant 32 : i32
        %mul3A_58 = arith.muli %scan3A_53, %mul3A_57 : i32
        %add3A_59 = arith.addi %mul3A_56, %mul3A_58 : i32
        "tpu.region"() ({
          %run_scoped3A = tpu.sem_alloc : memref<!tpu.dma_semaphore, #tpu.memory_space<semaphore_mem>>
          %dma_start3A_61 = arith.constant 0 : i32
          %dma_start3A_62 = tpu.memref_slice %arg11[%add3A_59, %dma_start3A_61] : memref<10240x128xf32, #tpu.memory_space<vmem_shared>> -> memref<32x128xf32, #tpu.memory_space<vmem_shared>>
          %dma_start3A_63 = arith.constant 0 : i32
          %dma_start3A_64 = tpu.memref_slice %arg11[%add3A_59, %dma_start3A_63] : memref<10240x128xf32, #tpu.memory_space<vmem_shared>> -> memref<32x128xf32, #tpu.memory_space<vmem_shared>>
          tpu.enqueue_dma source(%arg10 : memref<32x128xf32, #tpu.memory_space<vmem>>) target(%dma_start3A_64 : memref<32x128xf32, #tpu.memory_space<vmem_shared>>) target_semaphore(%run_scoped3A : memref<!tpu.dma_semaphore, #tpu.memory_space<semaphore_mem>>)
          %dma_wait3A = arith.constant 0 : i32
          %dma_wait3A_65 = tpu.memref_slice %arg11[%add3A_59, %dma_wait3A] : memref<10240x128xf32, #tpu.memory_space<vmem_shared>> -> memref<32x128xf32, #tpu.memory_space<vmem_shared>>
          %dma_wait3A_66 = arith.constant 0 : i32
          %dma_wait3A_67 = tpu.memref_slice %arg11[%add3A_59, %dma_wait3A_66] : memref<10240x128xf32, #tpu.memory_space<vmem_shared>> -> memref<32x128xf32, #tpu.memory_space<vmem_shared>>
          tpu.wait_dma2 semaphore(%run_scoped3A : memref<!tpu.dma_semaphore, #tpu.memory_space<semaphore_mem>>) src(%arg10 : memref<32x128xf32, #tpu.memory_space<vmem>>) dst(%dma_wait3A_67 : memref<32x128xf32, #tpu.memory_space<vmem_shared>>)
          tpu.yield
        }) : () -> ()
        %scan3A_60 = arith.constant 0 : i32
        scf.yield %scan3A_60 : i32
      }
      %scan3A_52 = arith.constant 20 : i32
    } else {
    }
    %barrier3A = arith.constant 0 : index
    tpu.barrier barrier_id(%barrier3A)
    "tpu.region"() ({
      %run_scoped3A = tpu.sem_alloc : memref<!tpu.dma_semaphore, #tpu.memory_space<semaphore_mem>>
      %dma_start3A_38 = arith.constant 0 : i32
      %dma_start3A_39 = arith.constant 0 : i32
      %dma_start3A_40 = tpu.memref_slice %arg3[%add3A, %dma_start3A_38, %dma_start3A_39] : memref<32x80x125xi32, #tpu.memory_space<hbm>> -> memref<1x40x125xi32, #tpu.memory_space<hbm>>
      %dma_start3A_41 = tpu.memref_squeeze %dma_start3A_40 : memref<1x40x125xi32, #tpu.memory_space<hbm>> -> memref<40x125xi32, #tpu.memory_space<hbm>>
      %dma_start3A_42 = arith.constant 0 : i32
      %dma_start3A_43 = arith.constant 0 : i32
      %dma_start3A_44 = tpu.memref_slice %arg3[%add3A, %dma_start3A_42, %dma_start3A_43] : memref<32x80x125xi32, #tpu.memory_space<hbm>> -> memref<1x40x125xi32, #tpu.memory_space<hbm>>
      %dma_start3A_45 = tpu.memref_squeeze %dma_start3A_44 : memref<1x40x125xi32, #tpu.memory_space<hbm>> -> memref<40x125xi32, #tpu.memory_space<hbm>>
      tpu.enqueue_dma source(%dma_start3A_45 : memref<40x125xi32, #tpu.memory_space<hbm>>) target(%arg6 : memref<40x125xi32, #tpu.memory_space<vmem>>) target_semaphore(%run_scoped3A : memref<!tpu.dma_semaphore, #tpu.memory_space<semaphore_mem>>)
      %dma_wait3A = arith.constant 0 : i32
      %dma_wait3A_46 = arith.constant 0 : i32
      %dma_wait3A_47 = tpu.memref_slice %arg3[%add3A, %dma_wait3A, %dma_wait3A_46] : memref<32x80x125xi32, #tpu.memory_space<hbm>> -> memref<1x40x125xi32, #tpu.memory_space<hbm>>
      %dma_wait3A_48 = tpu.memref_squeeze %dma_wait3A_47 : memref<1x40x125xi32, #tpu.memory_space<hbm>> -> memref<40x125xi32, #tpu.memory_space<hbm>>
      %dma_wait3A_49 = arith.constant 0 : i32
      %dma_wait3A_50 = arith.constant 0 : i32
      %dma_wait3A_51 = tpu.memref_slice %arg3[%add3A, %dma_wait3A_49, %dma_wait3A_50] : memref<32x80x125xi32, #tpu.memory_space<hbm>> -> memref<1x40x125xi32, #tpu.memory_space<hbm>>
      %dma_wait3A_52 = tpu.memref_squeeze %dma_wait3A_51 : memref<1x40x125xi32, #tpu.memory_space<hbm>> -> memref<40x125xi32, #tpu.memory_space<hbm>>
      tpu.wait_dma2 semaphore(%run_scoped3A : memref<!tpu.dma_semaphore, #tpu.memory_space<semaphore_mem>>) src(%dma_wait3A_52 : memref<40x125xi32, #tpu.memory_space<hbm>>) dst(%arg6 : memref<40x125xi32, #tpu.memory_space<vmem>>)
      tpu.yield
    }) : () -> ()
    "tpu.region"() ({
      %run_scoped3A = tpu.sem_alloc : memref<!tpu.dma_semaphore, #tpu.memory_space<semaphore_mem>>
      %dma_start3A_38 = arith.constant 0 : i32
      %dma_start3A_39 = arith.constant 0 : i32
      %dma_start3A_40 = tpu.memref_slice %arg4[%add3A, %dma_start3A_38, %dma_start3A_39] : memref<32x80x125xi32, #tpu.memory_space<hbm>> -> memref<1x40x125xi32, #tpu.memory_space<hbm>>
      %dma_start3A_41 = tpu.memref_squeeze %dma_start3A_40 : memref<1x40x125xi32, #tpu.memory_space<hbm>> -> memref<40x125xi32, #tpu.memory_space<hbm>>
      %dma_start3A_42 = arith.constant 0 : i32
      %dma_start3A_43 = arith.constant 0 : i32
      %dma_start3A_44 = tpu.memref_slice %arg4[%add3A, %dma_start3A_42, %dma_start3A_43] : memref<32x80x125xi32, #tpu.memory_space<hbm>> -> memref<1x40x125xi32, #tpu.memory_space<hbm>>
      %dma_start3A_45 = tpu.memref_squeeze %dma_start3A_44 : memref<1x40x125xi32, #tpu.memory_space<hbm>> -> memref<40x125xi32, #tpu.memory_space<hbm>>
      tpu.enqueue_dma source(%dma_start3A_45 : memref<40x125xi32, #tpu.memory_space<hbm>>) target(%arg7 : memref<40x125xi32, #tpu.memory_space<vmem>>) target_semaphore(%run_scoped3A : memref<!tpu.dma_semaphore, #tpu.memory_space<semaphore_mem>>)
      %dma_wait3A = arith.constant 0 : i32
      %dma_wait3A_46 = arith.constant 0 : i32
      %dma_wait3A_47 = tpu.memref_slice %arg4[%add3A, %dma_wait3A, %dma_wait3A_46] : memref<32x80x125xi32, #tpu.memory_space<hbm>> -> memref<1x40x125xi32, #tpu.memory_space<hbm>>
      %dma_wait3A_48 = tpu.memref_squeeze %dma_wait3A_47 : memref<1x40x125xi32, #tpu.memory_space<hbm>> -> memref<40x125xi32, #tpu.memory_space<hbm>>
      %dma_wait3A_49 = arith.constant 0 : i32
      %dma_wait3A_50 = arith.constant 0 : i32
      %dma_wait3A_51 = tpu.memref_slice %arg4[%add3A, %dma_wait3A_49, %dma_wait3A_50] : memref<32x80x125xi32, #tpu.memory_space<hbm>> -> memref<1x40x125xi32, #tpu.memory_space<hbm>>
      %dma_wait3A_52 = tpu.memref_squeeze %dma_wait3A_51 : memref<1x40x125xi32, #tpu.memory_space<hbm>> -> memref<40x125xi32, #tpu.memory_space<hbm>>
      tpu.wait_dma2 semaphore(%run_scoped3A : memref<!tpu.dma_semaphore, #tpu.memory_space<semaphore_mem>>) src(%dma_wait3A_52 : memref<40x125xi32, #tpu.memory_space<hbm>>) dst(%arg7 : memref<40x125xi32, #tpu.memory_space<vmem>>)
      tpu.yield
    }) : () -> ()
    %dma_start3A = arith.constant 0 : i32
    %dma_start3A_7 = arith.constant 0 : i32
    %dma_start3A_8 = tpu.memref_slice %arg6[%dma_start3A, %dma_start3A_7] : memref<40x125xi32, #tpu.memory_space<vmem>> -> memref<1x125xi32, #tpu.memory_space<vmem>>
    %dma_start3A_9 = tpu.memref_squeeze %dma_start3A_8 : memref<1x125xi32, #tpu.memory_space<vmem>> -> memref<125xi32, #tpu.memory_space<vmem>>
    %dma_start3A_10 = arith.constant 0 : i32
    %dma_start3A_11 = arith.constant 0 : i32
    %dma_start3A_12 = tpu.memref_slice %arg2[%dma_start3A_10, %dma_start3A_11] : memref<10240x128xf32, #tpu.memory_space<hbm>> -> memref<10240x128xf32, #tpu.memory_space<hbm>>
    tpu.enqueue_indirect_dma source(%dma_start3A_12 : memref<10240x128xf32, #tpu.memory_space<hbm>>) target(%arg8 : memref<125x128xf32, #tpu.memory_space<vmem>>) offsets(%dma_start3A_9 : memref<125xi32, #tpu.memory_space<vmem>>) semaphore(%arg12 : memref<!tpu.dma_semaphore, #tpu.memory_space<semaphore_mem>>)
    %scan3A = arith.constant 0 : i32
    %scan3A_13 = arith.constant 0 : i32
    %scan3A_14 = arith.constant 20 : i32
    %scan3A_15 = arith.addi %scan3A_13, %scan3A_14 : i32
    %scan3A_16 = arith.constant 1 : i32
    %scan3A_17 = scf.for %scan3A_38 = %scan3A_13 to %scan3A_15 step %scan3A_16 iter_args(%scan3A_39 = %scan3A) -> (i32)  : i32 {
      %mul3A_40 = arith.constant 2 : i32
      %mul3A_41 = arith.muli %mul3A_40, %scan3A_38 : i32
      %mul3A_42 = arith.constant 2 : i32
      %mul3A_43 = arith.muli %mul3A_42, %scan3A_38 : i32
      %add3A_44 = arith.constant 1 : i32
      %add3A_45 = arith.addi %mul3A_43, %add3A_44 : i32
      %dma_wait3A = arith.constant 0 : i32
      %dma_wait3A_46 = tpu.memref_slice %arg6[%mul3A_41, %dma_wait3A] : memref<40x125xi32, #tpu.memory_space<vmem>> -> memref<1x125xi32, #tpu.memory_space<vmem>>
      %dma_wait3A_47 = tpu.memref_squeeze %dma_wait3A_46 : memref<1x125xi32, #tpu.memory_space<vmem>> -> memref<125xi32, #tpu.memory_space<vmem>>
      %dma_wait3A_48 = arith.constant 0 : i32
      %dma_wait3A_49 = arith.constant 0 : i32
      %dma_wait3A_50 = tpu.memref_slice %arg2[%dma_wait3A_48, %dma_wait3A_49] : memref<10240x128xf32, #tpu.memory_space<hbm>> -> memref<10240x128xf32, #tpu.memory_space<hbm>>
      tpu.wait_indirect_dma semaphore(%arg12 : memref<!tpu.dma_semaphore, #tpu.memory_space<semaphore_mem>>) src(%dma_wait3A_50 : memref<10240x128xf32, #tpu.memory_space<hbm>>) dst(%arg8 : memref<125x128xf32, #tpu.memory_space<vmem>>)
      %dma_start3A_51 = arith.constant 0 : i32
      %dma_start3A_52 = tpu.memref_slice %arg6[%add3A_45, %dma_start3A_51] : memref<40x125xi32, #tpu.memory_space<vmem>> -> memref<1x125xi32, #tpu.memory_space<vmem>>
      %dma_start3A_53 = tpu.memref_squeeze %dma_start3A_52 : memref<1x125xi32, #tpu.memory_space<vmem>> -> memref<125xi32, #tpu.memory_space<vmem>>
      %dma_start3A_54 = arith.constant 0 : i32
      %dma_start3A_55 = arith.constant 0 : i32
      %dma_start3A_56 = tpu.memref_slice %arg2[%dma_start3A_54, %dma_start3A_55] : memref<10240x128xf32, #tpu.memory_space<hbm>> -> memref<10240x128xf32, #tpu.memory_space<hbm>>
      tpu.enqueue_indirect_dma source(%dma_start3A_56 : memref<10240x128xf32, #tpu.memory_space<hbm>>) target(%arg9 : memref<125x128xf32, #tpu.memory_space<vmem>>) offsets(%dma_start3A_53 : memref<125xi32, #tpu.memory_space<vmem>>) semaphore(%arg13 : memref<!tpu.dma_semaphore, #tpu.memory_space<semaphore_mem>>)
      "tpu.region"() ({
        %run_scoped3A = tpu.sem_alloc : memref<!tpu.dma_semaphore, #tpu.memory_space<semaphore_mem>>
        %dma_start3A_68 = arith.constant 0 : i32
        %dma_start3A_69 = tpu.memref_slice %arg7[%mul3A_41, %dma_start3A_68] : memref<40x125xi32, #tpu.memory_space<vmem>> -> memref<1x125xi32, #tpu.memory_space<vmem>>
        %dma_start3A_70 = tpu.memref_squeeze %dma_start3A_69 : memref<1x125xi32, #tpu.memory_space<vmem>> -> memref<125xi32, #tpu.memory_space<vmem>>
        %dma_start3A_71 = arith.constant 0 : i32
        %dma_start3A_72 = arith.constant 0 : i32
        %dma_start3A_73 = tpu.memref_slice %arg11[%dma_start3A_71, %dma_start3A_72] : memref<10240x128xf32, #tpu.memory_space<vmem_shared>> -> memref<10240x128xf32, #tpu.memory_space<vmem_shared>>
        tpu.enqueue_indirect_dma source(%arg8 : memref<125x128xf32, #tpu.memory_space<vmem>>) target(%dma_start3A_73 : memref<10240x128xf32, #tpu.memory_space<vmem_shared>>) offsets(%dma_start3A_70 : memref<125xi32, #tpu.memory_space<vmem>>) semaphore(%run_scoped3A : memref<!tpu.dma_semaphore, #tpu.memory_space<semaphore_mem>>) {add = true}
        %dma_wait3A_74 = arith.constant 0 : i32
        %dma_wait3A_75 = tpu.memref_slice %arg7[%mul3A_41, %dma_wait3A_74] : memref<40x125xi32, #tpu.memory_space<vmem>> -> memref<1x125xi32, #tpu.memory_space<vmem>>
        %dma_wait3A_76 = tpu.memref_squeeze %dma_wait3A_75 : memref<1x125xi32, #tpu.memory_space<vmem>> -> memref<125xi32, #tpu.memory_space<vmem>>
        %dma_wait3A_77 = arith.constant 0 : i32
        %dma_wait3A_78 = arith.constant 0 : i32
        %dma_wait3A_79 = tpu.memref_slice %arg11[%dma_wait3A_77, %dma_wait3A_78] : memref<10240x128xf32, #tpu.memory_space<vmem_shared>> -> memref<10240x128xf32, #tpu.memory_space<vmem_shared>>
        tpu.wait_indirect_dma semaphore(%run_scoped3A : memref<!tpu.dma_semaphore, #tpu.memory_space<semaphore_mem>>) src(%arg8 : memref<125x128xf32, #tpu.memory_space<vmem>>) dst(%dma_wait3A_79 : memref<10240x128xf32, #tpu.memory_space<vmem_shared>>)
        tpu.yield
      }) : () -> ()
      %dma_wait3A_57 = arith.constant 0 : i32
      %dma_wait3A_58 = tpu.memref_slice %arg6[%add3A_45, %dma_wait3A_57] : memref<40x125xi32, #tpu.memory_space<vmem>> -> memref<1x125xi32, #tpu.memory_space<vmem>>
      %dma_wait3A_59 = tpu.memref_squeeze %dma_wait3A_58 : memref<1x125xi32, #tpu.memory_space<vmem>> -> memref<125xi32, #tpu.memory_space<vmem>>
      %dma_wait3A_60 = arith.constant 0 : i32
      %dma_wait3A_61 = arith.constant 0 : i32
      %dma_wait3A_62 = tpu.memref_slice %arg2[%dma_wait3A_60, %dma_wait3A_61] : memref<10240x128xf32, #tpu.memory_space<hbm>> -> memref<10240x128xf32, #tpu.memory_space<hbm>>
      tpu.wait_indirect_dma semaphore(%arg13 : memref<!tpu.dma_semaphore, #tpu.memory_space<semaphore_mem>>) src(%dma_wait3A_62 : memref<10240x128xf32, #tpu.memory_space<hbm>>) dst(%arg9 : memref<125x128xf32, #tpu.memory_space<vmem>>)
      %lt3A = arith.constant 19 : i32
      %lt3A_63 = arith.cmpi slt, %scan3A_38, %lt3A : i32
      %convert_element_type3A_64 = arith.extui %lt3A_63 : i1 to i32
      %cond3A_65 = arith.constant 0 : i32
      %cond3A_66 = arith.cmpi ne, %convert_element_type3A_64, %cond3A_65 : i32
      scf.if %cond3A_66 {
        %add3A_68 = arith.constant 2 : i32
        %add3A_69 = arith.addi %mul3A_41, %add3A_68 : i32
        %dma_start3A_70 = arith.constant 0 : i32
        %dma_start3A_71 = tpu.memref_slice %arg6[%add3A_69, %dma_start3A_70] : memref<40x125xi32, #tpu.memory_space<vmem>> -> memref<1x125xi32, #tpu.memory_space<vmem>>
        %dma_start3A_72 = tpu.memref_squeeze %dma_start3A_71 : memref<1x125xi32, #tpu.memory_space<vmem>> -> memref<125xi32, #tpu.memory_space<vmem>>
        %dma_start3A_73 = arith.constant 0 : i32
        %dma_start3A_74 = arith.constant 0 : i32
        %dma_start3A_75 = tpu.memref_slice %arg2[%dma_start3A_73, %dma_start3A_74] : memref<10240x128xf32, #tpu.memory_space<hbm>> -> memref<10240x128xf32, #tpu.memory_space<hbm>>
        tpu.enqueue_indirect_dma source(%dma_start3A_75 : memref<10240x128xf32, #tpu.memory_space<hbm>>) target(%arg8 : memref<125x128xf32, #tpu.memory_space<vmem>>) offsets(%dma_start3A_72 : memref<125xi32, #tpu.memory_space<vmem>>) semaphore(%arg12 : memref<!tpu.dma_semaphore, #tpu.memory_space<semaphore_mem>>)
      } else {
      }
      "tpu.region"() ({
        %run_scoped3A = tpu.sem_alloc : memref<!tpu.dma_semaphore, #tpu.memory_space<semaphore_mem>>
        %dma_start3A_68 = arith.constant 0 : i32
        %dma_start3A_69 = tpu.memref_slice %arg7[%add3A_45, %dma_start3A_68] : memref<40x125xi32, #tpu.memory_space<vmem>> -> memref<1x125xi32, #tpu.memory_space<vmem>>
        %dma_start3A_70 = tpu.memref_squeeze %dma_start3A_69 : memref<1x125xi32, #tpu.memory_space<vmem>> -> memref<125xi32, #tpu.memory_space<vmem>>
        %dma_start3A_71 = arith.constant 0 : i32
        %dma_start3A_72 = arith.constant 0 : i32
        %dma_start3A_73 = tpu.memref_slice %arg11[%dma_start3A_71, %dma_start3A_72] : memref<10240x128xf32, #tpu.memory_space<vmem_shared>> -> memref<10240x128xf32, #tpu.memory_space<vmem_shared>>
        tpu.enqueue_indirect_dma source(%arg9 : memref<125x128xf32, #tpu.memory_space<vmem>>) target(%dma_start3A_73 : memref<10240x128xf32, #tpu.memory_space<vmem_shared>>) offsets(%dma_start3A_70 : memref<125xi32, #tpu.memory_space<vmem>>) semaphore(%run_scoped3A : memref<!tpu.dma_semaphore, #tpu.memory_space<semaphore_mem>>) {add = true}
        %dma_wait3A_74 = arith.constant 0 : i32
        %dma_wait3A_75 = tpu.memref_slice %arg7[%add3A_45, %dma_wait3A_74] : memref<40x125xi32, #tpu.memory_space<vmem>> -> memref<1x125xi32, #tpu.memory_space<vmem>>
        %dma_wait3A_76 = tpu.memref_squeeze %dma_wait3A_75 : memref<1x125xi32, #tpu.memory_space<vmem>> -> memref<125xi32, #tpu.memory_space<vmem>>
        %dma_wait3A_77 = arith.constant 0 : i32
        %dma_wait3A_78 = arith.constant 0 : i32
        %dma_wait3A_79 = tpu.memref_slice %arg11[%dma_wait3A_77, %dma_wait3A_78] : memref<10240x128xf32, #tpu.memory_space<vmem_shared>> -> memref<10240x128xf32, #tpu.memory_space<vmem_shared>>
        tpu.wait_indirect_dma semaphore(%run_scoped3A : memref<!tpu.dma_semaphore, #tpu.memory_space<semaphore_mem>>) src(%arg9 : memref<125x128xf32, #tpu.memory_space<vmem>>) dst(%dma_wait3A_79 : memref<10240x128xf32, #tpu.memory_space<vmem_shared>>)
        tpu.yield
      }) : () -> ()
      %scan3A_67 = arith.constant 0 : i32
      scf.yield %scan3A_67 : i32
    }
    %scan3A_18 = arith.constant 20 : i32
    "tpu.region"() ({
      %run_scoped3A = tpu.sem_alloc : memref<!tpu.dma_semaphore, #tpu.memory_space<semaphore_mem>>
      %dma_start3A_38 = arith.constant 40 : i32
      %dma_start3A_39 = arith.constant 0 : i32
      %dma_start3A_40 = tpu.memref_slice %arg3[%add3A, %dma_start3A_38, %dma_start3A_39] : memref<32x80x125xi32, #tpu.memory_space<hbm>> -> memref<1x40x125xi32, #tpu.memory_space<hbm>>
      %dma_start3A_41 = tpu.memref_squeeze %dma_start3A_40 : memref<1x40x125xi32, #tpu.memory_space<hbm>> -> memref<40x125xi32, #tpu.memory_space<hbm>>
      %dma_start3A_42 = arith.constant 40 : i32
      %dma_start3A_43 = arith.constant 0 : i32
      %dma_start3A_44 = tpu.memref_slice %arg3[%add3A, %dma_start3A_42, %dma_start3A_43] : memref<32x80x125xi32, #tpu.memory_space<hbm>> -> memref<1x40x125xi32, #tpu.memory_space<hbm>>
      %dma_start3A_45 = tpu.memref_squeeze %dma_start3A_44 : memref<1x40x125xi32, #tpu.memory_space<hbm>> -> memref<40x125xi32, #tpu.memory_space<hbm>>
      tpu.enqueue_dma source(%dma_start3A_45 : memref<40x125xi32, #tpu.memory_space<hbm>>) target(%arg6 : memref<40x125xi32, #tpu.memory_space<vmem>>) target_semaphore(%run_scoped3A : memref<!tpu.dma_semaphore, #tpu.memory_space<semaphore_mem>>)
      %dma_wait3A = arith.constant 40 : i32
      %dma_wait3A_46 = arith.constant 0 : i32
      %dma_wait3A_47 = tpu.memref_slice %arg3[%add3A, %dma_wait3A, %dma_wait3A_46] : memref<32x80x125xi32, #tpu.memory_space<hbm>> -> memref<1x40x125xi32, #tpu.memory_space<hbm>>
      %dma_wait3A_48 = tpu.memref_squeeze %dma_wait3A_47 : memref<1x40x125xi32, #tpu.memory_space<hbm>> -> memref<40x125xi32, #tpu.memory_space<hbm>>
      %dma_wait3A_49 = arith.constant 40 : i32
      %dma_wait3A_50 = arith.constant 0 : i32
      %dma_wait3A_51 = tpu.memref_slice %arg3[%add3A, %dma_wait3A_49, %dma_wait3A_50] : memref<32x80x125xi32, #tpu.memory_space<hbm>> -> memref<1x40x125xi32, #tpu.memory_space<hbm>>
      %dma_wait3A_52 = tpu.memref_squeeze %dma_wait3A_51 : memref<1x40x125xi32, #tpu.memory_space<hbm>> -> memref<40x125xi32, #tpu.memory_space<hbm>>
      tpu.wait_dma2 semaphore(%run_scoped3A : memref<!tpu.dma_semaphore, #tpu.memory_space<semaphore_mem>>) src(%dma_wait3A_52 : memref<40x125xi32, #tpu.memory_space<hbm>>) dst(%arg6 : memref<40x125xi32, #tpu.memory_space<vmem>>)
      tpu.yield
    }) : () -> ()
    "tpu.region"() ({
      %run_scoped3A = tpu.sem_alloc : memref<!tpu.dma_semaphore, #tpu.memory_space<semaphore_mem>>
      %dma_start3A_38 = arith.constant 40 : i32
      %dma_start3A_39 = arith.constant 0 : i32
      %dma_start3A_40 = tpu.memref_slice %arg4[%add3A, %dma_start3A_38, %dma_start3A_39] : memref<32x80x125xi32, #tpu.memory_space<hbm>> -> memref<1x40x125xi32, #tpu.memory_space<hbm>>
      %dma_start3A_41 = tpu.memref_squeeze %dma_start3A_40 : memref<1x40x125xi32, #tpu.memory_space<hbm>> -> memref<40x125xi32, #tpu.memory_space<hbm>>
      %dma_start3A_42 = arith.constant 40 : i32
      %dma_start3A_43 = arith.constant 0 : i32
      %dma_start3A_44 = tpu.memref_slice %arg4[%add3A, %dma_start3A_42, %dma_start3A_43] : memref<32x80x125xi32, #tpu.memory_space<hbm>> -> memref<1x40x125xi32, #tpu.memory_space<hbm>>
      %dma_start3A_45 = tpu.memref_squeeze %dma_start3A_44 : memref<1x40x125xi32, #tpu.memory_space<hbm>> -> memref<40x125xi32, #tpu.memory_space<hbm>>
      tpu.enqueue_dma source(%dma_start3A_45 : memref<40x125xi32, #tpu.memory_space<hbm>>) target(%arg7 : memref<40x125xi32, #tpu.memory_space<vmem>>) target_semaphore(%run_scoped3A : memref<!tpu.dma_semaphore, #tpu.memory_space<semaphore_mem>>)
      %dma_wait3A = arith.constant 40 : i32
      %dma_wait3A_46 = arith.constant 0 : i32
      %dma_wait3A_47 = tpu.memref_slice %arg4[%add3A, %dma_wait3A, %dma_wait3A_46] : memref<32x80x125xi32, #tpu.memory_space<hbm>> -> memref<1x40x125xi32, #tpu.memory_space<hbm>>
      %dma_wait3A_48 = tpu.memref_squeeze %dma_wait3A_47 : memref<1x40x125xi32, #tpu.memory_space<hbm>> -> memref<40x125xi32, #tpu.memory_space<hbm>>
      %dma_wait3A_49 = arith.constant 40 : i32
      %dma_wait3A_50 = arith.constant 0 : i32
      %dma_wait3A_51 = tpu.memref_slice %arg4[%add3A, %dma_wait3A_49, %dma_wait3A_50] : memref<32x80x125xi32, #tpu.memory_space<hbm>> -> memref<1x40x125xi32, #tpu.memory_space<hbm>>
      %dma_wait3A_52 = tpu.memref_squeeze %dma_wait3A_51 : memref<1x40x125xi32, #tpu.memory_space<hbm>> -> memref<40x125xi32, #tpu.memory_space<hbm>>
      tpu.wait_dma2 semaphore(%run_scoped3A : memref<!tpu.dma_semaphore, #tpu.memory_space<semaphore_mem>>) src(%dma_wait3A_52 : memref<40x125xi32, #tpu.memory_space<hbm>>) dst(%arg7 : memref<40x125xi32, #tpu.memory_space<vmem>>)
      tpu.yield
    }) : () -> ()
    %dma_start3A_19 = arith.constant 0 : i32
    %dma_start3A_20 = arith.constant 0 : i32
    %dma_start3A_21 = tpu.memref_slice %arg6[%dma_start3A_19, %dma_start3A_20] : memref<40x125xi32, #tpu.memory_space<vmem>> -> memref<1x125xi32, #tpu.memory_space<vmem>>
    %dma_start3A_22 = tpu.memref_squeeze %dma_start3A_21 : memref<1x125xi32, #tpu.memory_space<vmem>> -> memref<125xi32, #tpu.memory_space<vmem>>
    %dma_start3A_23 = arith.constant 0 : i32
    %dma_start3A_24 = arith.constant 0 : i32
    %dma_start3A_25 = tpu.memref_slice %arg2[%dma_start3A_23, %dma_start3A_24] : memref<10240x128xf32, #tpu.memory_space<hbm>> -> memref<10240x128xf32, #tpu.memory_space<hbm>>
    tpu.enqueue_indirect_dma source(%dma_start3A_25 : memref<10240x128xf32, #tpu.memory_space<hbm>>) target(%arg8 : memref<125x128xf32, #tpu.memory_space<vmem>>) offsets(%dma_start3A_22 : memref<125xi32, #tpu.memory_space<vmem>>) semaphore(%arg12 : memref<!tpu.dma_semaphore, #tpu.memory_space<semaphore_mem>>)
    %scan3A_26 = arith.constant 0 : i32
    %scan3A_27 = arith.constant 0 : i32
    %scan3A_28 = arith.constant 20 : i32
    %scan3A_29 = arith.addi %scan3A_27, %scan3A_28 : i32
    %scan3A_30 = arith.constant 1 : i32
    %scan3A_31 = scf.for %scan3A_38 = %scan3A_27 to %scan3A_29 step %scan3A_30 iter_args(%scan3A_39 = %scan3A_26) -> (i32)  : i32 {
      %mul3A_40 = arith.constant 2 : i32
      %mul3A_41 = arith.muli %mul3A_40, %scan3A_38 : i32
      %mul3A_42 = arith.constant 2 : i32
      %mul3A_43 = arith.muli %mul3A_42, %scan3A_38 : i32
      %add3A_44 = arith.constant 1 : i32
      %add3A_45 = arith.addi %mul3A_43, %add3A_44 : i32
      %dma_wait3A = arith.constant 0 : i32
      %dma_wait3A_46 = tpu.memref_slice %arg6[%mul3A_41, %dma_wait3A] : memref<40x125xi32, #tpu.memory_space<vmem>> -> memref<1x125xi32, #tpu.memory_space<vmem>>
      %dma_wait3A_47 = tpu.memref_squeeze %dma_wait3A_46 : memref<1x125xi32, #tpu.memory_space<vmem>> -> memref<125xi32, #tpu.memory_space<vmem>>
      %dma_wait3A_48 = arith.constant 0 : i32
      %dma_wait3A_49 = arith.constant 0 : i32
      %dma_wait3A_50 = tpu.memref_slice %arg2[%dma_wait3A_48, %dma_wait3A_49] : memref<10240x128xf32, #tpu.memory_space<hbm>> -> memref<10240x128xf32, #tpu.memory_space<hbm>>
      tpu.wait_indirect_dma semaphore(%arg12 : memref<!tpu.dma_semaphore, #tpu.memory_space<semaphore_mem>>) src(%dma_wait3A_50 : memref<10240x128xf32, #tpu.memory_space<hbm>>) dst(%arg8 : memref<125x128xf32, #tpu.memory_space<vmem>>)
      %dma_start3A_51 = arith.constant 0 : i32
      %dma_start3A_52 = tpu.memref_slice %arg6[%add3A_45, %dma_start3A_51] : memref<40x125xi32, #tpu.memory_space<vmem>> -> memref<1x125xi32, #tpu.memory_space<vmem>>
      %dma_start3A_53 = tpu.memref_squeeze %dma_start3A_52 : memref<1x125xi32, #tpu.memory_space<vmem>> -> memref<125xi32, #tpu.memory_space<vmem>>
      %dma_start3A_54 = arith.constant 0 : i32
      %dma_start3A_55 = arith.constant 0 : i32
      %dma_start3A_56 = tpu.memref_slice %arg2[%dma_start3A_54, %dma_start3A_55] : memref<10240x128xf32, #tpu.memory_space<hbm>> -> memref<10240x128xf32, #tpu.memory_space<hbm>>
      tpu.enqueue_indirect_dma source(%dma_start3A_56 : memref<10240x128xf32, #tpu.memory_space<hbm>>) target(%arg9 : memref<125x128xf32, #tpu.memory_space<vmem>>) offsets(%dma_start3A_53 : memref<125xi32, #tpu.memory_space<vmem>>) semaphore(%arg13 : memref<!tpu.dma_semaphore, #tpu.memory_space<semaphore_mem>>)
      "tpu.region"() ({
        %run_scoped3A = tpu.sem_alloc : memref<!tpu.dma_semaphore, #tpu.memory_space<semaphore_mem>>
        %dma_start3A_68 = arith.constant 0 : i32
        %dma_start3A_69 = tpu.memref_slice %arg7[%mul3A_41, %dma_start3A_68] : memref<40x125xi32, #tpu.memory_space<vmem>> -> memref<1x125xi32, #tpu.memory_space<vmem>>
        %dma_start3A_70 = tpu.memref_squeeze %dma_start3A_69 : memref<1x125xi32, #tpu.memory_space<vmem>> -> memref<125xi32, #tpu.memory_space<vmem>>
        %dma_start3A_71 = arith.constant 0 : i32
        %dma_start3A_72 = arith.constant 0 : i32
        %dma_start3A_73 = tpu.memref_slice %arg11[%dma_start3A_71, %dma_start3A_72] : memref<10240x128xf32, #tpu.memory_space<vmem_shared>> -> memref<10240x128xf32, #tpu.memory_space<vmem_shared>>
        tpu.enqueue_indirect_dma source(%arg8 : memref<125x128xf32, #tpu.memory_space<vmem>>) target(%dma_start3A_73 : memref<10240x128xf32, #tpu.memory_space<vmem_shared>>) offsets(%dma_start3A_70 : memref<125xi32, #tpu.memory_space<vmem>>) semaphore(%run_scoped3A : memref<!tpu.dma_semaphore, #tpu.memory_space<semaphore_mem>>) {add = true}
        %dma_wait3A_74 = arith.constant 0 : i32
        %dma_wait3A_75 = tpu.memref_slice %arg7[%mul3A_41, %dma_wait3A_74] : memref<40x125xi32, #tpu.memory_space<vmem>> -> memref<1x125xi32, #tpu.memory_space<vmem>>
        %dma_wait3A_76 = tpu.memref_squeeze %dma_wait3A_75 : memref<1x125xi32, #tpu.memory_space<vmem>> -> memref<125xi32, #tpu.memory_space<vmem>>
        %dma_wait3A_77 = arith.constant 0 : i32
        %dma_wait3A_78 = arith.constant 0 : i32
        %dma_wait3A_79 = tpu.memref_slice %arg11[%dma_wait3A_77, %dma_wait3A_78] : memref<10240x128xf32, #tpu.memory_space<vmem_shared>> -> memref<10240x128xf32, #tpu.memory_space<vmem_shared>>
        tpu.wait_indirect_dma semaphore(%run_scoped3A : memref<!tpu.dma_semaphore, #tpu.memory_space<semaphore_mem>>) src(%arg8 : memref<125x128xf32, #tpu.memory_space<vmem>>) dst(%dma_wait3A_79 : memref<10240x128xf32, #tpu.memory_space<vmem_shared>>)
        tpu.yield
      }) : () -> ()
      %dma_wait3A_57 = arith.constant 0 : i32
      %dma_wait3A_58 = tpu.memref_slice %arg6[%add3A_45, %dma_wait3A_57] : memref<40x125xi32, #tpu.memory_space<vmem>> -> memref<1x125xi32, #tpu.memory_space<vmem>>
      %dma_wait3A_59 = tpu.memref_squeeze %dma_wait3A_58 : memref<1x125xi32, #tpu.memory_space<vmem>> -> memref<125xi32, #tpu.memory_space<vmem>>
      %dma_wait3A_60 = arith.constant 0 : i32
      %dma_wait3A_61 = arith.constant 0 : i32
      %dma_wait3A_62 = tpu.memref_slice %arg2[%dma_wait3A_60, %dma_wait3A_61] : memref<10240x128xf32, #tpu.memory_space<hbm>> -> memref<10240x128xf32, #tpu.memory_space<hbm>>
      tpu.wait_indirect_dma semaphore(%arg13 : memref<!tpu.dma_semaphore, #tpu.memory_space<semaphore_mem>>) src(%dma_wait3A_62 : memref<10240x128xf32, #tpu.memory_space<hbm>>) dst(%arg9 : memref<125x128xf32, #tpu.memory_space<vmem>>)
      %lt3A = arith.constant 19 : i32
      %lt3A_63 = arith.cmpi slt, %scan3A_38, %lt3A : i32
      %convert_element_type3A_64 = arith.extui %lt3A_63 : i1 to i32
      %cond3A_65 = arith.constant 0 : i32
      %cond3A_66 = arith.cmpi ne, %convert_element_type3A_64, %cond3A_65 : i32
      scf.if %cond3A_66 {
        %add3A_68 = arith.constant 2 : i32
        %add3A_69 = arith.addi %mul3A_41, %add3A_68 : i32
        %dma_start3A_70 = arith.constant 0 : i32
        %dma_start3A_71 = tpu.memref_slice %arg6[%add3A_69, %dma_start3A_70] : memref<40x125xi32, #tpu.memory_space<vmem>> -> memref<1x125xi32, #tpu.memory_space<vmem>>
        %dma_start3A_72 = tpu.memref_squeeze %dma_start3A_71 : memref<1x125xi32, #tpu.memory_space<vmem>> -> memref<125xi32, #tpu.memory_space<vmem>>
        %dma_start3A_73 = arith.constant 0 : i32
        %dma_start3A_74 = arith.constant 0 : i32
        %dma_start3A_75 = tpu.memref_slice %arg2[%dma_start3A_73, %dma_start3A_74] : memref<10240x128xf32, #tpu.memory_space<hbm>> -> memref<10240x128xf32, #tpu.memory_space<hbm>>
        tpu.enqueue_indirect_dma source(%dma_start3A_75 : memref<10240x128xf32, #tpu.memory_space<hbm>>) target(%arg8 : memref<125x128xf32, #tpu.memory_space<vmem>>) offsets(%dma_start3A_72 : memref<125xi32, #tpu.memory_space<vmem>>) semaphore(%arg12 : memref<!tpu.dma_semaphore, #tpu.memory_space<semaphore_mem>>)
      } else {
      }
      "tpu.region"() ({
        %run_scoped3A = tpu.sem_alloc : memref<!tpu.dma_semaphore, #tpu.memory_space<semaphore_mem>>
        %dma_start3A_68 = arith.constant 0 : i32
        %dma_start3A_69 = tpu.memref_slice %arg7[%add3A_45, %dma_start3A_68] : memref<40x125xi32, #tpu.memory_space<vmem>> -> memref<1x125xi32, #tpu.memory_space<vmem>>
        %dma_start3A_70 = tpu.memref_squeeze %dma_start3A_69 : memref<1x125xi32, #tpu.memory_space<vmem>> -> memref<125xi32, #tpu.memory_space<vmem>>
        %dma_start3A_71 = arith.constant 0 : i32
        %dma_start3A_72 = arith.constant 0 : i32
        %dma_start3A_73 = tpu.memref_slice %arg11[%dma_start3A_71, %dma_start3A_72] : memref<10240x128xf32, #tpu.memory_space<vmem_shared>> -> memref<10240x128xf32, #tpu.memory_space<vmem_shared>>
        tpu.enqueue_indirect_dma source(%arg9 : memref<125x128xf32, #tpu.memory_space<vmem>>) target(%dma_start3A_73 : memref<10240x128xf32, #tpu.memory_space<vmem_shared>>) offsets(%dma_start3A_70 : memref<125xi32, #tpu.memory_space<vmem>>) semaphore(%run_scoped3A : memref<!tpu.dma_semaphore, #tpu.memory_space<semaphore_mem>>) {add = true}
        %dma_wait3A_74 = arith.constant 0 : i32
        %dma_wait3A_75 = tpu.memref_slice %arg7[%add3A_45, %dma_wait3A_74] : memref<40x125xi32, #tpu.memory_space<vmem>> -> memref<1x125xi32, #tpu.memory_space<vmem>>
        %dma_wait3A_76 = tpu.memref_squeeze %dma_wait3A_75 : memref<1x125xi32, #tpu.memory_space<vmem>> -> memref<125xi32, #tpu.memory_space<vmem>>
        %dma_wait3A_77 = arith.constant 0 : i32
        %dma_wait3A_78 = arith.constant 0 : i32
        %dma_wait3A_79 = tpu.memref_slice %arg11[%dma_wait3A_77, %dma_wait3A_78] : memref<10240x128xf32, #tpu.memory_space<vmem_shared>> -> memref<10240x128xf32, #tpu.memory_space<vmem_shared>>
        tpu.wait_indirect_dma semaphore(%run_scoped3A : memref<!tpu.dma_semaphore, #tpu.memory_space<semaphore_mem>>) src(%arg9 : memref<125x128xf32, #tpu.memory_space<vmem>>) dst(%dma_wait3A_79 : memref<10240x128xf32, #tpu.memory_space<vmem_shared>>)
        tpu.yield
      }) : () -> ()
      %scan3A_67 = arith.constant 0 : i32
      scf.yield %scan3A_67 : i32
    }
    %scan3A_32 = arith.constant 20 : i32
    %barrier3A_33 = arith.constant 0 : index
    tpu.barrier barrier_id(%barrier3A_33)
    %mul3A_34 = arith.constant 640 : i32
    %mul3A_35 = arith.muli %arg1, %mul3A_34 : i32
    %mul3A_36 = arith.constant 640 : i32
    %mul3A_37 = arith.muli %arg1, %mul3A_36 : i32
    "tpu.region"() ({
      %run_scoped3A = tpu.sem_alloc : memref<!tpu.dma_semaphore, #tpu.memory_space<semaphore_mem>>
      %dma_start3A_38 = arith.constant 0 : i32
      %dma_start3A_39 = tpu.memref_slice %arg5[%arg0, %mul3A_37, %dma_start3A_38] : memref<2x10240x128xf32, #tpu.memory_space<hbm>> -> memref<1x640x128xf32, #tpu.memory_space<hbm>>
      %dma_start3A_40 = tpu.memref_squeeze %dma_start3A_39 : memref<1x640x128xf32, #tpu.memory_space<hbm>> -> memref<640x128xf32, #tpu.memory_space<hbm>>
      %dma_start3A_41 = arith.constant 0 : i32
      %dma_start3A_42 = tpu.memref_slice %arg11[%mul3A_35, %dma_start3A_41] : memref<10240x128xf32, #tpu.memory_space<vmem_shared>> -> memref<640x128xf32, #tpu.memory_space<vmem_shared>>
      tpu.enqueue_dma source(%dma_start3A_42 : memref<640x128xf32, #tpu.memory_space<vmem_shared>>) target(%dma_start3A_40 : memref<640x128xf32, #tpu.memory_space<hbm>>) target_semaphore(%run_scoped3A : memref<!tpu.dma_semaphore, #tpu.memory_space<semaphore_mem>>)
      %dma_wait3A = arith.constant 0 : i32
      %dma_wait3A_43 = tpu.memref_slice %arg5[%arg0, %mul3A_37, %dma_wait3A] : memref<2x10240x128xf32, #tpu.memory_space<hbm>> -> memref<1x640x128xf32, #tpu.memory_space<hbm>>
      %dma_wait3A_44 = tpu.memref_squeeze %dma_wait3A_43 : memref<1x640x128xf32, #tpu.memory_space<hbm>> -> memref<640x128xf32, #tpu.memory_space<hbm>>
      %dma_wait3A_45 = arith.constant 0 : i32
      %dma_wait3A_46 = tpu.memref_slice %arg11[%mul3A_35, %dma_wait3A_45] : memref<10240x128xf32, #tpu.memory_space<vmem_shared>> -> memref<640x128xf32, #tpu.memory_space<vmem_shared>>
      tpu.wait_dma2 semaphore(%run_scoped3A : memref<!tpu.dma_semaphore, #tpu.memory_space<semaphore_mem>>) src(%dma_wait3A_46 : memref<640x128xf32, #tpu.memory_space<vmem_shared>>) dst(%dma_wait3A_44 : memref<640x128xf32, #tpu.memory_space<hbm>>)
      tpu.yield
    }) : () -> ()
    return
  }
}

#map = affine_map<(d0, d1) -> (0, 0, 0)>
#map1 = affine_map<(d0, d1) -> (0, 0)>
module attributes {stable_mosaic.version = 14 : i64} {
  func.func @_deg_kernel(%arg0: i32, %arg1: i32, %arg2: memref<32x625x16xi32, #tpu.memory_space<hbm>>, %arg3: memref<2x10240xf32, #tpu.memory_space<hbm>>, %arg4: memref<625x16xi32, #tpu.memory_space<vmem>>, %arg5: memref<10240xf32, #tpu.memory_space<vmem>>, %arg6: memref<16x640xf32, #tpu.memory_space<vmem>>, %arg7: memref<16x10240xf32, #tpu.memory_space<vmem_shared>>) attributes {dimension_semantics = [#tpu.dimension_semantics<core_parallel>, #tpu.dimension_semantics<subcore_parallel>], iteration_bounds = array<i64: 2, 16>, scalar_prefetch = 0 : i64, scratch_operands = 4 : i64, tpu.core_type = #tpu.core_type<sc_vector_subcore>, window_params = [{transform_indices = #map}, {transform_indices = #map1}]} {
    %mul3A = arith.constant 2 : i32
    %mul3A_0 = arith.muli %arg1, %mul3A : i32
    %add3A = arith.addi %mul3A_0, %arg0 : i32
    "tpu.region"() ({
      %run_scoped3A_89 = tpu.sem_alloc : memref<!tpu.dma_semaphore, #tpu.memory_space<semaphore_mem>>
      %dma_start3A = arith.constant 0 : i32
      %dma_start3A_90 = arith.constant 0 : i32
      %dma_start3A_91 = tpu.memref_slice %arg2[%add3A, %dma_start3A, %dma_start3A_90] : memref<32x625x16xi32, #tpu.memory_space<hbm>> -> memref<1x625x16xi32, #tpu.memory_space<hbm>>
      %dma_start3A_92 = tpu.memref_squeeze %dma_start3A_91 : memref<1x625x16xi32, #tpu.memory_space<hbm>> -> memref<625x16xi32, #tpu.memory_space<hbm>>
      %dma_start3A_93 = arith.constant 0 : i32
      %dma_start3A_94 = arith.constant 0 : i32
      %dma_start3A_95 = tpu.memref_slice %arg2[%add3A, %dma_start3A_93, %dma_start3A_94] : memref<32x625x16xi32, #tpu.memory_space<hbm>> -> memref<1x625x16xi32, #tpu.memory_space<hbm>>
      %dma_start3A_96 = tpu.memref_squeeze %dma_start3A_95 : memref<1x625x16xi32, #tpu.memory_space<hbm>> -> memref<625x16xi32, #tpu.memory_space<hbm>>
      tpu.enqueue_dma source(%dma_start3A_96 : memref<625x16xi32, #tpu.memory_space<hbm>>) target(%arg4 : memref<625x16xi32, #tpu.memory_space<vmem>>) target_semaphore(%run_scoped3A_89 : memref<!tpu.dma_semaphore, #tpu.memory_space<semaphore_mem>>)
      %dma_wait3A = arith.constant 0 : i32
      %dma_wait3A_97 = arith.constant 0 : i32
      %dma_wait3A_98 = tpu.memref_slice %arg2[%add3A, %dma_wait3A, %dma_wait3A_97] : memref<32x625x16xi32, #tpu.memory_space<hbm>> -> memref<1x625x16xi32, #tpu.memory_space<hbm>>
      %dma_wait3A_99 = tpu.memref_squeeze %dma_wait3A_98 : memref<1x625x16xi32, #tpu.memory_space<hbm>> -> memref<625x16xi32, #tpu.memory_space<hbm>>
      %dma_wait3A_100 = arith.constant 0 : i32
      %dma_wait3A_101 = arith.constant 0 : i32
      %dma_wait3A_102 = tpu.memref_slice %arg2[%add3A, %dma_wait3A_100, %dma_wait3A_101] : memref<32x625x16xi32, #tpu.memory_space<hbm>> -> memref<1x625x16xi32, #tpu.memory_space<hbm>>
      %dma_wait3A_103 = tpu.memref_squeeze %dma_wait3A_102 : memref<1x625x16xi32, #tpu.memory_space<hbm>> -> memref<625x16xi32, #tpu.memory_space<hbm>>
      tpu.wait_dma2 semaphore(%run_scoped3A_89 : memref<!tpu.dma_semaphore, #tpu.memory_space<semaphore_mem>>) src(%dma_wait3A_103 : memref<625x16xi32, #tpu.memory_space<hbm>>) dst(%arg4 : memref<625x16xi32, #tpu.memory_space<vmem>>)
      tpu.yield
    }) : () -> ()
    %broadcast_in_dim3A = arith.constant 0.000000e+00 : f32
    %broadcast_in_dim3A_1 = vector.broadcast %broadcast_in_dim3A : f32 to vector<16xf32>
    %scan3A = arith.constant 0 : i32
    %scan3A_2 = arith.constant 0 : i32
    %scan3A_3 = arith.constant 640 : i32
    %scan3A_4 = arith.addi %scan3A_2, %scan3A_3 : i32
    %scan3A_5 = arith.constant 1 : i32
    %scan3A_6 = scf.for %scan3A_89 = %scan3A_2 to %scan3A_4 step %scan3A_5 iter_args(%scan3A_90 = %scan3A) -> (i32)  : i32 {
      %mul3A_91 = arith.constant 16 : i32
      %mul3A_92 = arith.muli %scan3A_89, %mul3A_91 : i32
      %swap3A = arith.index_cast %mul3A_92 : i32 to index
      %swap3A_93 = tpu.vector_load %arg5[%swap3A] {strides = array<i32>} : memref<10240xf32, #tpu.memory_space<vmem>>, vector<16xf32>,
      tpu.vector_store %arg5[%swap3A], %broadcast_in_dim3A_1 {strides = array<i32>} : memref<10240xf32, #tpu.memory_space<vmem>>, vector<16xf32>,
      %scan3A_94 = arith.constant 0 : i32
      scf.yield %scan3A_94 : i32
    }
    %scan3A_7 = arith.constant 640 : i32
    %broadcast_in_dim3A_8 = arith.constant 1.000000e+00 : f32
    %broadcast_in_dim3A_9 = vector.broadcast %broadcast_in_dim3A_8 : f32 to vector<16xf32>
    %scan3A_10 = arith.constant 0 : i32
    %scan3A_11 = arith.constant 0 : i32
    %scan3A_12 = arith.constant 625 : i32
    %scan3A_13 = arith.addi %scan3A_11, %scan3A_12 : i32
    %scan3A_14 = arith.constant 1 : i32
    %scan3A_15 = scf.for %scan3A_89 = %scan3A_11 to %scan3A_13 step %scan3A_14 iter_args(%scan3A_90 = %scan3A_10) -> (i32)  : i32 {
      %get3A = arith.index_cast %scan3A_89 : i32 to index
      %get3A_91 = arith.constant 0 : index
      %get3A_92 = tpu.vector_load %arg4[%get3A, %get3A_91] {strides = array<i32>} : memref<625x16xi32, #tpu.memory_space<vmem>>, vector<16xi32>,
      tpu.vector_store_idx %arg5[%get3A_92], %broadcast_in_dim3A_9 {add = true} : memref<10240xf32, #tpu.memory_space<vmem>>[vector<16xi32>], vector<16xf32>,
      %scan3A_93 = arith.constant 0 : i32
      scf.yield %scan3A_93 : i32
    }
    %scan3A_16 = arith.constant 625 : i32
    "tpu.region"() ({
      %run_scoped3A_89 = tpu.sem_alloc : memref<!tpu.dma_semaphore, #tpu.memory_space<semaphore_mem>>
      %dma_start3A = arith.constant 0 : i32
      %dma_start3A_90 = tpu.memref_slice %arg7[%arg1, %dma_start3A] : memref<16x10240xf32, #tpu.memory_space<vmem_shared>> -> memref<1x10240xf32, #tpu.memory_space<vmem_shared>>
      %dma_start3A_91 = tpu.memref_squeeze %dma_start3A_90 : memref<1x10240xf32, #tpu.memory_space<vmem_shared>> -> memref<10240xf32, #tpu.memory_space<vmem_shared>>
      %dma_start3A_92 = arith.constant 0 : i32
      %dma_start3A_93 = tpu.memref_slice %arg7[%arg1, %dma_start3A_92] : memref<16x10240xf32, #tpu.memory_space<vmem_shared>> -> memref<1x10240xf32, #tpu.memory_space<vmem_shared>>
      %dma_start3A_94 = tpu.memref_squeeze %dma_start3A_93 : memref<1x10240xf32, #tpu.memory_space<vmem_shared>> -> memref<10240xf32, #tpu.memory_space<vmem_shared>>
      tpu.enqueue_dma source(%arg5 : memref<10240xf32, #tpu.memory_space<vmem>>) target(%dma_start3A_94 : memref<10240xf32, #tpu.memory_space<vmem_shared>>) target_semaphore(%run_scoped3A_89 : memref<!tpu.dma_semaphore, #tpu.memory_space<semaphore_mem>>)
      %dma_wait3A = arith.constant 0 : i32
      %dma_wait3A_95 = tpu.memref_slice %arg7[%arg1, %dma_wait3A] : memref<16x10240xf32, #tpu.memory_space<vmem_shared>> -> memref<1x10240xf32, #tpu.memory_space<vmem_shared>>
      %dma_wait3A_96 = tpu.memref_squeeze %dma_wait3A_95 : memref<1x10240xf32, #tpu.memory_space<vmem_shared>> -> memref<10240xf32, #tpu.memory_space<vmem_shared>>
      %dma_wait3A_97 = arith.constant 0 : i32
      %dma_wait3A_98 = tpu.memref_slice %arg7[%arg1, %dma_wait3A_97] : memref<16x10240xf32, #tpu.memory_space<vmem_shared>> -> memref<1x10240xf32, #tpu.memory_space<vmem_shared>>
      %dma_wait3A_99 = tpu.memref_squeeze %dma_wait3A_98 : memref<1x10240xf32, #tpu.memory_space<vmem_shared>> -> memref<10240xf32, #tpu.memory_space<vmem_shared>>
      tpu.wait_dma2 semaphore(%run_scoped3A_89 : memref<!tpu.dma_semaphore, #tpu.memory_space<semaphore_mem>>) src(%arg5 : memref<10240xf32, #tpu.memory_space<vmem>>) dst(%dma_wait3A_99 : memref<10240xf32, #tpu.memory_space<vmem_shared>>)
      tpu.yield
    }) : () -> ()
    %barrier3A = arith.constant 0 : index
    tpu.barrier barrier_id(%barrier3A)
    %mul3A_17 = arith.constant 640 : i32
    %mul3A_18 = arith.muli %arg1, %mul3A_17 : i32
    %run_scoped3A = arith.constant 0 : i32
    %run_scoped3A_19 = arith.constant 0 : i32
    "tpu.region"() ({
      %run_scoped3A_89 = tpu.sem_alloc : memref<!tpu.dma_semaphore, #tpu.memory_space<semaphore_mem>>
      %dma_start3A = arith.constant 0 : i32
      %dma_start3A_90 = tpu.memref_slice %arg6[%run_scoped3A_19, %dma_start3A] : memref<16x640xf32, #tpu.memory_space<vmem>> -> memref<1x640xf32, #tpu.memory_space<vmem>>
      %dma_start3A_91 = tpu.memref_squeeze %dma_start3A_90 : memref<1x640xf32, #tpu.memory_space<vmem>> -> memref<640xf32, #tpu.memory_space<vmem>>
      %dma_start3A_92 = tpu.memref_slice %arg7[%run_scoped3A, %mul3A_18] : memref<16x10240xf32, #tpu.memory_space<vmem_shared>> -> memref<1x640xf32, #tpu.memory_space<vmem_shared>>
      %dma_start3A_93 = tpu.memref_squeeze %dma_start3A_92 : memref<1x640xf32, #tpu.memory_space<vmem_shared>> -> memref<640xf32, #tpu.memory_space<vmem_shared>>
      %dma_start3A_94 = arith.constant 0 : i32
      %dma_start3A_95 = tpu.memref_slice %arg6[%run_scoped3A_19, %dma_start3A_94] : memref<16x640xf32, #tpu.memory_space<vmem>> -> memref<1x640xf32, #tpu.memory_space<vmem>>
      %dma_start3A_96 = tpu.memref_squeeze %dma_start3A_95 : memref<1x640xf32, #tpu.memory_space<vmem>> -> memref<640xf32, #tpu.memory_space<vmem>>
      %dma_start3A_97 = tpu.memref_slice %arg7[%run_scoped3A, %mul3A_18] : memref<16x10240xf32, #tpu.memory_space<vmem_shared>> -> memref<1x640xf32, #tpu.memory_space<vmem_shared>>
      %dma_start3A_98 = tpu.memref_squeeze %dma_start3A_97 : memref<1x640xf32, #tpu.memory_space<vmem_shared>> -> memref<640xf32, #tpu.memory_space<vmem_shared>>
      tpu.enqueue_dma source(%dma_start3A_98 : memref<640xf32, #tpu.memory_space<vmem_shared>>) target(%dma_start3A_96 : memref<640xf32, #tpu.memory_space<vmem>>) target_semaphore(%run_scoped3A_89 : memref<!tpu.dma_semaphore, #tpu.memory_space<semaphore_mem>>)
      %dma_wait3A = arith.constant 0 : i32
      %dma_wait3A_99 = tpu.memref_slice %arg6[%run_scoped3A_19, %dma_wait3A] : memref<16x640xf32, #tpu.memory_space<vmem>> -> memref<1x640xf32, #tpu.memory_space<vmem>>
      %dma_wait3A_100 = tpu.memref_squeeze %dma_wait3A_99 : memref<1x640xf32, #tpu.memory_space<vmem>> -> memref<640xf32, #tpu.memory_space<vmem>>
      %dma_wait3A_101 = tpu.memref_slice %arg7[%run_scoped3A, %mul3A_18] : memref<16x10240xf32, #tpu.memory_space<vmem_shared>> -> memref<1x640xf32, #tpu.memory_space<vmem_shared>>
      %dma_wait3A_102 = tpu.memref_squeeze %dma_wait3A_101 : memref<1x640xf32, #tpu.memory_space<vmem_shared>> -> memref<640xf32, #tpu.memory_space<vmem_shared>>
      %dma_wait3A_103 = arith.constant 0 : i32
      %dma_wait3A_104 = tpu.memref_slice %arg6[%run_scoped3A_19, %dma_wait3A_103] : memref<16x640xf32, #tpu.memory_space<vmem>> -> memref<1x640xf32, #tpu.memory_space<vmem>>
      %dma_wait3A_105 = tpu.memref_squeeze %dma_wait3A_104 : memref<1x640xf32, #tpu.memory_space<vmem>> -> memref<640xf32, #tpu.memory_space<vmem>>
      %dma_wait3A_106 = tpu.memref_slice %arg7[%run_scoped3A, %mul3A_18] : memref<16x10240xf32, #tpu.memory_space<vmem_shared>> -> memref<1x640xf32, #tpu.memory_space<vmem_shared>>
      %dma_wait3A_107 = tpu.memref_squeeze %dma_wait3A_106 : memref<1x640xf32, #tpu.memory_space<vmem_shared>> -> memref<640xf32, #tpu.memory_space<vmem_shared>>
      tpu.wait_dma2 semaphore(%run_scoped3A_89 : memref<!tpu.dma_semaphore, #tpu.memory_space<semaphore_mem>>) src(%dma_wait3A_107 : memref<640xf32, #tpu.memory_space<vmem_shared>>) dst(%dma_wait3A_105 : memref<640xf32, #tpu.memory_space<vmem>>)
      tpu.yield
    }) : () -> ()
    %mul3A_20 = arith.constant 640 : i32
    %mul3A_21 = arith.muli %arg1, %mul3A_20 : i32
    %run_scoped3A_22 = arith.constant 1 : i32
    %run_scoped3A_23 = arith.constant 1 : i32
    "tpu.region"() ({
      %run_scoped3A_89 = tpu.sem_alloc : memref<!tpu.dma_semaphore, #tpu.memory_space<semaphore_mem>>
      %dma_start3A = arith.constant 0 : i32
      %dma_start3A_90 = tpu.memref_slice %arg6[%run_scoped3A_23, %dma_start3A] : memref<16x640xf32, #tpu.memory_space<vmem>> -> memref<1x640xf32, #tpu.memory_space<vmem>>
      %dma_start3A_91 = tpu.memref_squeeze %dma_start3A_90 : memref<1x640xf32, #tpu.memory_space<vmem>> -> memref<640xf32, #tpu.memory_space<vmem>>
      %dma_start3A_92 = tpu.memref_slice %arg7[%run_scoped3A_22, %mul3A_21] : memref<16x10240xf32, #tpu.memory_space<vmem_shared>> -> memref<1x640xf32, #tpu.memory_space<vmem_shared>>
      %dma_start3A_93 = tpu.memref_squeeze %dma_start3A_92 : memref<1x640xf32, #tpu.memory_space<vmem_shared>> -> memref<640xf32, #tpu.memory_space<vmem_shared>>
      %dma_start3A_94 = arith.constant 0 : i32
      %dma_start3A_95 = tpu.memref_slice %arg6[%run_scoped3A_23, %dma_start3A_94] : memref<16x640xf32, #tpu.memory_space<vmem>> -> memref<1x640xf32, #tpu.memory_space<vmem>>
      %dma_start3A_96 = tpu.memref_squeeze %dma_start3A_95 : memref<1x640xf32, #tpu.memory_space<vmem>> -> memref<640xf32, #tpu.memory_space<vmem>>
      %dma_start3A_97 = tpu.memref_slice %arg7[%run_scoped3A_22, %mul3A_21] : memref<16x10240xf32, #tpu.memory_space<vmem_shared>> -> memref<1x640xf32, #tpu.memory_space<vmem_shared>>
      %dma_start3A_98 = tpu.memref_squeeze %dma_start3A_97 : memref<1x640xf32, #tpu.memory_space<vmem_shared>> -> memref<640xf32, #tpu.memory_space<vmem_shared>>
      tpu.enqueue_dma source(%dma_start3A_98 : memref<640xf32, #tpu.memory_space<vmem_shared>>) target(%dma_start3A_96 : memref<640xf32, #tpu.memory_space<vmem>>) target_semaphore(%run_scoped3A_89 : memref<!tpu.dma_semaphore, #tpu.memory_space<semaphore_mem>>)
      %dma_wait3A = arith.constant 0 : i32
      %dma_wait3A_99 = tpu.memref_slice %arg6[%run_scoped3A_23, %dma_wait3A] : memref<16x640xf32, #tpu.memory_space<vmem>> -> memref<1x640xf32, #tpu.memory_space<vmem>>
      %dma_wait3A_100 = tpu.memref_squeeze %dma_wait3A_99 : memref<1x640xf32, #tpu.memory_space<vmem>> -> memref<640xf32, #tpu.memory_space<vmem>>
      %dma_wait3A_101 = tpu.memref_slice %arg7[%run_scoped3A_22, %mul3A_21] : memref<16x10240xf32, #tpu.memory_space<vmem_shared>> -> memref<1x640xf32, #tpu.memory_space<vmem_shared>>
      %dma_wait3A_102 = tpu.memref_squeeze %dma_wait3A_101 : memref<1x640xf32, #tpu.memory_space<vmem_shared>> -> memref<640xf32, #tpu.memory_space<vmem_shared>>
      %dma_wait3A_103 = arith.constant 0 : i32
      %dma_wait3A_104 = tpu.memref_slice %arg6[%run_scoped3A_23, %dma_wait3A_103] : memref<16x640xf32, #tpu.memory_space<vmem>> -> memref<1x640xf32, #tpu.memory_space<vmem>>
      %dma_wait3A_105 = tpu.memref_squeeze %dma_wait3A_104 : memref<1x640xf32, #tpu.memory_space<vmem>> -> memref<640xf32, #tpu.memory_space<vmem>>
      %dma_wait3A_106 = tpu.memref_slice %arg7[%run_scoped3A_22, %mul3A_21] : memref<16x10240xf32, #tpu.memory_space<vmem_shared>> -> memref<1x640xf32, #tpu.memory_space<vmem_shared>>
      %dma_wait3A_107 = tpu.memref_squeeze %dma_wait3A_106 : memref<1x640xf32, #tpu.memory_space<vmem_shared>> -> memref<640xf32, #tpu.memory_space<vmem_shared>>
      tpu.wait_dma2 semaphore(%run_scoped3A_89 : memref<!tpu.dma_semaphore, #tpu.memory_space<semaphore_mem>>) src(%dma_wait3A_107 : memref<640xf32, #tpu.memory_space<vmem_shared>>) dst(%dma_wait3A_105 : memref<640xf32, #tpu.memory_space<vmem>>)
      tpu.yield
    }) : () -> ()
    %mul3A_24 = arith.constant 640 : i32
    %mul3A_25 = arith.muli %arg1, %mul3A_24 : i32
    %run_scoped3A_26 = arith.constant 2 : i32
    %run_scoped3A_27 = arith.constant 2 : i32
    "tpu.region"() ({
      %run_scoped3A_89 = tpu.sem_alloc : memref<!tpu.dma_semaphore, #tpu.memory_space<semaphore_mem>>
      %dma_start3A = arith.constant 0 : i32
      %dma_start3A_90 = tpu.memref_slice %arg6[%run_scoped3A_27, %dma_start3A] : memref<16x640xf32, #tpu.memory_space<vmem>> -> memref<1x640xf32, #tpu.memory_space<vmem>>
      %dma_start3A_91 = tpu.memref_squeeze %dma_start3A_90 : memref<1x640xf32, #tpu.memory_space<vmem>> -> memref<640xf32, #tpu.memory_space<vmem>>
      %dma_start3A_92 = tpu.memref_slice %arg7[%run_scoped3A_26, %mul3A_25] : memref<16x10240xf32, #tpu.memory_space<vmem_shared>> -> memref<1x640xf32, #tpu.memory_space<vmem_shared>>
      %dma_start3A_93 = tpu.memref_squeeze %dma_start3A_92 : memref<1x640xf32, #tpu.memory_space<vmem_shared>> -> memref<640xf32, #tpu.memory_space<vmem_shared>>
      %dma_start3A_94 = arith.constant 0 : i32
      %dma_start3A_95 = tpu.memref_slice %arg6[%run_scoped3A_27, %dma_start3A_94] : memref<16x640xf32, #tpu.memory_space<vmem>> -> memref<1x640xf32, #tpu.memory_space<vmem>>
      %dma_start3A_96 = tpu.memref_squeeze %dma_start3A_95 : memref<1x640xf32, #tpu.memory_space<vmem>> -> memref<640xf32, #tpu.memory_space<vmem>>
      %dma_start3A_97 = tpu.memref_slice %arg7[%run_scoped3A_26, %mul3A_25] : memref<16x10240xf32, #tpu.memory_space<vmem_shared>> -> memref<1x640xf32, #tpu.memory_space<vmem_shared>>
      %dma_start3A_98 = tpu.memref_squeeze %dma_start3A_97 : memref<1x640xf32, #tpu.memory_space<vmem_shared>> -> memref<640xf32, #tpu.memory_space<vmem_shared>>
      tpu.enqueue_dma source(%dma_start3A_98 : memref<640xf32, #tpu.memory_space<vmem_shared>>) target(%dma_start3A_96 : memref<640xf32, #tpu.memory_space<vmem>>) target_semaphore(%run_scoped3A_89 : memref<!tpu.dma_semaphore, #tpu.memory_space<semaphore_mem>>)
      %dma_wait3A = arith.constant 0 : i32
      %dma_wait3A_99 = tpu.memref_slice %arg6[%run_scoped3A_27, %dma_wait3A] : memref<16x640xf32, #tpu.memory_space<vmem>> -> memref<1x640xf32, #tpu.memory_space<vmem>>
      %dma_wait3A_100 = tpu.memref_squeeze %dma_wait3A_99 : memref<1x640xf32, #tpu.memory_space<vmem>> -> memref<640xf32, #tpu.memory_space<vmem>>
      %dma_wait3A_101 = tpu.memref_slice %arg7[%run_scoped3A_26, %mul3A_25] : memref<16x10240xf32, #tpu.memory_space<vmem_shared>> -> memref<1x640xf32, #tpu.memory_space<vmem_shared>>
      %dma_wait3A_102 = tpu.memref_squeeze %dma_wait3A_101 : memref<1x640xf32, #tpu.memory_space<vmem_shared>> -> memref<640xf32, #tpu.memory_space<vmem_shared>>
      %dma_wait3A_103 = arith.constant 0 : i32
      %dma_wait3A_104 = tpu.memref_slice %arg6[%run_scoped3A_27, %dma_wait3A_103] : memref<16x640xf32, #tpu.memory_space<vmem>> -> memref<1x640xf32, #tpu.memory_space<vmem>>
      %dma_wait3A_105 = tpu.memref_squeeze %dma_wait3A_104 : memref<1x640xf32, #tpu.memory_space<vmem>> -> memref<640xf32, #tpu.memory_space<vmem>>
      %dma_wait3A_106 = tpu.memref_slice %arg7[%run_scoped3A_26, %mul3A_25] : memref<16x10240xf32, #tpu.memory_space<vmem_shared>> -> memref<1x640xf32, #tpu.memory_space<vmem_shared>>
      %dma_wait3A_107 = tpu.memref_squeeze %dma_wait3A_106 : memref<1x640xf32, #tpu.memory_space<vmem_shared>> -> memref<640xf32, #tpu.memory_space<vmem_shared>>
      tpu.wait_dma2 semaphore(%run_scoped3A_89 : memref<!tpu.dma_semaphore, #tpu.memory_space<semaphore_mem>>) src(%dma_wait3A_107 : memref<640xf32, #tpu.memory_space<vmem_shared>>) dst(%dma_wait3A_105 : memref<640xf32, #tpu.memory_space<vmem>>)
      tpu.yield
    }) : () -> ()
    %mul3A_28 = arith.constant 640 : i32
    %mul3A_29 = arith.muli %arg1, %mul3A_28 : i32
    %run_scoped3A_30 = arith.constant 3 : i32
    %run_scoped3A_31 = arith.constant 3 : i32
    "tpu.region"() ({
      %run_scoped3A_89 = tpu.sem_alloc : memref<!tpu.dma_semaphore, #tpu.memory_space<semaphore_mem>>
      %dma_start3A = arith.constant 0 : i32
      %dma_start3A_90 = tpu.memref_slice %arg6[%run_scoped3A_31, %dma_start3A] : memref<16x640xf32, #tpu.memory_space<vmem>> -> memref<1x640xf32, #tpu.memory_space<vmem>>
      %dma_start3A_91 = tpu.memref_squeeze %dma_start3A_90 : memref<1x640xf32, #tpu.memory_space<vmem>> -> memref<640xf32, #tpu.memory_space<vmem>>
      %dma_start3A_92 = tpu.memref_slice %arg7[%run_scoped3A_30, %mul3A_29] : memref<16x10240xf32, #tpu.memory_space<vmem_shared>> -> memref<1x640xf32, #tpu.memory_space<vmem_shared>>
      %dma_start3A_93 = tpu.memref_squeeze %dma_start3A_92 : memref<1x640xf32, #tpu.memory_space<vmem_shared>> -> memref<640xf32, #tpu.memory_space<vmem_shared>>
      %dma_start3A_94 = arith.constant 0 : i32
      %dma_start3A_95 = tpu.memref_slice %arg6[%run_scoped3A_31, %dma_start3A_94] : memref<16x640xf32, #tpu.memory_space<vmem>> -> memref<1x640xf32, #tpu.memory_space<vmem>>
      %dma_start3A_96 = tpu.memref_squeeze %dma_start3A_95 : memref<1x640xf32, #tpu.memory_space<vmem>> -> memref<640xf32, #tpu.memory_space<vmem>>
      %dma_start3A_97 = tpu.memref_slice %arg7[%run_scoped3A_30, %mul3A_29] : memref<16x10240xf32, #tpu.memory_space<vmem_shared>> -> memref<1x640xf32, #tpu.memory_space<vmem_shared>>
      %dma_start3A_98 = tpu.memref_squeeze %dma_start3A_97 : memref<1x640xf32, #tpu.memory_space<vmem_shared>> -> memref<640xf32, #tpu.memory_space<vmem_shared>>
      tpu.enqueue_dma source(%dma_start3A_98 : memref<640xf32, #tpu.memory_space<vmem_shared>>) target(%dma_start3A_96 : memref<640xf32, #tpu.memory_space<vmem>>) target_semaphore(%run_scoped3A_89 : memref<!tpu.dma_semaphore, #tpu.memory_space<semaphore_mem>>)
      %dma_wait3A = arith.constant 0 : i32
      %dma_wait3A_99 = tpu.memref_slice %arg6[%run_scoped3A_31, %dma_wait3A] : memref<16x640xf32, #tpu.memory_space<vmem>> -> memref<1x640xf32, #tpu.memory_space<vmem>>
      %dma_wait3A_100 = tpu.memref_squeeze %dma_wait3A_99 : memref<1x640xf32, #tpu.memory_space<vmem>> -> memref<640xf32, #tpu.memory_space<vmem>>
      %dma_wait3A_101 = tpu.memref_slice %arg7[%run_scoped3A_30, %mul3A_29] : memref<16x10240xf32, #tpu.memory_space<vmem_shared>> -> memref<1x640xf32, #tpu.memory_space<vmem_shared>>
      %dma_wait3A_102 = tpu.memref_squeeze %dma_wait3A_101 : memref<1x640xf32, #tpu.memory_space<vmem_shared>> -> memref<640xf32, #tpu.memory_space<vmem_shared>>
      %dma_wait3A_103 = arith.constant 0 : i32
      %dma_wait3A_104 = tpu.memref_slice %arg6[%run_scoped3A_31, %dma_wait3A_103] : memref<16x640xf32, #tpu.memory_space<vmem>> -> memref<1x640xf32, #tpu.memory_space<vmem>>
      %dma_wait3A_105 = tpu.memref_squeeze %dma_wait3A_104 : memref<1x640xf32, #tpu.memory_space<vmem>> -> memref<640xf32, #tpu.memory_space<vmem>>
      %dma_wait3A_106 = tpu.memref_slice %arg7[%run_scoped3A_30, %mul3A_29] : memref<16x10240xf32, #tpu.memory_space<vmem_shared>> -> memref<1x640xf32, #tpu.memory_space<vmem_shared>>
      %dma_wait3A_107 = tpu.memref_squeeze %dma_wait3A_106 : memref<1x640xf32, #tpu.memory_space<vmem_shared>> -> memref<640xf32, #tpu.memory_space<vmem_shared>>
      tpu.wait_dma2 semaphore(%run_scoped3A_89 : memref<!tpu.dma_semaphore, #tpu.memory_space<semaphore_mem>>) src(%dma_wait3A_107 : memref<640xf32, #tpu.memory_space<vmem_shared>>) dst(%dma_wait3A_105 : memref<640xf32, #tpu.memory_space<vmem>>)
      tpu.yield
    }) : () -> ()
    %mul3A_32 = arith.constant 640 : i32
    %mul3A_33 = arith.muli %arg1, %mul3A_32 : i32
    %run_scoped3A_34 = arith.constant 4 : i32
    %run_scoped3A_35 = arith.constant 4 : i32
    "tpu.region"() ({
      %run_scoped3A_89 = tpu.sem_alloc : memref<!tpu.dma_semaphore, #tpu.memory_space<semaphore_mem>>
      %dma_start3A = arith.constant 0 : i32
      %dma_start3A_90 = tpu.memref_slice %arg6[%run_scoped3A_35, %dma_start3A] : memref<16x640xf32, #tpu.memory_space<vmem>> -> memref<1x640xf32, #tpu.memory_space<vmem>>
      %dma_start3A_91 = tpu.memref_squeeze %dma_start3A_90 : memref<1x640xf32, #tpu.memory_space<vmem>> -> memref<640xf32, #tpu.memory_space<vmem>>
      %dma_start3A_92 = tpu.memref_slice %arg7[%run_scoped3A_34, %mul3A_33] : memref<16x10240xf32, #tpu.memory_space<vmem_shared>> -> memref<1x640xf32, #tpu.memory_space<vmem_shared>>
      %dma_start3A_93 = tpu.memref_squeeze %dma_start3A_92 : memref<1x640xf32, #tpu.memory_space<vmem_shared>> -> memref<640xf32, #tpu.memory_space<vmem_shared>>
      %dma_start3A_94 = arith.constant 0 : i32
      %dma_start3A_95 = tpu.memref_slice %arg6[%run_scoped3A_35, %dma_start3A_94] : memref<16x640xf32, #tpu.memory_space<vmem>> -> memref<1x640xf32, #tpu.memory_space<vmem>>
      %dma_start3A_96 = tpu.memref_squeeze %dma_start3A_95 : memref<1x640xf32, #tpu.memory_space<vmem>> -> memref<640xf32, #tpu.memory_space<vmem>>
      %dma_start3A_97 = tpu.memref_slice %arg7[%run_scoped3A_34, %mul3A_33] : memref<16x10240xf32, #tpu.memory_space<vmem_shared>> -> memref<1x640xf32, #tpu.memory_space<vmem_shared>>
      %dma_start3A_98 = tpu.memref_squeeze %dma_start3A_97 : memref<1x640xf32, #tpu.memory_space<vmem_shared>> -> memref<640xf32, #tpu.memory_space<vmem_shared>>
      tpu.enqueue_dma source(%dma_start3A_98 : memref<640xf32, #tpu.memory_space<vmem_shared>>) target(%dma_start3A_96 : memref<640xf32, #tpu.memory_space<vmem>>) target_semaphore(%run_scoped3A_89 : memref<!tpu.dma_semaphore, #tpu.memory_space<semaphore_mem>>)
      %dma_wait3A = arith.constant 0 : i32
      %dma_wait3A_99 = tpu.memref_slice %arg6[%run_scoped3A_35, %dma_wait3A] : memref<16x640xf32, #tpu.memory_space<vmem>> -> memref<1x640xf32, #tpu.memory_space<vmem>>
      %dma_wait3A_100 = tpu.memref_squeeze %dma_wait3A_99 : memref<1x640xf32, #tpu.memory_space<vmem>> -> memref<640xf32, #tpu.memory_space<vmem>>
      %dma_wait3A_101 = tpu.memref_slice %arg7[%run_scoped3A_34, %mul3A_33] : memref<16x10240xf32, #tpu.memory_space<vmem_shared>> -> memref<1x640xf32, #tpu.memory_space<vmem_shared>>
      %dma_wait3A_102 = tpu.memref_squeeze %dma_wait3A_101 : memref<1x640xf32, #tpu.memory_space<vmem_shared>> -> memref<640xf32, #tpu.memory_space<vmem_shared>>
      %dma_wait3A_103 = arith.constant 0 : i32
      %dma_wait3A_104 = tpu.memref_slice %arg6[%run_scoped3A_35, %dma_wait3A_103] : memref<16x640xf32, #tpu.memory_space<vmem>> -> memref<1x640xf32, #tpu.memory_space<vmem>>
      %dma_wait3A_105 = tpu.memref_squeeze %dma_wait3A_104 : memref<1x640xf32, #tpu.memory_space<vmem>> -> memref<640xf32, #tpu.memory_space<vmem>>
      %dma_wait3A_106 = tpu.memref_slice %arg7[%run_scoped3A_34, %mul3A_33] : memref<16x10240xf32, #tpu.memory_space<vmem_shared>> -> memref<1x640xf32, #tpu.memory_space<vmem_shared>>
      %dma_wait3A_107 = tpu.memref_squeeze %dma_wait3A_106 : memref<1x640xf32, #tpu.memory_space<vmem_shared>> -> memref<640xf32, #tpu.memory_space<vmem_shared>>
      tpu.wait_dma2 semaphore(%run_scoped3A_89 : memref<!tpu.dma_semaphore, #tpu.memory_space<semaphore_mem>>) src(%dma_wait3A_107 : memref<640xf32, #tpu.memory_space<vmem_shared>>) dst(%dma_wait3A_105 : memref<640xf32, #tpu.memory_space<vmem>>)
      tpu.yield
    }) : () -> ()
    %mul3A_36 = arith.constant 640 : i32
    %mul3A_37 = arith.muli %arg1, %mul3A_36 : i32
    %run_scoped3A_38 = arith.constant 5 : i32
    %run_scoped3A_39 = arith.constant 5 : i32
    "tpu.region"() ({
      %run_scoped3A_89 = tpu.sem_alloc : memref<!tpu.dma_semaphore, #tpu.memory_space<semaphore_mem>>
      %dma_start3A = arith.constant 0 : i32
      %dma_start3A_90 = tpu.memref_slice %arg6[%run_scoped3A_39, %dma_start3A] : memref<16x640xf32, #tpu.memory_space<vmem>> -> memref<1x640xf32, #tpu.memory_space<vmem>>
      %dma_start3A_91 = tpu.memref_squeeze %dma_start3A_90 : memref<1x640xf32, #tpu.memory_space<vmem>> -> memref<640xf32, #tpu.memory_space<vmem>>
      %dma_start3A_92 = tpu.memref_slice %arg7[%run_scoped3A_38, %mul3A_37] : memref<16x10240xf32, #tpu.memory_space<vmem_shared>> -> memref<1x640xf32, #tpu.memory_space<vmem_shared>>
      %dma_start3A_93 = tpu.memref_squeeze %dma_start3A_92 : memref<1x640xf32, #tpu.memory_space<vmem_shared>> -> memref<640xf32, #tpu.memory_space<vmem_shared>>
      %dma_start3A_94 = arith.constant 0 : i32
      %dma_start3A_95 = tpu.memref_slice %arg6[%run_scoped3A_39, %dma_start3A_94] : memref<16x640xf32, #tpu.memory_space<vmem>> -> memref<1x640xf32, #tpu.memory_space<vmem>>
      %dma_start3A_96 = tpu.memref_squeeze %dma_start3A_95 : memref<1x640xf32, #tpu.memory_space<vmem>> -> memref<640xf32, #tpu.memory_space<vmem>>
      %dma_start3A_97 = tpu.memref_slice %arg7[%run_scoped3A_38, %mul3A_37] : memref<16x10240xf32, #tpu.memory_space<vmem_shared>> -> memref<1x640xf32, #tpu.memory_space<vmem_shared>>
      %dma_start3A_98 = tpu.memref_squeeze %dma_start3A_97 : memref<1x640xf32, #tpu.memory_space<vmem_shared>> -> memref<640xf32, #tpu.memory_space<vmem_shared>>
      tpu.enqueue_dma source(%dma_start3A_98 : memref<640xf32, #tpu.memory_space<vmem_shared>>) target(%dma_start3A_96 : memref<640xf32, #tpu.memory_space<vmem>>) target_semaphore(%run_scoped3A_89 : memref<!tpu.dma_semaphore, #tpu.memory_space<semaphore_mem>>)
      %dma_wait3A = arith.constant 0 : i32
      %dma_wait3A_99 = tpu.memref_slice %arg6[%run_scoped3A_39, %dma_wait3A] : memref<16x640xf32, #tpu.memory_space<vmem>> -> memref<1x640xf32, #tpu.memory_space<vmem>>
      %dma_wait3A_100 = tpu.memref_squeeze %dma_wait3A_99 : memref<1x640xf32, #tpu.memory_space<vmem>> -> memref<640xf32, #tpu.memory_space<vmem>>
      %dma_wait3A_101 = tpu.memref_slice %arg7[%run_scoped3A_38, %mul3A_37] : memref<16x10240xf32, #tpu.memory_space<vmem_shared>> -> memref<1x640xf32, #tpu.memory_space<vmem_shared>>
      %dma_wait3A_102 = tpu.memref_squeeze %dma_wait3A_101 : memref<1x640xf32, #tpu.memory_space<vmem_shared>> -> memref<640xf32, #tpu.memory_space<vmem_shared>>
      %dma_wait3A_103 = arith.constant 0 : i32
      %dma_wait3A_104 = tpu.memref_slice %arg6[%run_scoped3A_39, %dma_wait3A_103] : memref<16x640xf32, #tpu.memory_space<vmem>> -> memref<1x640xf32, #tpu.memory_space<vmem>>
      %dma_wait3A_105 = tpu.memref_squeeze %dma_wait3A_104 : memref<1x640xf32, #tpu.memory_space<vmem>> -> memref<640xf32, #tpu.memory_space<vmem>>
      %dma_wait3A_106 = tpu.memref_slice %arg7[%run_scoped3A_38, %mul3A_37] : memref<16x10240xf32, #tpu.memory_space<vmem_shared>> -> memref<1x640xf32, #tpu.memory_space<vmem_shared>>
      %dma_wait3A_107 = tpu.memref_squeeze %dma_wait3A_106 : memref<1x640xf32, #tpu.memory_space<vmem_shared>> -> memref<640xf32, #tpu.memory_space<vmem_shared>>
      tpu.wait_dma2 semaphore(%run_scoped3A_89 : memref<!tpu.dma_semaphore, #tpu.memory_space<semaphore_mem>>) src(%dma_wait3A_107 : memref<640xf32, #tpu.memory_space<vmem_shared>>) dst(%dma_wait3A_105 : memref<640xf32, #tpu.memory_space<vmem>>)
      tpu.yield
    }) : () -> ()
    %mul3A_40 = arith.constant 640 : i32
    %mul3A_41 = arith.muli %arg1, %mul3A_40 : i32
    %run_scoped3A_42 = arith.constant 6 : i32
    %run_scoped3A_43 = arith.constant 6 : i32
    "tpu.region"() ({
      %run_scoped3A_89 = tpu.sem_alloc : memref<!tpu.dma_semaphore, #tpu.memory_space<semaphore_mem>>
      %dma_start3A = arith.constant 0 : i32
      %dma_start3A_90 = tpu.memref_slice %arg6[%run_scoped3A_43, %dma_start3A] : memref<16x640xf32, #tpu.memory_space<vmem>> -> memref<1x640xf32, #tpu.memory_space<vmem>>
      %dma_start3A_91 = tpu.memref_squeeze %dma_start3A_90 : memref<1x640xf32, #tpu.memory_space<vmem>> -> memref<640xf32, #tpu.memory_space<vmem>>
      %dma_start3A_92 = tpu.memref_slice %arg7[%run_scoped3A_42, %mul3A_41] : memref<16x10240xf32, #tpu.memory_space<vmem_shared>> -> memref<1x640xf32, #tpu.memory_space<vmem_shared>>
      %dma_start3A_93 = tpu.memref_squeeze %dma_start3A_92 : memref<1x640xf32, #tpu.memory_space<vmem_shared>> -> memref<640xf32, #tpu.memory_space<vmem_shared>>
      %dma_start3A_94 = arith.constant 0 : i32
      %dma_start3A_95 = tpu.memref_slice %arg6[%run_scoped3A_43, %dma_start3A_94] : memref<16x640xf32, #tpu.memory_space<vmem>> -> memref<1x640xf32, #tpu.memory_space<vmem>>
      %dma_start3A_96 = tpu.memref_squeeze %dma_start3A_95 : memref<1x640xf32, #tpu.memory_space<vmem>> -> memref<640xf32, #tpu.memory_space<vmem>>
      %dma_start3A_97 = tpu.memref_slice %arg7[%run_scoped3A_42, %mul3A_41] : memref<16x10240xf32, #tpu.memory_space<vmem_shared>> -> memref<1x640xf32, #tpu.memory_space<vmem_shared>>
      %dma_start3A_98 = tpu.memref_squeeze %dma_start3A_97 : memref<1x640xf32, #tpu.memory_space<vmem_shared>> -> memref<640xf32, #tpu.memory_space<vmem_shared>>
      tpu.enqueue_dma source(%dma_start3A_98 : memref<640xf32, #tpu.memory_space<vmem_shared>>) target(%dma_start3A_96 : memref<640xf32, #tpu.memory_space<vmem>>) target_semaphore(%run_scoped3A_89 : memref<!tpu.dma_semaphore, #tpu.memory_space<semaphore_mem>>)
      %dma_wait3A = arith.constant 0 : i32
      %dma_wait3A_99 = tpu.memref_slice %arg6[%run_scoped3A_43, %dma_wait3A] : memref<16x640xf32, #tpu.memory_space<vmem>> -> memref<1x640xf32, #tpu.memory_space<vmem>>
      %dma_wait3A_100 = tpu.memref_squeeze %dma_wait3A_99 : memref<1x640xf32, #tpu.memory_space<vmem>> -> memref<640xf32, #tpu.memory_space<vmem>>
      %dma_wait3A_101 = tpu.memref_slice %arg7[%run_scoped3A_42, %mul3A_41] : memref<16x10240xf32, #tpu.memory_space<vmem_shared>> -> memref<1x640xf32, #tpu.memory_space<vmem_shared>>
      %dma_wait3A_102 = tpu.memref_squeeze %dma_wait3A_101 : memref<1x640xf32, #tpu.memory_space<vmem_shared>> -> memref<640xf32, #tpu.memory_space<vmem_shared>>
      %dma_wait3A_103 = arith.constant 0 : i32
      %dma_wait3A_104 = tpu.memref_slice %arg6[%run_scoped3A_43, %dma_wait3A_103] : memref<16x640xf32, #tpu.memory_space<vmem>> -> memref<1x640xf32, #tpu.memory_space<vmem>>
      %dma_wait3A_105 = tpu.memref_squeeze %dma_wait3A_104 : memref<1x640xf32, #tpu.memory_space<vmem>> -> memref<640xf32, #tpu.memory_space<vmem>>
      %dma_wait3A_106 = tpu.memref_slice %arg7[%run_scoped3A_42, %mul3A_41] : memref<16x10240xf32, #tpu.memory_space<vmem_shared>> -> memref<1x640xf32, #tpu.memory_space<vmem_shared>>
      %dma_wait3A_107 = tpu.memref_squeeze %dma_wait3A_106 : memref<1x640xf32, #tpu.memory_space<vmem_shared>> -> memref<640xf32, #tpu.memory_space<vmem_shared>>
      tpu.wait_dma2 semaphore(%run_scoped3A_89 : memref<!tpu.dma_semaphore, #tpu.memory_space<semaphore_mem>>) src(%dma_wait3A_107 : memref<640xf32, #tpu.memory_space<vmem_shared>>) dst(%dma_wait3A_105 : memref<640xf32, #tpu.memory_space<vmem>>)
      tpu.yield
    }) : () -> ()
    %mul3A_44 = arith.constant 640 : i32
    %mul3A_45 = arith.muli %arg1, %mul3A_44 : i32
    %run_scoped3A_46 = arith.constant 7 : i32
    %run_scoped3A_47 = arith.constant 7 : i32
    "tpu.region"() ({
      %run_scoped3A_89 = tpu.sem_alloc : memref<!tpu.dma_semaphore, #tpu.memory_space<semaphore_mem>>
      %dma_start3A = arith.constant 0 : i32
      %dma_start3A_90 = tpu.memref_slice %arg6[%run_scoped3A_47, %dma_start3A] : memref<16x640xf32, #tpu.memory_space<vmem>> -> memref<1x640xf32, #tpu.memory_space<vmem>>
      %dma_start3A_91 = tpu.memref_squeeze %dma_start3A_90 : memref<1x640xf32, #tpu.memory_space<vmem>> -> memref<640xf32, #tpu.memory_space<vmem>>
      %dma_start3A_92 = tpu.memref_slice %arg7[%run_scoped3A_46, %mul3A_45] : memref<16x10240xf32, #tpu.memory_space<vmem_shared>> -> memref<1x640xf32, #tpu.memory_space<vmem_shared>>
      %dma_start3A_93 = tpu.memref_squeeze %dma_start3A_92 : memref<1x640xf32, #tpu.memory_space<vmem_shared>> -> memref<640xf32, #tpu.memory_space<vmem_shared>>
      %dma_start3A_94 = arith.constant 0 : i32
      %dma_start3A_95 = tpu.memref_slice %arg6[%run_scoped3A_47, %dma_start3A_94] : memref<16x640xf32, #tpu.memory_space<vmem>> -> memref<1x640xf32, #tpu.memory_space<vmem>>
      %dma_start3A_96 = tpu.memref_squeeze %dma_start3A_95 : memref<1x640xf32, #tpu.memory_space<vmem>> -> memref<640xf32, #tpu.memory_space<vmem>>
      %dma_start3A_97 = tpu.memref_slice %arg7[%run_scoped3A_46, %mul3A_45] : memref<16x10240xf32, #tpu.memory_space<vmem_shared>> -> memref<1x640xf32, #tpu.memory_space<vmem_shared>>
      %dma_start3A_98 = tpu.memref_squeeze %dma_start3A_97 : memref<1x640xf32, #tpu.memory_space<vmem_shared>> -> memref<640xf32, #tpu.memory_space<vmem_shared>>
      tpu.enqueue_dma source(%dma_start3A_98 : memref<640xf32, #tpu.memory_space<vmem_shared>>) target(%dma_start3A_96 : memref<640xf32, #tpu.memory_space<vmem>>) target_semaphore(%run_scoped3A_89 : memref<!tpu.dma_semaphore, #tpu.memory_space<semaphore_mem>>)
      %dma_wait3A = arith.constant 0 : i32
      %dma_wait3A_99 = tpu.memref_slice %arg6[%run_scoped3A_47, %dma_wait3A] : memref<16x640xf32, #tpu.memory_space<vmem>> -> memref<1x640xf32, #tpu.memory_space<vmem>>
      %dma_wait3A_100 = tpu.memref_squeeze %dma_wait3A_99 : memref<1x640xf32, #tpu.memory_space<vmem>> -> memref<640xf32, #tpu.memory_space<vmem>>
      %dma_wait3A_101 = tpu.memref_slice %arg7[%run_scoped3A_46, %mul3A_45] : memref<16x10240xf32, #tpu.memory_space<vmem_shared>> -> memref<1x640xf32, #tpu.memory_space<vmem_shared>>
      %dma_wait3A_102 = tpu.memref_squeeze %dma_wait3A_101 : memref<1x640xf32, #tpu.memory_space<vmem_shared>> -> memref<640xf32, #tpu.memory_space<vmem_shared>>
      %dma_wait3A_103 = arith.constant 0 : i32
      %dma_wait3A_104 = tpu.memref_slice %arg6[%run_scoped3A_47, %dma_wait3A_103] : memref<16x640xf32, #tpu.memory_space<vmem>> -> memref<1x640xf32, #tpu.memory_space<vmem>>
      %dma_wait3A_105 = tpu.memref_squeeze %dma_wait3A_104 : memref<1x640xf32, #tpu.memory_space<vmem>> -> memref<640xf32, #tpu.memory_space<vmem>>
      %dma_wait3A_106 = tpu.memref_slice %arg7[%run_scoped3A_46, %mul3A_45] : memref<16x10240xf32, #tpu.memory_space<vmem_shared>> -> memref<1x640xf32, #tpu.memory_space<vmem_shared>>
      %dma_wait3A_107 = tpu.memref_squeeze %dma_wait3A_106 : memref<1x640xf32, #tpu.memory_space<vmem_shared>> -> memref<640xf32, #tpu.memory_space<vmem_shared>>
      tpu.wait_dma2 semaphore(%run_scoped3A_89 : memref<!tpu.dma_semaphore, #tpu.memory_space<semaphore_mem>>) src(%dma_wait3A_107 : memref<640xf32, #tpu.memory_space<vmem_shared>>) dst(%dma_wait3A_105 : memref<640xf32, #tpu.memory_space<vmem>>)
      tpu.yield
    }) : () -> ()
    %mul3A_48 = arith.constant 640 : i32
    %mul3A_49 = arith.muli %arg1, %mul3A_48 : i32
    %run_scoped3A_50 = arith.constant 8 : i32
    %run_scoped3A_51 = arith.constant 8 : i32
    "tpu.region"() ({
      %run_scoped3A_89 = tpu.sem_alloc : memref<!tpu.dma_semaphore, #tpu.memory_space<semaphore_mem>>
      %dma_start3A = arith.constant 0 : i32
      %dma_start3A_90 = tpu.memref_slice %arg6[%run_scoped3A_51, %dma_start3A] : memref<16x640xf32, #tpu.memory_space<vmem>> -> memref<1x640xf32, #tpu.memory_space<vmem>>
      %dma_start3A_91 = tpu.memref_squeeze %dma_start3A_90 : memref<1x640xf32, #tpu.memory_space<vmem>> -> memref<640xf32, #tpu.memory_space<vmem>>
      %dma_start3A_92 = tpu.memref_slice %arg7[%run_scoped3A_50, %mul3A_49] : memref<16x10240xf32, #tpu.memory_space<vmem_shared>> -> memref<1x640xf32, #tpu.memory_space<vmem_shared>>
      %dma_start3A_93 = tpu.memref_squeeze %dma_start3A_92 : memref<1x640xf32, #tpu.memory_space<vmem_shared>> -> memref<640xf32, #tpu.memory_space<vmem_shared>>
      %dma_start3A_94 = arith.constant 0 : i32
      %dma_start3A_95 = tpu.memref_slice %arg6[%run_scoped3A_51, %dma_start3A_94] : memref<16x640xf32, #tpu.memory_space<vmem>> -> memref<1x640xf32, #tpu.memory_space<vmem>>
      %dma_start3A_96 = tpu.memref_squeeze %dma_start3A_95 : memref<1x640xf32, #tpu.memory_space<vmem>> -> memref<640xf32, #tpu.memory_space<vmem>>
      %dma_start3A_97 = tpu.memref_slice %arg7[%run_scoped3A_50, %mul3A_49] : memref<16x10240xf32, #tpu.memory_space<vmem_shared>> -> memref<1x640xf32, #tpu.memory_space<vmem_shared>>
      %dma_start3A_98 = tpu.memref_squeeze %dma_start3A_97 : memref<1x640xf32, #tpu.memory_space<vmem_shared>> -> memref<640xf32, #tpu.memory_space<vmem_shared>>
      tpu.enqueue_dma source(%dma_start3A_98 : memref<640xf32, #tpu.memory_space<vmem_shared>>) target(%dma_start3A_96 : memref<640xf32, #tpu.memory_space<vmem>>) target_semaphore(%run_scoped3A_89 : memref<!tpu.dma_semaphore, #tpu.memory_space<semaphore_mem>>)
      %dma_wait3A = arith.constant 0 : i32
      %dma_wait3A_99 = tpu.memref_slice %arg6[%run_scoped3A_51, %dma_wait3A] : memref<16x640xf32, #tpu.memory_space<vmem>> -> memref<1x640xf32, #tpu.memory_space<vmem>>
      %dma_wait3A_100 = tpu.memref_squeeze %dma_wait3A_99 : memref<1x640xf32, #tpu.memory_space<vmem>> -> memref<640xf32, #tpu.memory_space<vmem>>
      %dma_wait3A_101 = tpu.memref_slice %arg7[%run_scoped3A_50, %mul3A_49] : memref<16x10240xf32, #tpu.memory_space<vmem_shared>> -> memref<1x640xf32, #tpu.memory_space<vmem_shared>>
      %dma_wait3A_102 = tpu.memref_squeeze %dma_wait3A_101 : memref<1x640xf32, #tpu.memory_space<vmem_shared>> -> memref<640xf32, #tpu.memory_space<vmem_shared>>
      %dma_wait3A_103 = arith.constant 0 : i32
      %dma_wait3A_104 = tpu.memref_slice %arg6[%run_scoped3A_51, %dma_wait3A_103] : memref<16x640xf32, #tpu.memory_space<vmem>> -> memref<1x640xf32, #tpu.memory_space<vmem>>
      %dma_wait3A_105 = tpu.memref_squeeze %dma_wait3A_104 : memref<1x640xf32, #tpu.memory_space<vmem>> -> memref<640xf32, #tpu.memory_space<vmem>>
      %dma_wait3A_106 = tpu.memref_slice %arg7[%run_scoped3A_50, %mul3A_49] : memref<16x10240xf32, #tpu.memory_space<vmem_shared>> -> memref<1x640xf32, #tpu.memory_space<vmem_shared>>
      %dma_wait3A_107 = tpu.memref_squeeze %dma_wait3A_106 : memref<1x640xf32, #tpu.memory_space<vmem_shared>> -> memref<640xf32, #tpu.memory_space<vmem_shared>>
      tpu.wait_dma2 semaphore(%run_scoped3A_89 : memref<!tpu.dma_semaphore, #tpu.memory_space<semaphore_mem>>) src(%dma_wait3A_107 : memref<640xf32, #tpu.memory_space<vmem_shared>>) dst(%dma_wait3A_105 : memref<640xf32, #tpu.memory_space<vmem>>)
      tpu.yield
    }) : () -> ()
    %mul3A_52 = arith.constant 640 : i32
    %mul3A_53 = arith.muli %arg1, %mul3A_52 : i32
    %run_scoped3A_54 = arith.constant 9 : i32
    %run_scoped3A_55 = arith.constant 9 : i32
    "tpu.region"() ({
      %run_scoped3A_89 = tpu.sem_alloc : memref<!tpu.dma_semaphore, #tpu.memory_space<semaphore_mem>>
      %dma_start3A = arith.constant 0 : i32
      %dma_start3A_90 = tpu.memref_slice %arg6[%run_scoped3A_55, %dma_start3A] : memref<16x640xf32, #tpu.memory_space<vmem>> -> memref<1x640xf32, #tpu.memory_space<vmem>>
      %dma_start3A_91 = tpu.memref_squeeze %dma_start3A_90 : memref<1x640xf32, #tpu.memory_space<vmem>> -> memref<640xf32, #tpu.memory_space<vmem>>
      %dma_start3A_92 = tpu.memref_slice %arg7[%run_scoped3A_54, %mul3A_53] : memref<16x10240xf32, #tpu.memory_space<vmem_shared>> -> memref<1x640xf32, #tpu.memory_space<vmem_shared>>
      %dma_start3A_93 = tpu.memref_squeeze %dma_start3A_92 : memref<1x640xf32, #tpu.memory_space<vmem_shared>> -> memref<640xf32, #tpu.memory_space<vmem_shared>>
      %dma_start3A_94 = arith.constant 0 : i32
      %dma_start3A_95 = tpu.memref_slice %arg6[%run_scoped3A_55, %dma_start3A_94] : memref<16x640xf32, #tpu.memory_space<vmem>> -> memref<1x640xf32, #tpu.memory_space<vmem>>
      %dma_start3A_96 = tpu.memref_squeeze %dma_start3A_95 : memref<1x640xf32, #tpu.memory_space<vmem>> -> memref<640xf32, #tpu.memory_space<vmem>>
      %dma_start3A_97 = tpu.memref_slice %arg7[%run_scoped3A_54, %mul3A_53] : memref<16x10240xf32, #tpu.memory_space<vmem_shared>> -> memref<1x640xf32, #tpu.memory_space<vmem_shared>>
      %dma_start3A_98 = tpu.memref_squeeze %dma_start3A_97 : memref<1x640xf32, #tpu.memory_space<vmem_shared>> -> memref<640xf32, #tpu.memory_space<vmem_shared>>
      tpu.enqueue_dma source(%dma_start3A_98 : memref<640xf32, #tpu.memory_space<vmem_shared>>) target(%dma_start3A_96 : memref<640xf32, #tpu.memory_space<vmem>>) target_semaphore(%run_scoped3A_89 : memref<!tpu.dma_semaphore, #tpu.memory_space<semaphore_mem>>)
      %dma_wait3A = arith.constant 0 : i32
      %dma_wait3A_99 = tpu.memref_slice %arg6[%run_scoped3A_55, %dma_wait3A] : memref<16x640xf32, #tpu.memory_space<vmem>> -> memref<1x640xf32, #tpu.memory_space<vmem>>
      %dma_wait3A_100 = tpu.memref_squeeze %dma_wait3A_99 : memref<1x640xf32, #tpu.memory_space<vmem>> -> memref<640xf32, #tpu.memory_space<vmem>>
      %dma_wait3A_101 = tpu.memref_slice %arg7[%run_scoped3A_54, %mul3A_53] : memref<16x10240xf32, #tpu.memory_space<vmem_shared>> -> memref<1x640xf32, #tpu.memory_space<vmem_shared>>
      %dma_wait3A_102 = tpu.memref_squeeze %dma_wait3A_101 : memref<1x640xf32, #tpu.memory_space<vmem_shared>> -> memref<640xf32, #tpu.memory_space<vmem_shared>>
      %dma_wait3A_103 = arith.constant 0 : i32
      %dma_wait3A_104 = tpu.memref_slice %arg6[%run_scoped3A_55, %dma_wait3A_103] : memref<16x640xf32, #tpu.memory_space<vmem>> -> memref<1x640xf32, #tpu.memory_space<vmem>>
      %dma_wait3A_105 = tpu.memref_squeeze %dma_wait3A_104 : memref<1x640xf32, #tpu.memory_space<vmem>> -> memref<640xf32, #tpu.memory_space<vmem>>
      %dma_wait3A_106 = tpu.memref_slice %arg7[%run_scoped3A_54, %mul3A_53] : memref<16x10240xf32, #tpu.memory_space<vmem_shared>> -> memref<1x640xf32, #tpu.memory_space<vmem_shared>>
      %dma_wait3A_107 = tpu.memref_squeeze %dma_wait3A_106 : memref<1x640xf32, #tpu.memory_space<vmem_shared>> -> memref<640xf32, #tpu.memory_space<vmem_shared>>
      tpu.wait_dma2 semaphore(%run_scoped3A_89 : memref<!tpu.dma_semaphore, #tpu.memory_space<semaphore_mem>>) src(%dma_wait3A_107 : memref<640xf32, #tpu.memory_space<vmem_shared>>) dst(%dma_wait3A_105 : memref<640xf32, #tpu.memory_space<vmem>>)
      tpu.yield
    }) : () -> ()
    %mul3A_56 = arith.constant 640 : i32
    %mul3A_57 = arith.muli %arg1, %mul3A_56 : i32
    %run_scoped3A_58 = arith.constant 10 : i32
    %run_scoped3A_59 = arith.constant 10 : i32
    "tpu.region"() ({
      %run_scoped3A_89 = tpu.sem_alloc : memref<!tpu.dma_semaphore, #tpu.memory_space<semaphore_mem>>
      %dma_start3A = arith.constant 0 : i32
      %dma_start3A_90 = tpu.memref_slice %arg6[%run_scoped3A_59, %dma_start3A] : memref<16x640xf32, #tpu.memory_space<vmem>> -> memref<1x640xf32, #tpu.memory_space<vmem>>
      %dma_start3A_91 = tpu.memref_squeeze %dma_start3A_90 : memref<1x640xf32, #tpu.memory_space<vmem>> -> memref<640xf32, #tpu.memory_space<vmem>>
      %dma_start3A_92 = tpu.memref_slice %arg7[%run_scoped3A_58, %mul3A_57] : memref<16x10240xf32, #tpu.memory_space<vmem_shared>> -> memref<1x640xf32, #tpu.memory_space<vmem_shared>>
      %dma_start3A_93 = tpu.memref_squeeze %dma_start3A_92 : memref<1x640xf32, #tpu.memory_space<vmem_shared>> -> memref<640xf32, #tpu.memory_space<vmem_shared>>
      %dma_start3A_94 = arith.constant 0 : i32
      %dma_start3A_95 = tpu.memref_slice %arg6[%run_scoped3A_59, %dma_start3A_94] : memref<16x640xf32, #tpu.memory_space<vmem>> -> memref<1x640xf32, #tpu.memory_space<vmem>>
      %dma_start3A_96 = tpu.memref_squeeze %dma_start3A_95 : memref<1x640xf32, #tpu.memory_space<vmem>> -> memref<640xf32, #tpu.memory_space<vmem>>
      %dma_start3A_97 = tpu.memref_slice %arg7[%run_scoped3A_58, %mul3A_57] : memref<16x10240xf32, #tpu.memory_space<vmem_shared>> -> memref<1x640xf32, #tpu.memory_space<vmem_shared>>
      %dma_start3A_98 = tpu.memref_squeeze %dma_start3A_97 : memref<1x640xf32, #tpu.memory_space<vmem_shared>> -> memref<640xf32, #tpu.memory_space<vmem_shared>>
      tpu.enqueue_dma source(%dma_start3A_98 : memref<640xf32, #tpu.memory_space<vmem_shared>>) target(%dma_start3A_96 : memref<640xf32, #tpu.memory_space<vmem>>) target_semaphore(%run_scoped3A_89 : memref<!tpu.dma_semaphore, #tpu.memory_space<semaphore_mem>>)
      %dma_wait3A = arith.constant 0 : i32
      %dma_wait3A_99 = tpu.memref_slice %arg6[%run_scoped3A_59, %dma_wait3A] : memref<16x640xf32, #tpu.memory_space<vmem>> -> memref<1x640xf32, #tpu.memory_space<vmem>>
      %dma_wait3A_100 = tpu.memref_squeeze %dma_wait3A_99 : memref<1x640xf32, #tpu.memory_space<vmem>> -> memref<640xf32, #tpu.memory_space<vmem>>
      %dma_wait3A_101 = tpu.memref_slice %arg7[%run_scoped3A_58, %mul3A_57] : memref<16x10240xf32, #tpu.memory_space<vmem_shared>> -> memref<1x640xf32, #tpu.memory_space<vmem_shared>>
      %dma_wait3A_102 = tpu.memref_squeeze %dma_wait3A_101 : memref<1x640xf32, #tpu.memory_space<vmem_shared>> -> memref<640xf32, #tpu.memory_space<vmem_shared>>
      %dma_wait3A_103 = arith.constant 0 : i32
      %dma_wait3A_104 = tpu.memref_slice %arg6[%run_scoped3A_59, %dma_wait3A_103] : memref<16x640xf32, #tpu.memory_space<vmem>> -> memref<1x640xf32, #tpu.memory_space<vmem>>
      %dma_wait3A_105 = tpu.memref_squeeze %dma_wait3A_104 : memref<1x640xf32, #tpu.memory_space<vmem>> -> memref<640xf32, #tpu.memory_space<vmem>>
      %dma_wait3A_106 = tpu.memref_slice %arg7[%run_scoped3A_58, %mul3A_57] : memref<16x10240xf32, #tpu.memory_space<vmem_shared>> -> memref<1x640xf32, #tpu.memory_space<vmem_shared>>
      %dma_wait3A_107 = tpu.memref_squeeze %dma_wait3A_106 : memref<1x640xf32, #tpu.memory_space<vmem_shared>> -> memref<640xf32, #tpu.memory_space<vmem_shared>>
      tpu.wait_dma2 semaphore(%run_scoped3A_89 : memref<!tpu.dma_semaphore, #tpu.memory_space<semaphore_mem>>) src(%dma_wait3A_107 : memref<640xf32, #tpu.memory_space<vmem_shared>>) dst(%dma_wait3A_105 : memref<640xf32, #tpu.memory_space<vmem>>)
      tpu.yield
    }) : () -> ()
    %mul3A_60 = arith.constant 640 : i32
    %mul3A_61 = arith.muli %arg1, %mul3A_60 : i32
    %run_scoped3A_62 = arith.constant 11 : i32
    %run_scoped3A_63 = arith.constant 11 : i32
    "tpu.region"() ({
      %run_scoped3A_89 = tpu.sem_alloc : memref<!tpu.dma_semaphore, #tpu.memory_space<semaphore_mem>>
      %dma_start3A = arith.constant 0 : i32
      %dma_start3A_90 = tpu.memref_slice %arg6[%run_scoped3A_63, %dma_start3A] : memref<16x640xf32, #tpu.memory_space<vmem>> -> memref<1x640xf32, #tpu.memory_space<vmem>>
      %dma_start3A_91 = tpu.memref_squeeze %dma_start3A_90 : memref<1x640xf32, #tpu.memory_space<vmem>> -> memref<640xf32, #tpu.memory_space<vmem>>
      %dma_start3A_92 = tpu.memref_slice %arg7[%run_scoped3A_62, %mul3A_61] : memref<16x10240xf32, #tpu.memory_space<vmem_shared>> -> memref<1x640xf32, #tpu.memory_space<vmem_shared>>
      %dma_start3A_93 = tpu.memref_squeeze %dma_start3A_92 : memref<1x640xf32, #tpu.memory_space<vmem_shared>> -> memref<640xf32, #tpu.memory_space<vmem_shared>>
      %dma_start3A_94 = arith.constant 0 : i32
      %dma_start3A_95 = tpu.memref_slice %arg6[%run_scoped3A_63, %dma_start3A_94] : memref<16x640xf32, #tpu.memory_space<vmem>> -> memref<1x640xf32, #tpu.memory_space<vmem>>
      %dma_start3A_96 = tpu.memref_squeeze %dma_start3A_95 : memref<1x640xf32, #tpu.memory_space<vmem>> -> memref<640xf32, #tpu.memory_space<vmem>>
      %dma_start3A_97 = tpu.memref_slice %arg7[%run_scoped3A_62, %mul3A_61] : memref<16x10240xf32, #tpu.memory_space<vmem_shared>> -> memref<1x640xf32, #tpu.memory_space<vmem_shared>>
      %dma_start3A_98 = tpu.memref_squeeze %dma_start3A_97 : memref<1x640xf32, #tpu.memory_space<vmem_shared>> -> memref<640xf32, #tpu.memory_space<vmem_shared>>
      tpu.enqueue_dma source(%dma_start3A_98 : memref<640xf32, #tpu.memory_space<vmem_shared>>) target(%dma_start3A_96 : memref<640xf32, #tpu.memory_space<vmem>>) target_semaphore(%run_scoped3A_89 : memref<!tpu.dma_semaphore, #tpu.memory_space<semaphore_mem>>)
      %dma_wait3A = arith.constant 0 : i32
      %dma_wait3A_99 = tpu.memref_slice %arg6[%run_scoped3A_63, %dma_wait3A] : memref<16x640xf32, #tpu.memory_space<vmem>> -> memref<1x640xf32, #tpu.memory_space<vmem>>
      %dma_wait3A_100 = tpu.memref_squeeze %dma_wait3A_99 : memref<1x640xf32, #tpu.memory_space<vmem>> -> memref<640xf32, #tpu.memory_space<vmem>>
      %dma_wait3A_101 = tpu.memref_slice %arg7[%run_scoped3A_62, %mul3A_61] : memref<16x10240xf32, #tpu.memory_space<vmem_shared>> -> memref<1x640xf32, #tpu.memory_space<vmem_shared>>
      %dma_wait3A_102 = tpu.memref_squeeze %dma_wait3A_101 : memref<1x640xf32, #tpu.memory_space<vmem_shared>> -> memref<640xf32, #tpu.memory_space<vmem_shared>>
      %dma_wait3A_103 = arith.constant 0 : i32
      %dma_wait3A_104 = tpu.memref_slice %arg6[%run_scoped3A_63, %dma_wait3A_103] : memref<16x640xf32, #tpu.memory_space<vmem>> -> memref<1x640xf32, #tpu.memory_space<vmem>>
      %dma_wait3A_105 = tpu.memref_squeeze %dma_wait3A_104 : memref<1x640xf32, #tpu.memory_space<vmem>> -> memref<640xf32, #tpu.memory_space<vmem>>
      %dma_wait3A_106 = tpu.memref_slice %arg7[%run_scoped3A_62, %mul3A_61] : memref<16x10240xf32, #tpu.memory_space<vmem_shared>> -> memref<1x640xf32, #tpu.memory_space<vmem_shared>>
      %dma_wait3A_107 = tpu.memref_squeeze %dma_wait3A_106 : memref<1x640xf32, #tpu.memory_space<vmem_shared>> -> memref<640xf32, #tpu.memory_space<vmem_shared>>
      tpu.wait_dma2 semaphore(%run_scoped3A_89 : memref<!tpu.dma_semaphore, #tpu.memory_space<semaphore_mem>>) src(%dma_wait3A_107 : memref<640xf32, #tpu.memory_space<vmem_shared>>) dst(%dma_wait3A_105 : memref<640xf32, #tpu.memory_space<vmem>>)
      tpu.yield
    }) : () -> ()
    %mul3A_64 = arith.constant 640 : i32
    %mul3A_65 = arith.muli %arg1, %mul3A_64 : i32
    %run_scoped3A_66 = arith.constant 12 : i32
    %run_scoped3A_67 = arith.constant 12 : i32
    "tpu.region"() ({
      %run_scoped3A_89 = tpu.sem_alloc : memref<!tpu.dma_semaphore, #tpu.memory_space<semaphore_mem>>
      %dma_start3A = arith.constant 0 : i32
      %dma_start3A_90 = tpu.memref_slice %arg6[%run_scoped3A_67, %dma_start3A] : memref<16x640xf32, #tpu.memory_space<vmem>> -> memref<1x640xf32, #tpu.memory_space<vmem>>
      %dma_start3A_91 = tpu.memref_squeeze %dma_start3A_90 : memref<1x640xf32, #tpu.memory_space<vmem>> -> memref<640xf32, #tpu.memory_space<vmem>>
      %dma_start3A_92 = tpu.memref_slice %arg7[%run_scoped3A_66, %mul3A_65] : memref<16x10240xf32, #tpu.memory_space<vmem_shared>> -> memref<1x640xf32, #tpu.memory_space<vmem_shared>>
      %dma_start3A_93 = tpu.memref_squeeze %dma_start3A_92 : memref<1x640xf32, #tpu.memory_space<vmem_shared>> -> memref<640xf32, #tpu.memory_space<vmem_shared>>
      %dma_start3A_94 = arith.constant 0 : i32
      %dma_start3A_95 = tpu.memref_slice %arg6[%run_scoped3A_67, %dma_start3A_94] : memref<16x640xf32, #tpu.memory_space<vmem>> -> memref<1x640xf32, #tpu.memory_space<vmem>>
      %dma_start3A_96 = tpu.memref_squeeze %dma_start3A_95 : memref<1x640xf32, #tpu.memory_space<vmem>> -> memref<640xf32, #tpu.memory_space<vmem>>
      %dma_start3A_97 = tpu.memref_slice %arg7[%run_scoped3A_66, %mul3A_65] : memref<16x10240xf32, #tpu.memory_space<vmem_shared>> -> memref<1x640xf32, #tpu.memory_space<vmem_shared>>
      %dma_start3A_98 = tpu.memref_squeeze %dma_start3A_97 : memref<1x640xf32, #tpu.memory_space<vmem_shared>> -> memref<640xf32, #tpu.memory_space<vmem_shared>>
      tpu.enqueue_dma source(%dma_start3A_98 : memref<640xf32, #tpu.memory_space<vmem_shared>>) target(%dma_start3A_96 : memref<640xf32, #tpu.memory_space<vmem>>) target_semaphore(%run_scoped3A_89 : memref<!tpu.dma_semaphore, #tpu.memory_space<semaphore_mem>>)
      %dma_wait3A = arith.constant 0 : i32
      %dma_wait3A_99 = tpu.memref_slice %arg6[%run_scoped3A_67, %dma_wait3A] : memref<16x640xf32, #tpu.memory_space<vmem>> -> memref<1x640xf32, #tpu.memory_space<vmem>>
      %dma_wait3A_100 = tpu.memref_squeeze %dma_wait3A_99 : memref<1x640xf32, #tpu.memory_space<vmem>> -> memref<640xf32, #tpu.memory_space<vmem>>
      %dma_wait3A_101 = tpu.memref_slice %arg7[%run_scoped3A_66, %mul3A_65] : memref<16x10240xf32, #tpu.memory_space<vmem_shared>> -> memref<1x640xf32, #tpu.memory_space<vmem_shared>>
      %dma_wait3A_102 = tpu.memref_squeeze %dma_wait3A_101 : memref<1x640xf32, #tpu.memory_space<vmem_shared>> -> memref<640xf32, #tpu.memory_space<vmem_shared>>
      %dma_wait3A_103 = arith.constant 0 : i32
      %dma_wait3A_104 = tpu.memref_slice %arg6[%run_scoped3A_67, %dma_wait3A_103] : memref<16x640xf32, #tpu.memory_space<vmem>> -> memref<1x640xf32, #tpu.memory_space<vmem>>
      %dma_wait3A_105 = tpu.memref_squeeze %dma_wait3A_104 : memref<1x640xf32, #tpu.memory_space<vmem>> -> memref<640xf32, #tpu.memory_space<vmem>>
      %dma_wait3A_106 = tpu.memref_slice %arg7[%run_scoped3A_66, %mul3A_65] : memref<16x10240xf32, #tpu.memory_space<vmem_shared>> -> memref<1x640xf32, #tpu.memory_space<vmem_shared>>
      %dma_wait3A_107 = tpu.memref_squeeze %dma_wait3A_106 : memref<1x640xf32, #tpu.memory_space<vmem_shared>> -> memref<640xf32, #tpu.memory_space<vmem_shared>>
      tpu.wait_dma2 semaphore(%run_scoped3A_89 : memref<!tpu.dma_semaphore, #tpu.memory_space<semaphore_mem>>) src(%dma_wait3A_107 : memref<640xf32, #tpu.memory_space<vmem_shared>>) dst(%dma_wait3A_105 : memref<640xf32, #tpu.memory_space<vmem>>)
      tpu.yield
    }) : () -> ()
    %mul3A_68 = arith.constant 640 : i32
    %mul3A_69 = arith.muli %arg1, %mul3A_68 : i32
    %run_scoped3A_70 = arith.constant 13 : i32
    %run_scoped3A_71 = arith.constant 13 : i32
    "tpu.region"() ({
      %run_scoped3A_89 = tpu.sem_alloc : memref<!tpu.dma_semaphore, #tpu.memory_space<semaphore_mem>>
      %dma_start3A = arith.constant 0 : i32
      %dma_start3A_90 = tpu.memref_slice %arg6[%run_scoped3A_71, %dma_start3A] : memref<16x640xf32, #tpu.memory_space<vmem>> -> memref<1x640xf32, #tpu.memory_space<vmem>>
      %dma_start3A_91 = tpu.memref_squeeze %dma_start3A_90 : memref<1x640xf32, #tpu.memory_space<vmem>> -> memref<640xf32, #tpu.memory_space<vmem>>
      %dma_start3A_92 = tpu.memref_slice %arg7[%run_scoped3A_70, %mul3A_69] : memref<16x10240xf32, #tpu.memory_space<vmem_shared>> -> memref<1x640xf32, #tpu.memory_space<vmem_shared>>
      %dma_start3A_93 = tpu.memref_squeeze %dma_start3A_92 : memref<1x640xf32, #tpu.memory_space<vmem_shared>> -> memref<640xf32, #tpu.memory_space<vmem_shared>>
      %dma_start3A_94 = arith.constant 0 : i32
      %dma_start3A_95 = tpu.memref_slice %arg6[%run_scoped3A_71, %dma_start3A_94] : memref<16x640xf32, #tpu.memory_space<vmem>> -> memref<1x640xf32, #tpu.memory_space<vmem>>
      %dma_start3A_96 = tpu.memref_squeeze %dma_start3A_95 : memref<1x640xf32, #tpu.memory_space<vmem>> -> memref<640xf32, #tpu.memory_space<vmem>>
      %dma_start3A_97 = tpu.memref_slice %arg7[%run_scoped3A_70, %mul3A_69] : memref<16x10240xf32, #tpu.memory_space<vmem_shared>> -> memref<1x640xf32, #tpu.memory_space<vmem_shared>>
      %dma_start3A_98 = tpu.memref_squeeze %dma_start3A_97 : memref<1x640xf32, #tpu.memory_space<vmem_shared>> -> memref<640xf32, #tpu.memory_space<vmem_shared>>
      tpu.enqueue_dma source(%dma_start3A_98 : memref<640xf32, #tpu.memory_space<vmem_shared>>) target(%dma_start3A_96 : memref<640xf32, #tpu.memory_space<vmem>>) target_semaphore(%run_scoped3A_89 : memref<!tpu.dma_semaphore, #tpu.memory_space<semaphore_mem>>)
      %dma_wait3A = arith.constant 0 : i32
      %dma_wait3A_99 = tpu.memref_slice %arg6[%run_scoped3A_71, %dma_wait3A] : memref<16x640xf32, #tpu.memory_space<vmem>> -> memref<1x640xf32, #tpu.memory_space<vmem>>
      %dma_wait3A_100 = tpu.memref_squeeze %dma_wait3A_99 : memref<1x640xf32, #tpu.memory_space<vmem>> -> memref<640xf32, #tpu.memory_space<vmem>>
      %dma_wait3A_101 = tpu.memref_slice %arg7[%run_scoped3A_70, %mul3A_69] : memref<16x10240xf32, #tpu.memory_space<vmem_shared>> -> memref<1x640xf32, #tpu.memory_space<vmem_shared>>
      %dma_wait3A_102 = tpu.memref_squeeze %dma_wait3A_101 : memref<1x640xf32, #tpu.memory_space<vmem_shared>> -> memref<640xf32, #tpu.memory_space<vmem_shared>>
      %dma_wait3A_103 = arith.constant 0 : i32
      %dma_wait3A_104 = tpu.memref_slice %arg6[%run_scoped3A_71, %dma_wait3A_103] : memref<16x640xf32, #tpu.memory_space<vmem>> -> memref<1x640xf32, #tpu.memory_space<vmem>>
      %dma_wait3A_105 = tpu.memref_squeeze %dma_wait3A_104 : memref<1x640xf32, #tpu.memory_space<vmem>> -> memref<640xf32, #tpu.memory_space<vmem>>
      %dma_wait3A_106 = tpu.memref_slice %arg7[%run_scoped3A_70, %mul3A_69] : memref<16x10240xf32, #tpu.memory_space<vmem_shared>> -> memref<1x640xf32, #tpu.memory_space<vmem_shared>>
      %dma_wait3A_107 = tpu.memref_squeeze %dma_wait3A_106 : memref<1x640xf32, #tpu.memory_space<vmem_shared>> -> memref<640xf32, #tpu.memory_space<vmem_shared>>
      tpu.wait_dma2 semaphore(%run_scoped3A_89 : memref<!tpu.dma_semaphore, #tpu.memory_space<semaphore_mem>>) src(%dma_wait3A_107 : memref<640xf32, #tpu.memory_space<vmem_shared>>) dst(%dma_wait3A_105 : memref<640xf32, #tpu.memory_space<vmem>>)
      tpu.yield
    }) : () -> ()
    %mul3A_72 = arith.constant 640 : i32
    %mul3A_73 = arith.muli %arg1, %mul3A_72 : i32
    %run_scoped3A_74 = arith.constant 14 : i32
    %run_scoped3A_75 = arith.constant 14 : i32
    "tpu.region"() ({
      %run_scoped3A_89 = tpu.sem_alloc : memref<!tpu.dma_semaphore, #tpu.memory_space<semaphore_mem>>
      %dma_start3A = arith.constant 0 : i32
      %dma_start3A_90 = tpu.memref_slice %arg6[%run_scoped3A_75, %dma_start3A] : memref<16x640xf32, #tpu.memory_space<vmem>> -> memref<1x640xf32, #tpu.memory_space<vmem>>
      %dma_start3A_91 = tpu.memref_squeeze %dma_start3A_90 : memref<1x640xf32, #tpu.memory_space<vmem>> -> memref<640xf32, #tpu.memory_space<vmem>>
      %dma_start3A_92 = tpu.memref_slice %arg7[%run_scoped3A_74, %mul3A_73] : memref<16x10240xf32, #tpu.memory_space<vmem_shared>> -> memref<1x640xf32, #tpu.memory_space<vmem_shared>>
      %dma_start3A_93 = tpu.memref_squeeze %dma_start3A_92 : memref<1x640xf32, #tpu.memory_space<vmem_shared>> -> memref<640xf32, #tpu.memory_space<vmem_shared>>
      %dma_start3A_94 = arith.constant 0 : i32
      %dma_start3A_95 = tpu.memref_slice %arg6[%run_scoped3A_75, %dma_start3A_94] : memref<16x640xf32, #tpu.memory_space<vmem>> -> memref<1x640xf32, #tpu.memory_space<vmem>>
      %dma_start3A_96 = tpu.memref_squeeze %dma_start3A_95 : memref<1x640xf32, #tpu.memory_space<vmem>> -> memref<640xf32, #tpu.memory_space<vmem>>
      %dma_start3A_97 = tpu.memref_slice %arg7[%run_scoped3A_74, %mul3A_73] : memref<16x10240xf32, #tpu.memory_space<vmem_shared>> -> memref<1x640xf32, #tpu.memory_space<vmem_shared>>
      %dma_start3A_98 = tpu.memref_squeeze %dma_start3A_97 : memref<1x640xf32, #tpu.memory_space<vmem_shared>> -> memref<640xf32, #tpu.memory_space<vmem_shared>>
      tpu.enqueue_dma source(%dma_start3A_98 : memref<640xf32, #tpu.memory_space<vmem_shared>>) target(%dma_start3A_96 : memref<640xf32, #tpu.memory_space<vmem>>) target_semaphore(%run_scoped3A_89 : memref<!tpu.dma_semaphore, #tpu.memory_space<semaphore_mem>>)
      %dma_wait3A = arith.constant 0 : i32
      %dma_wait3A_99 = tpu.memref_slice %arg6[%run_scoped3A_75, %dma_wait3A] : memref<16x640xf32, #tpu.memory_space<vmem>> -> memref<1x640xf32, #tpu.memory_space<vmem>>
      %dma_wait3A_100 = tpu.memref_squeeze %dma_wait3A_99 : memref<1x640xf32, #tpu.memory_space<vmem>> -> memref<640xf32, #tpu.memory_space<vmem>>
      %dma_wait3A_101 = tpu.memref_slice %arg7[%run_scoped3A_74, %mul3A_73] : memref<16x10240xf32, #tpu.memory_space<vmem_shared>> -> memref<1x640xf32, #tpu.memory_space<vmem_shared>>
      %dma_wait3A_102 = tpu.memref_squeeze %dma_wait3A_101 : memref<1x640xf32, #tpu.memory_space<vmem_shared>> -> memref<640xf32, #tpu.memory_space<vmem_shared>>
      %dma_wait3A_103 = arith.constant 0 : i32
      %dma_wait3A_104 = tpu.memref_slice %arg6[%run_scoped3A_75, %dma_wait3A_103] : memref<16x640xf32, #tpu.memory_space<vmem>> -> memref<1x640xf32, #tpu.memory_space<vmem>>
      %dma_wait3A_105 = tpu.memref_squeeze %dma_wait3A_104 : memref<1x640xf32, #tpu.memory_space<vmem>> -> memref<640xf32, #tpu.memory_space<vmem>>
      %dma_wait3A_106 = tpu.memref_slice %arg7[%run_scoped3A_74, %mul3A_73] : memref<16x10240xf32, #tpu.memory_space<vmem_shared>> -> memref<1x640xf32, #tpu.memory_space<vmem_shared>>
      %dma_wait3A_107 = tpu.memref_squeeze %dma_wait3A_106 : memref<1x640xf32, #tpu.memory_space<vmem_shared>> -> memref<640xf32, #tpu.memory_space<vmem_shared>>
      tpu.wait_dma2 semaphore(%run_scoped3A_89 : memref<!tpu.dma_semaphore, #tpu.memory_space<semaphore_mem>>) src(%dma_wait3A_107 : memref<640xf32, #tpu.memory_space<vmem_shared>>) dst(%dma_wait3A_105 : memref<640xf32, #tpu.memory_space<vmem>>)
      tpu.yield
    }) : () -> ()
    %mul3A_76 = arith.constant 640 : i32
    %mul3A_77 = arith.muli %arg1, %mul3A_76 : i32
    %run_scoped3A_78 = arith.constant 15 : i32
    %run_scoped3A_79 = arith.constant 15 : i32
    "tpu.region"() ({
      %run_scoped3A_89 = tpu.sem_alloc : memref<!tpu.dma_semaphore, #tpu.memory_space<semaphore_mem>>
      %dma_start3A = arith.constant 0 : i32
      %dma_start3A_90 = tpu.memref_slice %arg6[%run_scoped3A_79, %dma_start3A] : memref<16x640xf32, #tpu.memory_space<vmem>> -> memref<1x640xf32, #tpu.memory_space<vmem>>
      %dma_start3A_91 = tpu.memref_squeeze %dma_start3A_90 : memref<1x640xf32, #tpu.memory_space<vmem>> -> memref<640xf32, #tpu.memory_space<vmem>>
      %dma_start3A_92 = tpu.memref_slice %arg7[%run_scoped3A_78, %mul3A_77] : memref<16x10240xf32, #tpu.memory_space<vmem_shared>> -> memref<1x640xf32, #tpu.memory_space<vmem_shared>>
      %dma_start3A_93 = tpu.memref_squeeze %dma_start3A_92 : memref<1x640xf32, #tpu.memory_space<vmem_shared>> -> memref<640xf32, #tpu.memory_space<vmem_shared>>
      %dma_start3A_94 = arith.constant 0 : i32
      %dma_start3A_95 = tpu.memref_slice %arg6[%run_scoped3A_79, %dma_start3A_94] : memref<16x640xf32, #tpu.memory_space<vmem>> -> memref<1x640xf32, #tpu.memory_space<vmem>>
      %dma_start3A_96 = tpu.memref_squeeze %dma_start3A_95 : memref<1x640xf32, #tpu.memory_space<vmem>> -> memref<640xf32, #tpu.memory_space<vmem>>
      %dma_start3A_97 = tpu.memref_slice %arg7[%run_scoped3A_78, %mul3A_77] : memref<16x10240xf32, #tpu.memory_space<vmem_shared>> -> memref<1x640xf32, #tpu.memory_space<vmem_shared>>
      %dma_start3A_98 = tpu.memref_squeeze %dma_start3A_97 : memref<1x640xf32, #tpu.memory_space<vmem_shared>> -> memref<640xf32, #tpu.memory_space<vmem_shared>>
      tpu.enqueue_dma source(%dma_start3A_98 : memref<640xf32, #tpu.memory_space<vmem_shared>>) target(%dma_start3A_96 : memref<640xf32, #tpu.memory_space<vmem>>) target_semaphore(%run_scoped3A_89 : memref<!tpu.dma_semaphore, #tpu.memory_space<semaphore_mem>>)
      %dma_wait3A = arith.constant 0 : i32
      %dma_wait3A_99 = tpu.memref_slice %arg6[%run_scoped3A_79, %dma_wait3A] : memref<16x640xf32, #tpu.memory_space<vmem>> -> memref<1x640xf32, #tpu.memory_space<vmem>>
      %dma_wait3A_100 = tpu.memref_squeeze %dma_wait3A_99 : memref<1x640xf32, #tpu.memory_space<vmem>> -> memref<640xf32, #tpu.memory_space<vmem>>
      %dma_wait3A_101 = tpu.memref_slice %arg7[%run_scoped3A_78, %mul3A_77] : memref<16x10240xf32, #tpu.memory_space<vmem_shared>> -> memref<1x640xf32, #tpu.memory_space<vmem_shared>>
      %dma_wait3A_102 = tpu.memref_squeeze %dma_wait3A_101 : memref<1x640xf32, #tpu.memory_space<vmem_shared>> -> memref<640xf32, #tpu.memory_space<vmem_shared>>
      %dma_wait3A_103 = arith.constant 0 : i32
      %dma_wait3A_104 = tpu.memref_slice %arg6[%run_scoped3A_79, %dma_wait3A_103] : memref<16x640xf32, #tpu.memory_space<vmem>> -> memref<1x640xf32, #tpu.memory_space<vmem>>
      %dma_wait3A_105 = tpu.memref_squeeze %dma_wait3A_104 : memref<1x640xf32, #tpu.memory_space<vmem>> -> memref<640xf32, #tpu.memory_space<vmem>>
      %dma_wait3A_106 = tpu.memref_slice %arg7[%run_scoped3A_78, %mul3A_77] : memref<16x10240xf32, #tpu.memory_space<vmem_shared>> -> memref<1x640xf32, #tpu.memory_space<vmem_shared>>
      %dma_wait3A_107 = tpu.memref_squeeze %dma_wait3A_106 : memref<1x640xf32, #tpu.memory_space<vmem_shared>> -> memref<640xf32, #tpu.memory_space<vmem_shared>>
      tpu.wait_dma2 semaphore(%run_scoped3A_89 : memref<!tpu.dma_semaphore, #tpu.memory_space<semaphore_mem>>) src(%dma_wait3A_107 : memref<640xf32, #tpu.memory_space<vmem_shared>>) dst(%dma_wait3A_105 : memref<640xf32, #tpu.memory_space<vmem>>)
      tpu.yield
    }) : () -> ()
    %scan3A_80 = arith.constant 0 : i32
    %scan3A_81 = arith.constant 0 : i32
    %scan3A_82 = arith.constant 40 : i32
    %scan3A_83 = arith.addi %scan3A_81, %scan3A_82 : i32
    %scan3A_84 = arith.constant 1 : i32
    %scan3A_85 = scf.for %scan3A_89 = %scan3A_81 to %scan3A_83 step %scan3A_84 iter_args(%scan3A_90 = %scan3A_80) -> (i32)  : i32 {
      %mul3A_91 = arith.constant 16 : i32
      %mul3A_92 = arith.muli %scan3A_89, %mul3A_91 : i32
      %get3A = arith.constant 0 : i32
      %get3A_93 = arith.index_cast %get3A : i32 to index
      %get3A_94 = arith.index_cast %mul3A_92 : i32 to index
      %get3A_95 = tpu.vector_load %arg6[%get3A_93, %get3A_94] {strides = array<i32>} : memref<16x640xf32, #tpu.memory_space<vmem>>, vector<16xf32>,
      %mul3A_96 = arith.constant 16 : i32
      %mul3A_97 = arith.muli %scan3A_89, %mul3A_96 : i32
      %get3A_98 = arith.constant 1 : i32
      %get3A_99 = arith.index_cast %get3A_98 : i32 to index
      %get3A_100 = arith.index_cast %mul3A_97 : i32 to index
      %get3A_101 = tpu.vector_load %arg6[%get3A_99, %get3A_100] {strides = array<i32>} : memref<16x640xf32, #tpu.memory_space<vmem>>, vector<16xf32>,
      %add3A_102 = arith.addf %get3A_95, %get3A_101 : vector<16xf32>
      %mul3A_103 = arith.constant 16 : i32
      %mul3A_104 = arith.muli %scan3A_89, %mul3A_103 : i32
      %get3A_105 = arith.constant 2 : i32
      %get3A_106 = arith.index_cast %get3A_105 : i32 to index
      %get3A_107 = arith.index_cast %mul3A_104 : i32 to index
      %get3A_108 = tpu.vector_load %arg6[%get3A_106, %get3A_107] {strides = array<i32>} : memref<16x640xf32, #tpu.memory_space<vmem>>, vector<16xf32>,
      %add3A_109 = arith.addf %add3A_102, %get3A_108 : vector<16xf32>
      %mul3A_110 = arith.constant 16 : i32
      %mul3A_111 = arith.muli %scan3A_89, %mul3A_110 : i32
      %get3A_112 = arith.constant 3 : i32
      %get3A_113 = arith.index_cast %get3A_112 : i32 to index
      %get3A_114 = arith.index_cast %mul3A_111 : i32 to index
      %get3A_115 = tpu.vector_load %arg6[%get3A_113, %get3A_114] {strides = array<i32>} : memref<16x640xf32, #tpu.memory_space<vmem>>, vector<16xf32>,
      %add3A_116 = arith.addf %add3A_109, %get3A_115 : vector<16xf32>
      %mul3A_117 = arith.constant 16 : i32
      %mul3A_118 = arith.muli %scan3A_89, %mul3A_117 : i32
      %get3A_119 = arith.constant 4 : i32
      %get3A_120 = arith.index_cast %get3A_119 : i32 to index
      %get3A_121 = arith.index_cast %mul3A_118 : i32 to index
      %get3A_122 = tpu.vector_load %arg6[%get3A_120, %get3A_121] {strides = array<i32>} : memref<16x640xf32, #tpu.memory_space<vmem>>, vector<16xf32>,
      %add3A_123 = arith.addf %add3A_116, %get3A_122 : vector<16xf32>
      %mul3A_124 = arith.constant 16 : i32
      %mul3A_125 = arith.muli %scan3A_89, %mul3A_124 : i32
      %get3A_126 = arith.constant 5 : i32
      %get3A_127 = arith.index_cast %get3A_126 : i32 to index
      %get3A_128 = arith.index_cast %mul3A_125 : i32 to index
      %get3A_129 = tpu.vector_load %arg6[%get3A_127, %get3A_128] {strides = array<i32>} : memref<16x640xf32, #tpu.memory_space<vmem>>, vector<16xf32>,
      %add3A_130 = arith.addf %add3A_123, %get3A_129 : vector<16xf32>
      %mul3A_131 = arith.constant 16 : i32
      %mul3A_132 = arith.muli %scan3A_89, %mul3A_131 : i32
      %get3A_133 = arith.constant 6 : i32
      %get3A_134 = arith.index_cast %get3A_133 : i32 to index
      %get3A_135 = arith.index_cast %mul3A_132 : i32 to index
      %get3A_136 = tpu.vector_load %arg6[%get3A_134, %get3A_135] {strides = array<i32>} : memref<16x640xf32, #tpu.memory_space<vmem>>, vector<16xf32>,
      %add3A_137 = arith.addf %add3A_130, %get3A_136 : vector<16xf32>
      %mul3A_138 = arith.constant 16 : i32
      %mul3A_139 = arith.muli %scan3A_89, %mul3A_138 : i32
      %get3A_140 = arith.constant 7 : i32
      %get3A_141 = arith.index_cast %get3A_140 : i32 to index
      %get3A_142 = arith.index_cast %mul3A_139 : i32 to index
      %get3A_143 = tpu.vector_load %arg6[%get3A_141, %get3A_142] {strides = array<i32>} : memref<16x640xf32, #tpu.memory_space<vmem>>, vector<16xf32>,
      %add3A_144 = arith.addf %add3A_137, %get3A_143 : vector<16xf32>
      %mul3A_145 = arith.constant 16 : i32
      %mul3A_146 = arith.muli %scan3A_89, %mul3A_145 : i32
      %get3A_147 = arith.constant 8 : i32
      %get3A_148 = arith.index_cast %get3A_147 : i32 to index
      %get3A_149 = arith.index_cast %mul3A_146 : i32 to index
      %get3A_150 = tpu.vector_load %arg6[%get3A_148, %get3A_149] {strides = array<i32>} : memref<16x640xf32, #tpu.memory_space<vmem>>, vector<16xf32>,
      %add3A_151 = arith.addf %add3A_144, %get3A_150 : vector<16xf32>
      %mul3A_152 = arith.constant 16 : i32
      %mul3A_153 = arith.muli %scan3A_89, %mul3A_152 : i32
      %get3A_154 = arith.constant 9 : i32
      %get3A_155 = arith.index_cast %get3A_154 : i32 to index
      %get3A_156 = arith.index_cast %mul3A_153 : i32 to index
      %get3A_157 = tpu.vector_load %arg6[%get3A_155, %get3A_156] {strides = array<i32>} : memref<16x640xf32, #tpu.memory_space<vmem>>, vector<16xf32>,
      %add3A_158 = arith.addf %add3A_151, %get3A_157 : vector<16xf32>
      %mul3A_159 = arith.constant 16 : i32
      %mul3A_160 = arith.muli %scan3A_89, %mul3A_159 : i32
      %get3A_161 = arith.constant 10 : i32
      %get3A_162 = arith.index_cast %get3A_161 : i32 to index
      %get3A_163 = arith.index_cast %mul3A_160 : i32 to index
      %get3A_164 = tpu.vector_load %arg6[%get3A_162, %get3A_163] {strides = array<i32>} : memref<16x640xf32, #tpu.memory_space<vmem>>, vector<16xf32>,
      %add3A_165 = arith.addf %add3A_158, %get3A_164 : vector<16xf32>
      %mul3A_166 = arith.constant 16 : i32
      %mul3A_167 = arith.muli %scan3A_89, %mul3A_166 : i32
      %get3A_168 = arith.constant 11 : i32
      %get3A_169 = arith.index_cast %get3A_168 : i32 to index
      %get3A_170 = arith.index_cast %mul3A_167 : i32 to index
      %get3A_171 = tpu.vector_load %arg6[%get3A_169, %get3A_170] {strides = array<i32>} : memref<16x640xf32, #tpu.memory_space<vmem>>, vector<16xf32>,
      %add3A_172 = arith.addf %add3A_165, %get3A_171 : vector<16xf32>
      %mul3A_173 = arith.constant 16 : i32
      %mul3A_174 = arith.muli %scan3A_89, %mul3A_173 : i32
      %get3A_175 = arith.constant 12 : i32
      %get3A_176 = arith.index_cast %get3A_175 : i32 to index
      %get3A_177 = arith.index_cast %mul3A_174 : i32 to index
      %get3A_178 = tpu.vector_load %arg6[%get3A_176, %get3A_177] {strides = array<i32>} : memref<16x640xf32, #tpu.memory_space<vmem>>, vector<16xf32>,
      %add3A_179 = arith.addf %add3A_172, %get3A_178 : vector<16xf32>
      %mul3A_180 = arith.constant 16 : i32
      %mul3A_181 = arith.muli %scan3A_89, %mul3A_180 : i32
      %get3A_182 = arith.constant 13 : i32
      %get3A_183 = arith.index_cast %get3A_182 : i32 to index
      %get3A_184 = arith.index_cast %mul3A_181 : i32 to index
      %get3A_185 = tpu.vector_load %arg6[%get3A_183, %get3A_184] {strides = array<i32>} : memref<16x640xf32, #tpu.memory_space<vmem>>, vector<16xf32>,
      %add3A_186 = arith.addf %add3A_179, %get3A_185 : vector<16xf32>
      %mul3A_187 = arith.constant 16 : i32
      %mul3A_188 = arith.muli %scan3A_89, %mul3A_187 : i32
      %get3A_189 = arith.constant 14 : i32
      %get3A_190 = arith.index_cast %get3A_189 : i32 to index
      %get3A_191 = arith.index_cast %mul3A_188 : i32 to index
      %get3A_192 = tpu.vector_load %arg6[%get3A_190, %get3A_191] {strides = array<i32>} : memref<16x640xf32, #tpu.memory_space<vmem>>, vector<16xf32>,
      %add3A_193 = arith.addf %add3A_186, %get3A_192 : vector<16xf32>
      %mul3A_194 = arith.constant 16 : i32
      %mul3A_195 = arith.muli %scan3A_89, %mul3A_194 : i32
      %get3A_196 = arith.constant 15 : i32
      %get3A_197 = arith.index_cast %get3A_196 : i32 to index
      %get3A_198 = arith.index_cast %mul3A_195 : i32 to index
      %get3A_199 = tpu.vector_load %arg6[%get3A_197, %get3A_198] {strides = array<i32>} : memref<16x640xf32, #tpu.memory_space<vmem>>, vector<16xf32>,
      %add3A_200 = arith.addf %add3A_193, %get3A_199 : vector<16xf32>
      %mul3A_201 = arith.constant 16 : i32
      %mul3A_202 = arith.muli %scan3A_89, %mul3A_201 : i32
      %swap3A = arith.index_cast %mul3A_202 : i32 to index
      %swap3A_203 = tpu.vector_load %arg5[%swap3A] {strides = array<i32>} : memref<10240xf32, #tpu.memory_space<vmem>>, vector<16xf32>,
      tpu.vector_store %arg5[%swap3A], %add3A_200 {strides = array<i32>} : memref<10240xf32, #tpu.memory_space<vmem>>, vector<16xf32>,
      %scan3A_204 = arith.constant 0 : i32
      scf.yield %scan3A_204 : i32
    }
    %scan3A_86 = arith.constant 40 : i32
    %mul3A_87 = arith.constant 640 : i32
    %mul3A_88 = arith.muli %arg1, %mul3A_87 : i32
    "tpu.region"() ({
      %run_scoped3A_89 = tpu.sem_alloc : memref<!tpu.dma_semaphore, #tpu.memory_space<semaphore_mem>>
      %dma_start3A = arith.constant 0 : i32
      %dma_start3A_90 = tpu.memref_slice %arg5[%dma_start3A] : memref<10240xf32, #tpu.memory_space<vmem>> -> memref<640xf32, #tpu.memory_space<vmem>>
      %dma_start3A_91 = tpu.memref_slice %arg3[%arg0, %mul3A_88] : memref<2x10240xf32, #tpu.memory_space<hbm>> -> memref<1x640xf32, #tpu.memory_space<hbm>>
      %dma_start3A_92 = tpu.memref_squeeze %dma_start3A_91 : memref<1x640xf32, #tpu.memory_space<hbm>> -> memref<640xf32, #tpu.memory_space<hbm>>
      %dma_start3A_93 = tpu.memref_slice %arg3[%arg0, %mul3A_88] : memref<2x10240xf32, #tpu.memory_space<hbm>> -> memref<1x640xf32, #tpu.memory_space<hbm>>
      %dma_start3A_94 = tpu.memref_squeeze %dma_start3A_93 : memref<1x640xf32, #tpu.memory_space<hbm>> -> memref<640xf32, #tpu.memory_space<hbm>>
      %dma_start3A_95 = arith.constant 0 : i32
      %dma_start3A_96 = tpu.memref_slice %arg5[%dma_start3A_95] : memref<10240xf32, #tpu.memory_space<vmem>> -> memref<640xf32, #tpu.memory_space<vmem>>
      tpu.enqueue_dma source(%dma_start3A_96 : memref<640xf32, #tpu.memory_space<vmem>>) target(%dma_start3A_94 : memref<640xf32, #tpu.memory_space<hbm>>) target_semaphore(%run_scoped3A_89 : memref<!tpu.dma_semaphore, #tpu.memory_space<semaphore_mem>>)
      %dma_wait3A = arith.constant 0 : i32
      %dma_wait3A_97 = tpu.memref_slice %arg5[%dma_wait3A] : memref<10240xf32, #tpu.memory_space<vmem>> -> memref<640xf32, #tpu.memory_space<vmem>>
      %dma_wait3A_98 = tpu.memref_slice %arg3[%arg0, %mul3A_88] : memref<2x10240xf32, #tpu.memory_space<hbm>> -> memref<1x640xf32, #tpu.memory_space<hbm>>
      %dma_wait3A_99 = tpu.memref_squeeze %dma_wait3A_98 : memref<1x640xf32, #tpu.memory_space<hbm>> -> memref<640xf32, #tpu.memory_space<hbm>>
      %dma_wait3A_100 = tpu.memref_slice %arg3[%arg0, %mul3A_88] : memref<2x10240xf32, #tpu.memory_space<hbm>> -> memref<1x640xf32, #tpu.memory_space<hbm>>
      %dma_wait3A_101 = tpu.memref_squeeze %dma_wait3A_100 : memref<1x640xf32, #tpu.memory_space<hbm>> -> memref<640xf32, #tpu.memory_space<hbm>>
      %dma_wait3A_102 = arith.constant 0 : i32
      %dma_wait3A_103 = tpu.memref_slice %arg5[%dma_wait3A_102] : memref<10240xf32, #tpu.memory_space<vmem>> -> memref<640xf32, #tpu.memory_space<vmem>>
      tpu.wait_dma2 semaphore(%run_scoped3A_89 : memref<!tpu.dma_semaphore, #tpu.memory_space<semaphore_mem>>) src(%dma_wait3A_103 : memref<640xf32, #tpu.memory_space<vmem>>) dst(%dma_wait3A_101 : memref<640xf32, #tpu.memory_space<hbm>>)
      tpu.yield
    }) : () -> ()
    return
  }
}

#map = affine_map<(d0, d1) -> (0, 0)>
#map1 = affine_map<(d0, d1) -> (0, 0, 0)>
module attributes {stable_mosaic.version = 14 : i64} {
  func.func @_agg_kernel(%arg0: i32, %arg1: i32, %arg2: memref<10240x128xf32, #tpu.memory_space<hbm>>, %arg3: memref<32x80x125xi32, #tpu.memory_space<hbm>>, %arg4: memref<32x80x125xi32, #tpu.memory_space<hbm>>, %arg5: memref<2x10240x128xf32, #tpu.memory_space<hbm>>, %arg6: memref<40x125xi32, #tpu.memory_space<vmem>>, %arg7: memref<40x125xi32, #tpu.memory_space<vmem>>, %arg8: memref<125x128xf32, #tpu.memory_space<vmem>>, %arg9: memref<125x128xf32, #tpu.memory_space<vmem>>, %arg10: memref<32x128xf32, #tpu.memory_space<vmem>>, %arg11: memref<10240x128xf32, #tpu.memory_space<vmem_shared>>, %arg12: memref<!tpu.dma_semaphore, #tpu.memory_space<semaphore_mem>>, %arg13: memref<!tpu.dma_semaphore, #tpu.memory_space<semaphore_mem>>) attributes {dimension_semantics = [#tpu.dimension_semantics<core_parallel>, #tpu.dimension_semantics<subcore_parallel>], iteration_bounds = array<i64: 2, 16>, scalar_prefetch = 0 : i64, scratch_operands = 8 : i64, tpu.core_type = #tpu.core_type<sc_vector_subcore>, window_params = [{transform_indices = #map}, {transform_indices = #map1}, {transform_indices = #map1}, {transform_indices = #map1}]} {
    %mul3A = arith.constant 2 : i32
    %mul3A_0 = arith.muli %arg1, %mul3A : i32
    %add3A = arith.addi %mul3A_0, %arg0 : i32
    %eq3A = arith.constant 0 : i32
    %eq3A_1 = arith.cmpi eq, %arg0, %eq3A : i32
    %convert_element_type3A = arith.extui %eq3A_1 : i1 to i32
    %cond3A = arith.constant 0 : i32
    %cond3A_2 = arith.cmpi ne, %convert_element_type3A, %cond3A : i32
    scf.if %cond3A_2 {
      %mul3A_38 = arith.constant 640 : i32
      %mul3A_39 = arith.muli %arg1, %mul3A_38 : i32
      %mul3A_40 = arith.constant 640 : i32
      %mul3A_41 = arith.muli %arg1, %mul3A_40 : i32
      "tpu.region"() ({
        %run_scoped3A = tpu.sem_alloc : memref<!tpu.dma_semaphore, #tpu.memory_space<semaphore_mem>>
        %dma_start3A_42 = arith.constant 0 : i32
        %dma_start3A_43 = tpu.memref_slice %arg11[%mul3A_41, %dma_start3A_42] : memref<10240x128xf32, #tpu.memory_space<vmem_shared>> -> memref<640x128xf32, #tpu.memory_space<vmem_shared>>
        %dma_start3A_44 = arith.constant 0 : i32
        %dma_start3A_45 = tpu.memref_slice %arg2[%mul3A_39, %dma_start3A_44] : memref<10240x128xf32, #tpu.memory_space<hbm>> -> memref<640x128xf32, #tpu.memory_space<hbm>>
        tpu.enqueue_dma source(%dma_start3A_45 : memref<640x128xf32, #tpu.memory_space<hbm>>) target(%dma_start3A_43 : memref<640x128xf32, #tpu.memory_space<vmem_shared>>) target_semaphore(%run_scoped3A : memref<!tpu.dma_semaphore, #tpu.memory_space<semaphore_mem>>)
        %dma_wait3A = arith.constant 0 : i32
        %dma_wait3A_46 = tpu.memref_slice %arg11[%mul3A_41, %dma_wait3A] : memref<10240x128xf32, #tpu.memory_space<vmem_shared>> -> memref<640x128xf32, #tpu.memory_space<vmem_shared>>
        %dma_wait3A_47 = arith.constant 0 : i32
        %dma_wait3A_48 = tpu.memref_slice %arg2[%mul3A_39, %dma_wait3A_47] : memref<10240x128xf32, #tpu.memory_space<hbm>> -> memref<640x128xf32, #tpu.memory_space<hbm>>
        tpu.wait_dma2 semaphore(%run_scoped3A : memref<!tpu.dma_semaphore, #tpu.memory_space<semaphore_mem>>) src(%dma_wait3A_48 : memref<640x128xf32, #tpu.memory_space<hbm>>) dst(%dma_wait3A_46 : memref<640x128xf32, #tpu.memory_space<vmem_shared>>)
        tpu.yield
      }) : () -> ()
    } else {
    }
    %ne3A = arith.constant 0 : i32
    %ne3A_3 = arith.cmpi ne, %arg0, %ne3A : i32
    %convert_element_type3A_4 = arith.extui %ne3A_3 : i1 to i32
    %cond3A_5 = arith.constant 0 : i32
    %cond3A_6 = arith.cmpi ne, %convert_element_type3A_4, %cond3A_5 : i32
    scf.if %cond3A_6 {
      %broadcast_in_dim3A = arith.constant 0.000000e+00 : f32
      %broadcast_in_dim3A_38 = vector.broadcast %broadcast_in_dim3A : f32 to vector<16xf32>
      %scan3A_39 = arith.constant 0 : i32
      %scan3A_40 = arith.constant 0 : i32
      %scan3A_41 = arith.constant 32 : i32
      %scan3A_42 = arith.addi %scan3A_40, %scan3A_41 : i32
      %scan3A_43 = arith.constant 1 : i32
      %scan3A_44 = scf.for %scan3A_53 = %scan3A_40 to %scan3A_42 step %scan3A_43 iter_args(%scan3A_54 = %scan3A_39) -> (i32)  : i32 {
        %swap3A = arith.index_cast %scan3A_53 : i32 to index
        %swap3A_55 = arith.constant 0 : index
        %swap3A_56 = tpu.vector_load %arg10[%swap3A, %swap3A_55] {strides = array<i32>} : memref<32x128xf32, #tpu.memory_space<vmem>>, vector<16xf32>,
        tpu.vector_store %arg10[%swap3A, %swap3A_55], %broadcast_in_dim3A_38 {strides = array<i32>} : memref<32x128xf32, #tpu.memory_space<vmem>>, vector<16xf32>,
        %swap3A_57 = arith.index_cast %scan3A_53 : i32 to index
        %swap3A_58 = arith.constant 16 : index
        %swap3A_59 = tpu.vector_load %arg10[%swap3A_57, %swap3A_58] {strides = array<i32>} : memref<32x128xf32, #tpu.memory_space<vmem>>, vector<16xf32>,
        tpu.vector_store %arg10[%swap3A_57, %swap3A_58], %broadcast_in_dim3A_38 {strides = array<i32>} : memref<32x128xf32, #tpu.memory_space<vmem>>, vector<16xf32>,
        %swap3A_60 = arith.index_cast %scan3A_53 : i32 to index
        %swap3A_61 = arith.constant 32 : index
        %swap3A_62 = tpu.vector_load %arg10[%swap3A_60, %swap3A_61] {strides = array<i32>} : memref<32x128xf32, #tpu.memory_space<vmem>>, vector<16xf32>,
        tpu.vector_store %arg10[%swap3A_60, %swap3A_61], %broadcast_in_dim3A_38 {strides = array<i32>} : memref<32x128xf32, #tpu.memory_space<vmem>>, vector<16xf32>,
        %swap3A_63 = arith.index_cast %scan3A_53 : i32 to index
        %swap3A_64 = arith.constant 48 : index
        %swap3A_65 = tpu.vector_load %arg10[%swap3A_63, %swap3A_64] {strides = array<i32>} : memref<32x128xf32, #tpu.memory_space<vmem>>, vector<16xf32>,
        tpu.vector_store %arg10[%swap3A_63, %swap3A_64], %broadcast_in_dim3A_38 {strides = array<i32>} : memref<32x128xf32, #tpu.memory_space<vmem>>, vector<16xf32>,
        %swap3A_66 = arith.index_cast %scan3A_53 : i32 to index
        %swap3A_67 = arith.constant 64 : index
        %swap3A_68 = tpu.vector_load %arg10[%swap3A_66, %swap3A_67] {strides = array<i32>} : memref<32x128xf32, #tpu.memory_space<vmem>>, vector<16xf32>,
        tpu.vector_store %arg10[%swap3A_66, %swap3A_67], %broadcast_in_dim3A_38 {strides = array<i32>} : memref<32x128xf32, #tpu.memory_space<vmem>>, vector<16xf32>,
        %swap3A_69 = arith.index_cast %scan3A_53 : i32 to index
        %swap3A_70 = arith.constant 80 : index
        %swap3A_71 = tpu.vector_load %arg10[%swap3A_69, %swap3A_70] {strides = array<i32>} : memref<32x128xf32, #tpu.memory_space<vmem>>, vector<16xf32>,
        tpu.vector_store %arg10[%swap3A_69, %swap3A_70], %broadcast_in_dim3A_38 {strides = array<i32>} : memref<32x128xf32, #tpu.memory_space<vmem>>, vector<16xf32>,
        %swap3A_72 = arith.index_cast %scan3A_53 : i32 to index
        %swap3A_73 = arith.constant 96 : index
        %swap3A_74 = tpu.vector_load %arg10[%swap3A_72, %swap3A_73] {strides = array<i32>} : memref<32x128xf32, #tpu.memory_space<vmem>>, vector<16xf32>,
        tpu.vector_store %arg10[%swap3A_72, %swap3A_73], %broadcast_in_dim3A_38 {strides = array<i32>} : memref<32x128xf32, #tpu.memory_space<vmem>>, vector<16xf32>,
        %swap3A_75 = arith.index_cast %scan3A_53 : i32 to index
        %swap3A_76 = arith.constant 112 : index
        %swap3A_77 = tpu.vector_load %arg10[%swap3A_75, %swap3A_76] {strides = array<i32>} : memref<32x128xf32, #tpu.memory_space<vmem>>, vector<16xf32>,
        tpu.vector_store %arg10[%swap3A_75, %swap3A_76], %broadcast_in_dim3A_38 {strides = array<i32>} : memref<32x128xf32, #tpu.memory_space<vmem>>, vector<16xf32>,
        %scan3A_78 = arith.constant 0 : i32
        scf.yield %scan3A_78 : i32
      }
      %scan3A_45 = arith.constant 32 : i32
      %scan3A_46 = arith.constant 0 : i32
      %scan3A_47 = arith.constant 0 : i32
      %scan3A_48 = arith.constant 20 : i32
      %scan3A_49 = arith.addi %scan3A_47, %scan3A_48 : i32
      %scan3A_50 = arith.constant 1 : i32
      %scan3A_51 = scf.for %scan3A_53 = %scan3A_47 to %scan3A_49 step %scan3A_50 iter_args(%scan3A_54 = %scan3A_46) -> (i32)  : i32 {
        %mul3A_55 = arith.constant 640 : i32
        %mul3A_56 = arith.muli %arg1, %mul3A_55 : i32
        %mul3A_57 = arith.constant 32 : i32
        %mul3A_58 = arith.muli %scan3A_53, %mul3A_57 : i32
        %add3A_59 = arith.addi %mul3A_56, %mul3A_58 : i32
        "tpu.region"() ({
          %run_scoped3A = tpu.sem_alloc : memref<!tpu.dma_semaphore, #tpu.memory_space<semaphore_mem>>
          %dma_start3A_61 = arith.constant 0 : i32
          %dma_start3A_62 = tpu.memref_slice %arg11[%add3A_59, %dma_start3A_61] : memref<10240x128xf32, #tpu.memory_space<vmem_shared>> -> memref<32x128xf32, #tpu.memory_space<vmem_shared>>
          %dma_start3A_63 = arith.constant 0 : i32
          %dma_start3A_64 = tpu.memref_slice %arg11[%add3A_59, %dma_start3A_63] : memref<10240x128xf32, #tpu.memory_space<vmem_shared>> -> memref<32x128xf32, #tpu.memory_space<vmem_shared>>
          tpu.enqueue_dma source(%arg10 : memref<32x128xf32, #tpu.memory_space<vmem>>) target(%dma_start3A_64 : memref<32x128xf32, #tpu.memory_space<vmem_shared>>) target_semaphore(%run_scoped3A : memref<!tpu.dma_semaphore, #tpu.memory_space<semaphore_mem>>)
          %dma_wait3A = arith.constant 0 : i32
          %dma_wait3A_65 = tpu.memref_slice %arg11[%add3A_59, %dma_wait3A] : memref<10240x128xf32, #tpu.memory_space<vmem_shared>> -> memref<32x128xf32, #tpu.memory_space<vmem_shared>>
          %dma_wait3A_66 = arith.constant 0 : i32
          %dma_wait3A_67 = tpu.memref_slice %arg11[%add3A_59, %dma_wait3A_66] : memref<10240x128xf32, #tpu.memory_space<vmem_shared>> -> memref<32x128xf32, #tpu.memory_space<vmem_shared>>
          tpu.wait_dma2 semaphore(%run_scoped3A : memref<!tpu.dma_semaphore, #tpu.memory_space<semaphore_mem>>) src(%arg10 : memref<32x128xf32, #tpu.memory_space<vmem>>) dst(%dma_wait3A_67 : memref<32x128xf32, #tpu.memory_space<vmem_shared>>)
          tpu.yield
        }) : () -> ()
        %scan3A_60 = arith.constant 0 : i32
        scf.yield %scan3A_60 : i32
      }
      %scan3A_52 = arith.constant 20 : i32
    } else {
    }
    %barrier3A = arith.constant 0 : index
    tpu.barrier barrier_id(%barrier3A)
    "tpu.region"() ({
      %run_scoped3A = tpu.sem_alloc : memref<!tpu.dma_semaphore, #tpu.memory_space<semaphore_mem>>
      %dma_start3A_38 = arith.constant 0 : i32
      %dma_start3A_39 = arith.constant 0 : i32
      %dma_start3A_40 = tpu.memref_slice %arg3[%add3A, %dma_start3A_38, %dma_start3A_39] : memref<32x80x125xi32, #tpu.memory_space<hbm>> -> memref<1x40x125xi32, #tpu.memory_space<hbm>>
      %dma_start3A_41 = tpu.memref_squeeze %dma_start3A_40 : memref<1x40x125xi32, #tpu.memory_space<hbm>> -> memref<40x125xi32, #tpu.memory_space<hbm>>
      %dma_start3A_42 = arith.constant 0 : i32
      %dma_start3A_43 = arith.constant 0 : i32
      %dma_start3A_44 = tpu.memref_slice %arg3[%add3A, %dma_start3A_42, %dma_start3A_43] : memref<32x80x125xi32, #tpu.memory_space<hbm>> -> memref<1x40x125xi32, #tpu.memory_space<hbm>>
      %dma_start3A_45 = tpu.memref_squeeze %dma_start3A_44 : memref<1x40x125xi32, #tpu.memory_space<hbm>> -> memref<40x125xi32, #tpu.memory_space<hbm>>
      tpu.enqueue_dma source(%dma_start3A_45 : memref<40x125xi32, #tpu.memory_space<hbm>>) target(%arg6 : memref<40x125xi32, #tpu.memory_space<vmem>>) target_semaphore(%run_scoped3A : memref<!tpu.dma_semaphore, #tpu.memory_space<semaphore_mem>>)
      %dma_wait3A = arith.constant 0 : i32
      %dma_wait3A_46 = arith.constant 0 : i32
      %dma_wait3A_47 = tpu.memref_slice %arg3[%add3A, %dma_wait3A, %dma_wait3A_46] : memref<32x80x125xi32, #tpu.memory_space<hbm>> -> memref<1x40x125xi32, #tpu.memory_space<hbm>>
      %dma_wait3A_48 = tpu.memref_squeeze %dma_wait3A_47 : memref<1x40x125xi32, #tpu.memory_space<hbm>> -> memref<40x125xi32, #tpu.memory_space<hbm>>
      %dma_wait3A_49 = arith.constant 0 : i32
      %dma_wait3A_50 = arith.constant 0 : i32
      %dma_wait3A_51 = tpu.memref_slice %arg3[%add3A, %dma_wait3A_49, %dma_wait3A_50] : memref<32x80x125xi32, #tpu.memory_space<hbm>> -> memref<1x40x125xi32, #tpu.memory_space<hbm>>
      %dma_wait3A_52 = tpu.memref_squeeze %dma_wait3A_51 : memref<1x40x125xi32, #tpu.memory_space<hbm>> -> memref<40x125xi32, #tpu.memory_space<hbm>>
      tpu.wait_dma2 semaphore(%run_scoped3A : memref<!tpu.dma_semaphore, #tpu.memory_space<semaphore_mem>>) src(%dma_wait3A_52 : memref<40x125xi32, #tpu.memory_space<hbm>>) dst(%arg6 : memref<40x125xi32, #tpu.memory_space<vmem>>)
      tpu.yield
    }) : () -> ()
    "tpu.region"() ({
      %run_scoped3A = tpu.sem_alloc : memref<!tpu.dma_semaphore, #tpu.memory_space<semaphore_mem>>
      %dma_start3A_38 = arith.constant 0 : i32
      %dma_start3A_39 = arith.constant 0 : i32
      %dma_start3A_40 = tpu.memref_slice %arg4[%add3A, %dma_start3A_38, %dma_start3A_39] : memref<32x80x125xi32, #tpu.memory_space<hbm>> -> memref<1x40x125xi32, #tpu.memory_space<hbm>>
      %dma_start3A_41 = tpu.memref_squeeze %dma_start3A_40 : memref<1x40x125xi32, #tpu.memory_space<hbm>> -> memref<40x125xi32, #tpu.memory_space<hbm>>
      %dma_start3A_42 = arith.constant 0 : i32
      %dma_start3A_43 = arith.constant 0 : i32
      %dma_start3A_44 = tpu.memref_slice %arg4[%add3A, %dma_start3A_42, %dma_start3A_43] : memref<32x80x125xi32, #tpu.memory_space<hbm>> -> memref<1x40x125xi32, #tpu.memory_space<hbm>>
      %dma_start3A_45 = tpu.memref_squeeze %dma_start3A_44 : memref<1x40x125xi32, #tpu.memory_space<hbm>> -> memref<40x125xi32, #tpu.memory_space<hbm>>
      tpu.enqueue_dma source(%dma_start3A_45 : memref<40x125xi32, #tpu.memory_space<hbm>>) target(%arg7 : memref<40x125xi32, #tpu.memory_space<vmem>>) target_semaphore(%run_scoped3A : memref<!tpu.dma_semaphore, #tpu.memory_space<semaphore_mem>>)
      %dma_wait3A = arith.constant 0 : i32
      %dma_wait3A_46 = arith.constant 0 : i32
      %dma_wait3A_47 = tpu.memref_slice %arg4[%add3A, %dma_wait3A, %dma_wait3A_46] : memref<32x80x125xi32, #tpu.memory_space<hbm>> -> memref<1x40x125xi32, #tpu.memory_space<hbm>>
      %dma_wait3A_48 = tpu.memref_squeeze %dma_wait3A_47 : memref<1x40x125xi32, #tpu.memory_space<hbm>> -> memref<40x125xi32, #tpu.memory_space<hbm>>
      %dma_wait3A_49 = arith.constant 0 : i32
      %dma_wait3A_50 = arith.constant 0 : i32
      %dma_wait3A_51 = tpu.memref_slice %arg4[%add3A, %dma_wait3A_49, %dma_wait3A_50] : memref<32x80x125xi32, #tpu.memory_space<hbm>> -> memref<1x40x125xi32, #tpu.memory_space<hbm>>
      %dma_wait3A_52 = tpu.memref_squeeze %dma_wait3A_51 : memref<1x40x125xi32, #tpu.memory_space<hbm>> -> memref<40x125xi32, #tpu.memory_space<hbm>>
      tpu.wait_dma2 semaphore(%run_scoped3A : memref<!tpu.dma_semaphore, #tpu.memory_space<semaphore_mem>>) src(%dma_wait3A_52 : memref<40x125xi32, #tpu.memory_space<hbm>>) dst(%arg7 : memref<40x125xi32, #tpu.memory_space<vmem>>)
      tpu.yield
    }) : () -> ()
    %dma_start3A = arith.constant 0 : i32
    %dma_start3A_7 = arith.constant 0 : i32
    %dma_start3A_8 = tpu.memref_slice %arg6[%dma_start3A, %dma_start3A_7] : memref<40x125xi32, #tpu.memory_space<vmem>> -> memref<1x125xi32, #tpu.memory_space<vmem>>
    %dma_start3A_9 = tpu.memref_squeeze %dma_start3A_8 : memref<1x125xi32, #tpu.memory_space<vmem>> -> memref<125xi32, #tpu.memory_space<vmem>>
    %dma_start3A_10 = arith.constant 0 : i32
    %dma_start3A_11 = arith.constant 0 : i32
    %dma_start3A_12 = tpu.memref_slice %arg2[%dma_start3A_10, %dma_start3A_11] : memref<10240x128xf32, #tpu.memory_space<hbm>> -> memref<10240x128xf32, #tpu.memory_space<hbm>>
    tpu.enqueue_indirect_dma source(%dma_start3A_12 : memref<10240x128xf32, #tpu.memory_space<hbm>>) target(%arg8 : memref<125x128xf32, #tpu.memory_space<vmem>>) offsets(%dma_start3A_9 : memref<125xi32, #tpu.memory_space<vmem>>) semaphore(%arg12 : memref<!tpu.dma_semaphore, #tpu.memory_space<semaphore_mem>>)
    %scan3A = arith.constant 0 : i32
    %scan3A_13 = arith.constant 0 : i32
    %scan3A_14 = arith.constant 20 : i32
    %scan3A_15 = arith.addi %scan3A_13, %scan3A_14 : i32
    %scan3A_16 = arith.constant 1 : i32
    %scan3A_17 = scf.for %scan3A_38 = %scan3A_13 to %scan3A_15 step %scan3A_16 iter_args(%scan3A_39 = %scan3A) -> (i32)  : i32 {
      %mul3A_40 = arith.constant 2 : i32
      %mul3A_41 = arith.muli %mul3A_40, %scan3A_38 : i32
      %mul3A_42 = arith.constant 2 : i32
      %mul3A_43 = arith.muli %mul3A_42, %scan3A_38 : i32
      %add3A_44 = arith.constant 1 : i32
      %add3A_45 = arith.addi %mul3A_43, %add3A_44 : i32
      %dma_wait3A = arith.constant 0 : i32
      %dma_wait3A_46 = tpu.memref_slice %arg6[%mul3A_41, %dma_wait3A] : memref<40x125xi32, #tpu.memory_space<vmem>> -> memref<1x125xi32, #tpu.memory_space<vmem>>
      %dma_wait3A_47 = tpu.memref_squeeze %dma_wait3A_46 : memref<1x125xi32, #tpu.memory_space<vmem>> -> memref<125xi32, #tpu.memory_space<vmem>>
      %dma_wait3A_48 = arith.constant 0 : i32
      %dma_wait3A_49 = arith.constant 0 : i32
      %dma_wait3A_50 = tpu.memref_slice %arg2[%dma_wait3A_48, %dma_wait3A_49] : memref<10240x128xf32, #tpu.memory_space<hbm>> -> memref<10240x128xf32, #tpu.memory_space<hbm>>
      tpu.wait_indirect_dma semaphore(%arg12 : memref<!tpu.dma_semaphore, #tpu.memory_space<semaphore_mem>>) src(%dma_wait3A_50 : memref<10240x128xf32, #tpu.memory_space<hbm>>) dst(%arg8 : memref<125x128xf32, #tpu.memory_space<vmem>>)
      %dma_start3A_51 = arith.constant 0 : i32
      %dma_start3A_52 = tpu.memref_slice %arg6[%add3A_45, %dma_start3A_51] : memref<40x125xi32, #tpu.memory_space<vmem>> -> memref<1x125xi32, #tpu.memory_space<vmem>>
      %dma_start3A_53 = tpu.memref_squeeze %dma_start3A_52 : memref<1x125xi32, #tpu.memory_space<vmem>> -> memref<125xi32, #tpu.memory_space<vmem>>
      %dma_start3A_54 = arith.constant 0 : i32
      %dma_start3A_55 = arith.constant 0 : i32
      %dma_start3A_56 = tpu.memref_slice %arg2[%dma_start3A_54, %dma_start3A_55] : memref<10240x128xf32, #tpu.memory_space<hbm>> -> memref<10240x128xf32, #tpu.memory_space<hbm>>
      tpu.enqueue_indirect_dma source(%dma_start3A_56 : memref<10240x128xf32, #tpu.memory_space<hbm>>) target(%arg9 : memref<125x128xf32, #tpu.memory_space<vmem>>) offsets(%dma_start3A_53 : memref<125xi32, #tpu.memory_space<vmem>>) semaphore(%arg13 : memref<!tpu.dma_semaphore, #tpu.memory_space<semaphore_mem>>)
      "tpu.region"() ({
        %run_scoped3A = tpu.sem_alloc : memref<!tpu.dma_semaphore, #tpu.memory_space<semaphore_mem>>
        %dma_start3A_68 = arith.constant 0 : i32
        %dma_start3A_69 = tpu.memref_slice %arg7[%mul3A_41, %dma_start3A_68] : memref<40x125xi32, #tpu.memory_space<vmem>> -> memref<1x125xi32, #tpu.memory_space<vmem>>
        %dma_start3A_70 = tpu.memref_squeeze %dma_start3A_69 : memref<1x125xi32, #tpu.memory_space<vmem>> -> memref<125xi32, #tpu.memory_space<vmem>>
        %dma_start3A_71 = arith.constant 0 : i32
        %dma_start3A_72 = arith.constant 0 : i32
        %dma_start3A_73 = tpu.memref_slice %arg11[%dma_start3A_71, %dma_start3A_72] : memref<10240x128xf32, #tpu.memory_space<vmem_shared>> -> memref<10240x128xf32, #tpu.memory_space<vmem_shared>>
        tpu.enqueue_indirect_dma source(%arg8 : memref<125x128xf32, #tpu.memory_space<vmem>>) target(%dma_start3A_73 : memref<10240x128xf32, #tpu.memory_space<vmem_shared>>) offsets(%dma_start3A_70 : memref<125xi32, #tpu.memory_space<vmem>>) semaphore(%run_scoped3A : memref<!tpu.dma_semaphore, #tpu.memory_space<semaphore_mem>>) {add = true}
        %dma_wait3A_74 = arith.constant 0 : i32
        %dma_wait3A_75 = tpu.memref_slice %arg7[%mul3A_41, %dma_wait3A_74] : memref<40x125xi32, #tpu.memory_space<vmem>> -> memref<1x125xi32, #tpu.memory_space<vmem>>
        %dma_wait3A_76 = tpu.memref_squeeze %dma_wait3A_75 : memref<1x125xi32, #tpu.memory_space<vmem>> -> memref<125xi32, #tpu.memory_space<vmem>>
        %dma_wait3A_77 = arith.constant 0 : i32
        %dma_wait3A_78 = arith.constant 0 : i32
        %dma_wait3A_79 = tpu.memref_slice %arg11[%dma_wait3A_77, %dma_wait3A_78] : memref<10240x128xf32, #tpu.memory_space<vmem_shared>> -> memref<10240x128xf32, #tpu.memory_space<vmem_shared>>
        tpu.wait_indirect_dma semaphore(%run_scoped3A : memref<!tpu.dma_semaphore, #tpu.memory_space<semaphore_mem>>) src(%arg8 : memref<125x128xf32, #tpu.memory_space<vmem>>) dst(%dma_wait3A_79 : memref<10240x128xf32, #tpu.memory_space<vmem_shared>>)
        tpu.yield
      }) : () -> ()
      %dma_wait3A_57 = arith.constant 0 : i32
      %dma_wait3A_58 = tpu.memref_slice %arg6[%add3A_45, %dma_wait3A_57] : memref<40x125xi32, #tpu.memory_space<vmem>> -> memref<1x125xi32, #tpu.memory_space<vmem>>
      %dma_wait3A_59 = tpu.memref_squeeze %dma_wait3A_58 : memref<1x125xi32, #tpu.memory_space<vmem>> -> memref<125xi32, #tpu.memory_space<vmem>>
      %dma_wait3A_60 = arith.constant 0 : i32
      %dma_wait3A_61 = arith.constant 0 : i32
      %dma_wait3A_62 = tpu.memref_slice %arg2[%dma_wait3A_60, %dma_wait3A_61] : memref<10240x128xf32, #tpu.memory_space<hbm>> -> memref<10240x128xf32, #tpu.memory_space<hbm>>
      tpu.wait_indirect_dma semaphore(%arg13 : memref<!tpu.dma_semaphore, #tpu.memory_space<semaphore_mem>>) src(%dma_wait3A_62 : memref<10240x128xf32, #tpu.memory_space<hbm>>) dst(%arg9 : memref<125x128xf32, #tpu.memory_space<vmem>>)
      %lt3A = arith.constant 19 : i32
      %lt3A_63 = arith.cmpi slt, %scan3A_38, %lt3A : i32
      %convert_element_type3A_64 = arith.extui %lt3A_63 : i1 to i32
      %cond3A_65 = arith.constant 0 : i32
      %cond3A_66 = arith.cmpi ne, %convert_element_type3A_64, %cond3A_65 : i32
      scf.if %cond3A_66 {
        %add3A_68 = arith.constant 2 : i32
        %add3A_69 = arith.addi %mul3A_41, %add3A_68 : i32
        %dma_start3A_70 = arith.constant 0 : i32
        %dma_start3A_71 = tpu.memref_slice %arg6[%add3A_69, %dma_start3A_70] : memref<40x125xi32, #tpu.memory_space<vmem>> -> memref<1x125xi32, #tpu.memory_space<vmem>>
        %dma_start3A_72 = tpu.memref_squeeze %dma_start3A_71 : memref<1x125xi32, #tpu.memory_space<vmem>> -> memref<125xi32, #tpu.memory_space<vmem>>
        %dma_start3A_73 = arith.constant 0 : i32
        %dma_start3A_74 = arith.constant 0 : i32
        %dma_start3A_75 = tpu.memref_slice %arg2[%dma_start3A_73, %dma_start3A_74] : memref<10240x128xf32, #tpu.memory_space<hbm>> -> memref<10240x128xf32, #tpu.memory_space<hbm>>
        tpu.enqueue_indirect_dma source(%dma_start3A_75 : memref<10240x128xf32, #tpu.memory_space<hbm>>) target(%arg8 : memref<125x128xf32, #tpu.memory_space<vmem>>) offsets(%dma_start3A_72 : memref<125xi32, #tpu.memory_space<vmem>>) semaphore(%arg12 : memref<!tpu.dma_semaphore, #tpu.memory_space<semaphore_mem>>)
      } else {
      }
      "tpu.region"() ({
        %run_scoped3A = tpu.sem_alloc : memref<!tpu.dma_semaphore, #tpu.memory_space<semaphore_mem>>
        %dma_start3A_68 = arith.constant 0 : i32
        %dma_start3A_69 = tpu.memref_slice %arg7[%add3A_45, %dma_start3A_68] : memref<40x125xi32, #tpu.memory_space<vmem>> -> memref<1x125xi32, #tpu.memory_space<vmem>>
        %dma_start3A_70 = tpu.memref_squeeze %dma_start3A_69 : memref<1x125xi32, #tpu.memory_space<vmem>> -> memref<125xi32, #tpu.memory_space<vmem>>
        %dma_start3A_71 = arith.constant 0 : i32
        %dma_start3A_72 = arith.constant 0 : i32
        %dma_start3A_73 = tpu.memref_slice %arg11[%dma_start3A_71, %dma_start3A_72] : memref<10240x128xf32, #tpu.memory_space<vmem_shared>> -> memref<10240x128xf32, #tpu.memory_space<vmem_shared>>
        tpu.enqueue_indirect_dma source(%arg9 : memref<125x128xf32, #tpu.memory_space<vmem>>) target(%dma_start3A_73 : memref<10240x128xf32, #tpu.memory_space<vmem_shared>>) offsets(%dma_start3A_70 : memref<125xi32, #tpu.memory_space<vmem>>) semaphore(%run_scoped3A : memref<!tpu.dma_semaphore, #tpu.memory_space<semaphore_mem>>) {add = true}
        %dma_wait3A_74 = arith.constant 0 : i32
        %dma_wait3A_75 = tpu.memref_slice %arg7[%add3A_45, %dma_wait3A_74] : memref<40x125xi32, #tpu.memory_space<vmem>> -> memref<1x125xi32, #tpu.memory_space<vmem>>
        %dma_wait3A_76 = tpu.memref_squeeze %dma_wait3A_75 : memref<1x125xi32, #tpu.memory_space<vmem>> -> memref<125xi32, #tpu.memory_space<vmem>>
        %dma_wait3A_77 = arith.constant 0 : i32
        %dma_wait3A_78 = arith.constant 0 : i32
        %dma_wait3A_79 = tpu.memref_slice %arg11[%dma_wait3A_77, %dma_wait3A_78] : memref<10240x128xf32, #tpu.memory_space<vmem_shared>> -> memref<10240x128xf32, #tpu.memory_space<vmem_shared>>
        tpu.wait_indirect_dma semaphore(%run_scoped3A : memref<!tpu.dma_semaphore, #tpu.memory_space<semaphore_mem>>) src(%arg9 : memref<125x128xf32, #tpu.memory_space<vmem>>) dst(%dma_wait3A_79 : memref<10240x128xf32, #tpu.memory_space<vmem_shared>>)
        tpu.yield
      }) : () -> ()
      %scan3A_67 = arith.constant 0 : i32
      scf.yield %scan3A_67 : i32
    }
    %scan3A_18 = arith.constant 20 : i32
    "tpu.region"() ({
      %run_scoped3A = tpu.sem_alloc : memref<!tpu.dma_semaphore, #tpu.memory_space<semaphore_mem>>
      %dma_start3A_38 = arith.constant 40 : i32
      %dma_start3A_39 = arith.constant 0 : i32
      %dma_start3A_40 = tpu.memref_slice %arg3[%add3A, %dma_start3A_38, %dma_start3A_39] : memref<32x80x125xi32, #tpu.memory_space<hbm>> -> memref<1x40x125xi32, #tpu.memory_space<hbm>>
      %dma_start3A_41 = tpu.memref_squeeze %dma_start3A_40 : memref<1x40x125xi32, #tpu.memory_space<hbm>> -> memref<40x125xi32, #tpu.memory_space<hbm>>
      %dma_start3A_42 = arith.constant 40 : i32
      %dma_start3A_43 = arith.constant 0 : i32
      %dma_start3A_44 = tpu.memref_slice %arg3[%add3A, %dma_start3A_42, %dma_start3A_43] : memref<32x80x125xi32, #tpu.memory_space<hbm>> -> memref<1x40x125xi32, #tpu.memory_space<hbm>>
      %dma_start3A_45 = tpu.memref_squeeze %dma_start3A_44 : memref<1x40x125xi32, #tpu.memory_space<hbm>> -> memref<40x125xi32, #tpu.memory_space<hbm>>
      tpu.enqueue_dma source(%dma_start3A_45 : memref<40x125xi32, #tpu.memory_space<hbm>>) target(%arg6 : memref<40x125xi32, #tpu.memory_space<vmem>>) target_semaphore(%run_scoped3A : memref<!tpu.dma_semaphore, #tpu.memory_space<semaphore_mem>>)
      %dma_wait3A = arith.constant 40 : i32
      %dma_wait3A_46 = arith.constant 0 : i32
      %dma_wait3A_47 = tpu.memref_slice %arg3[%add3A, %dma_wait3A, %dma_wait3A_46] : memref<32x80x125xi32, #tpu.memory_space<hbm>> -> memref<1x40x125xi32, #tpu.memory_space<hbm>>
      %dma_wait3A_48 = tpu.memref_squeeze %dma_wait3A_47 : memref<1x40x125xi32, #tpu.memory_space<hbm>> -> memref<40x125xi32, #tpu.memory_space<hbm>>
      %dma_wait3A_49 = arith.constant 40 : i32
      %dma_wait3A_50 = arith.constant 0 : i32
      %dma_wait3A_51 = tpu.memref_slice %arg3[%add3A, %dma_wait3A_49, %dma_wait3A_50] : memref<32x80x125xi32, #tpu.memory_space<hbm>> -> memref<1x40x125xi32, #tpu.memory_space<hbm>>
      %dma_wait3A_52 = tpu.memref_squeeze %dma_wait3A_51 : memref<1x40x125xi32, #tpu.memory_space<hbm>> -> memref<40x125xi32, #tpu.memory_space<hbm>>
      tpu.wait_dma2 semaphore(%run_scoped3A : memref<!tpu.dma_semaphore, #tpu.memory_space<semaphore_mem>>) src(%dma_wait3A_52 : memref<40x125xi32, #tpu.memory_space<hbm>>) dst(%arg6 : memref<40x125xi32, #tpu.memory_space<vmem>>)
      tpu.yield
    }) : () -> ()
    "tpu.region"() ({
      %run_scoped3A = tpu.sem_alloc : memref<!tpu.dma_semaphore, #tpu.memory_space<semaphore_mem>>
      %dma_start3A_38 = arith.constant 40 : i32
      %dma_start3A_39 = arith.constant 0 : i32
      %dma_start3A_40 = tpu.memref_slice %arg4[%add3A, %dma_start3A_38, %dma_start3A_39] : memref<32x80x125xi32, #tpu.memory_space<hbm>> -> memref<1x40x125xi32, #tpu.memory_space<hbm>>
      %dma_start3A_41 = tpu.memref_squeeze %dma_start3A_40 : memref<1x40x125xi32, #tpu.memory_space<hbm>> -> memref<40x125xi32, #tpu.memory_space<hbm>>
      %dma_start3A_42 = arith.constant 40 : i32
      %dma_start3A_43 = arith.constant 0 : i32
      %dma_start3A_44 = tpu.memref_slice %arg4[%add3A, %dma_start3A_42, %dma_start3A_43] : memref<32x80x125xi32, #tpu.memory_space<hbm>> -> memref<1x40x125xi32, #tpu.memory_space<hbm>>
      %dma_start3A_45 = tpu.memref_squeeze %dma_start3A_44 : memref<1x40x125xi32, #tpu.memory_space<hbm>> -> memref<40x125xi32, #tpu.memory_space<hbm>>
      tpu.enqueue_dma source(%dma_start3A_45 : memref<40x125xi32, #tpu.memory_space<hbm>>) target(%arg7 : memref<40x125xi32, #tpu.memory_space<vmem>>) target_semaphore(%run_scoped3A : memref<!tpu.dma_semaphore, #tpu.memory_space<semaphore_mem>>)
      %dma_wait3A = arith.constant 40 : i32
      %dma_wait3A_46 = arith.constant 0 : i32
      %dma_wait3A_47 = tpu.memref_slice %arg4[%add3A, %dma_wait3A, %dma_wait3A_46] : memref<32x80x125xi32, #tpu.memory_space<hbm>> -> memref<1x40x125xi32, #tpu.memory_space<hbm>>
      %dma_wait3A_48 = tpu.memref_squeeze %dma_wait3A_47 : memref<1x40x125xi32, #tpu.memory_space<hbm>> -> memref<40x125xi32, #tpu.memory_space<hbm>>
      %dma_wait3A_49 = arith.constant 40 : i32
      %dma_wait3A_50 = arith.constant 0 : i32
      %dma_wait3A_51 = tpu.memref_slice %arg4[%add3A, %dma_wait3A_49, %dma_wait3A_50] : memref<32x80x125xi32, #tpu.memory_space<hbm>> -> memref<1x40x125xi32, #tpu.memory_space<hbm>>
      %dma_wait3A_52 = tpu.memref_squeeze %dma_wait3A_51 : memref<1x40x125xi32, #tpu.memory_space<hbm>> -> memref<40x125xi32, #tpu.memory_space<hbm>>
      tpu.wait_dma2 semaphore(%run_scoped3A : memref<!tpu.dma_semaphore, #tpu.memory_space<semaphore_mem>>) src(%dma_wait3A_52 : memref<40x125xi32, #tpu.memory_space<hbm>>) dst(%arg7 : memref<40x125xi32, #tpu.memory_space<vmem>>)
      tpu.yield
    }) : () -> ()
    %dma_start3A_19 = arith.constant 0 : i32
    %dma_start3A_20 = arith.constant 0 : i32
    %dma_start3A_21 = tpu.memref_slice %arg6[%dma_start3A_19, %dma_start3A_20] : memref<40x125xi32, #tpu.memory_space<vmem>> -> memref<1x125xi32, #tpu.memory_space<vmem>>
    %dma_start3A_22 = tpu.memref_squeeze %dma_start3A_21 : memref<1x125xi32, #tpu.memory_space<vmem>> -> memref<125xi32, #tpu.memory_space<vmem>>
    %dma_start3A_23 = arith.constant 0 : i32
    %dma_start3A_24 = arith.constant 0 : i32
    %dma_start3A_25 = tpu.memref_slice %arg2[%dma_start3A_23, %dma_start3A_24] : memref<10240x128xf32, #tpu.memory_space<hbm>> -> memref<10240x128xf32, #tpu.memory_space<hbm>>
    tpu.enqueue_indirect_dma source(%dma_start3A_25 : memref<10240x128xf32, #tpu.memory_space<hbm>>) target(%arg8 : memref<125x128xf32, #tpu.memory_space<vmem>>) offsets(%dma_start3A_22 : memref<125xi32, #tpu.memory_space<vmem>>) semaphore(%arg12 : memref<!tpu.dma_semaphore, #tpu.memory_space<semaphore_mem>>)
    %scan3A_26 = arith.constant 0 : i32
    %scan3A_27 = arith.constant 0 : i32
    %scan3A_28 = arith.constant 20 : i32
    %scan3A_29 = arith.addi %scan3A_27, %scan3A_28 : i32
    %scan3A_30 = arith.constant 1 : i32
    %scan3A_31 = scf.for %scan3A_38 = %scan3A_27 to %scan3A_29 step %scan3A_30 iter_args(%scan3A_39 = %scan3A_26) -> (i32)  : i32 {
      %mul3A_40 = arith.constant 2 : i32
      %mul3A_41 = arith.muli %mul3A_40, %scan3A_38 : i32
      %mul3A_42 = arith.constant 2 : i32
      %mul3A_43 = arith.muli %mul3A_42, %scan3A_38 : i32
      %add3A_44 = arith.constant 1 : i32
      %add3A_45 = arith.addi %mul3A_43, %add3A_44 : i32
      %dma_wait3A = arith.constant 0 : i32
      %dma_wait3A_46 = tpu.memref_slice %arg6[%mul3A_41, %dma_wait3A] : memref<40x125xi32, #tpu.memory_space<vmem>> -> memref<1x125xi32, #tpu.memory_space<vmem>>
      %dma_wait3A_47 = tpu.memref_squeeze %dma_wait3A_46 : memref<1x125xi32, #tpu.memory_space<vmem>> -> memref<125xi32, #tpu.memory_space<vmem>>
      %dma_wait3A_48 = arith.constant 0 : i32
      %dma_wait3A_49 = arith.constant 0 : i32
      %dma_wait3A_50 = tpu.memref_slice %arg2[%dma_wait3A_48, %dma_wait3A_49] : memref<10240x128xf32, #tpu.memory_space<hbm>> -> memref<10240x128xf32, #tpu.memory_space<hbm>>
      tpu.wait_indirect_dma semaphore(%arg12 : memref<!tpu.dma_semaphore, #tpu.memory_space<semaphore_mem>>) src(%dma_wait3A_50 : memref<10240x128xf32, #tpu.memory_space<hbm>>) dst(%arg8 : memref<125x128xf32, #tpu.memory_space<vmem>>)
      %dma_start3A_51 = arith.constant 0 : i32
      %dma_start3A_52 = tpu.memref_slice %arg6[%add3A_45, %dma_start3A_51] : memref<40x125xi32, #tpu.memory_space<vmem>> -> memref<1x125xi32, #tpu.memory_space<vmem>>
      %dma_start3A_53 = tpu.memref_squeeze %dma_start3A_52 : memref<1x125xi32, #tpu.memory_space<vmem>> -> memref<125xi32, #tpu.memory_space<vmem>>
      %dma_start3A_54 = arith.constant 0 : i32
      %dma_start3A_55 = arith.constant 0 : i32
      %dma_start3A_56 = tpu.memref_slice %arg2[%dma_start3A_54, %dma_start3A_55] : memref<10240x128xf32, #tpu.memory_space<hbm>> -> memref<10240x128xf32, #tpu.memory_space<hbm>>
      tpu.enqueue_indirect_dma source(%dma_start3A_56 : memref<10240x128xf32, #tpu.memory_space<hbm>>) target(%arg9 : memref<125x128xf32, #tpu.memory_space<vmem>>) offsets(%dma_start3A_53 : memref<125xi32, #tpu.memory_space<vmem>>) semaphore(%arg13 : memref<!tpu.dma_semaphore, #tpu.memory_space<semaphore_mem>>)
      "tpu.region"() ({
        %run_scoped3A = tpu.sem_alloc : memref<!tpu.dma_semaphore, #tpu.memory_space<semaphore_mem>>
        %dma_start3A_68 = arith.constant 0 : i32
        %dma_start3A_69 = tpu.memref_slice %arg7[%mul3A_41, %dma_start3A_68] : memref<40x125xi32, #tpu.memory_space<vmem>> -> memref<1x125xi32, #tpu.memory_space<vmem>>
        %dma_start3A_70 = tpu.memref_squeeze %dma_start3A_69 : memref<1x125xi32, #tpu.memory_space<vmem>> -> memref<125xi32, #tpu.memory_space<vmem>>
        %dma_start3A_71 = arith.constant 0 : i32
        %dma_start3A_72 = arith.constant 0 : i32
        %dma_start3A_73 = tpu.memref_slice %arg11[%dma_start3A_71, %dma_start3A_72] : memref<10240x128xf32, #tpu.memory_space<vmem_shared>> -> memref<10240x128xf32, #tpu.memory_space<vmem_shared>>
        tpu.enqueue_indirect_dma source(%arg8 : memref<125x128xf32, #tpu.memory_space<vmem>>) target(%dma_start3A_73 : memref<10240x128xf32, #tpu.memory_space<vmem_shared>>) offsets(%dma_start3A_70 : memref<125xi32, #tpu.memory_space<vmem>>) semaphore(%run_scoped3A : memref<!tpu.dma_semaphore, #tpu.memory_space<semaphore_mem>>) {add = true}
        %dma_wait3A_74 = arith.constant 0 : i32
        %dma_wait3A_75 = tpu.memref_slice %arg7[%mul3A_41, %dma_wait3A_74] : memref<40x125xi32, #tpu.memory_space<vmem>> -> memref<1x125xi32, #tpu.memory_space<vmem>>
        %dma_wait3A_76 = tpu.memref_squeeze %dma_wait3A_75 : memref<1x125xi32, #tpu.memory_space<vmem>> -> memref<125xi32, #tpu.memory_space<vmem>>
        %dma_wait3A_77 = arith.constant 0 : i32
        %dma_wait3A_78 = arith.constant 0 : i32
        %dma_wait3A_79 = tpu.memref_slice %arg11[%dma_wait3A_77, %dma_wait3A_78] : memref<10240x128xf32, #tpu.memory_space<vmem_shared>> -> memref<10240x128xf32, #tpu.memory_space<vmem_shared>>
        tpu.wait_indirect_dma semaphore(%run_scoped3A : memref<!tpu.dma_semaphore, #tpu.memory_space<semaphore_mem>>) src(%arg8 : memref<125x128xf32, #tpu.memory_space<vmem>>) dst(%dma_wait3A_79 : memref<10240x128xf32, #tpu.memory_space<vmem_shared>>)
        tpu.yield
      }) : () -> ()
      %dma_wait3A_57 = arith.constant 0 : i32
      %dma_wait3A_58 = tpu.memref_slice %arg6[%add3A_45, %dma_wait3A_57] : memref<40x125xi32, #tpu.memory_space<vmem>> -> memref<1x125xi32, #tpu.memory_space<vmem>>
      %dma_wait3A_59 = tpu.memref_squeeze %dma_wait3A_58 : memref<1x125xi32, #tpu.memory_space<vmem>> -> memref<125xi32, #tpu.memory_space<vmem>>
      %dma_wait3A_60 = arith.constant 0 : i32
      %dma_wait3A_61 = arith.constant 0 : i32
      %dma_wait3A_62 = tpu.memref_slice %arg2[%dma_wait3A_60, %dma_wait3A_61] : memref<10240x128xf32, #tpu.memory_space<hbm>> -> memref<10240x128xf32, #tpu.memory_space<hbm>>
      tpu.wait_indirect_dma semaphore(%arg13 : memref<!tpu.dma_semaphore, #tpu.memory_space<semaphore_mem>>) src(%dma_wait3A_62 : memref<10240x128xf32, #tpu.memory_space<hbm>>) dst(%arg9 : memref<125x128xf32, #tpu.memory_space<vmem>>)
      %lt3A = arith.constant 19 : i32
      %lt3A_63 = arith.cmpi slt, %scan3A_38, %lt3A : i32
      %convert_element_type3A_64 = arith.extui %lt3A_63 : i1 to i32
      %cond3A_65 = arith.constant 0 : i32
      %cond3A_66 = arith.cmpi ne, %convert_element_type3A_64, %cond3A_65 : i32
      scf.if %cond3A_66 {
        %add3A_68 = arith.constant 2 : i32
        %add3A_69 = arith.addi %mul3A_41, %add3A_68 : i32
        %dma_start3A_70 = arith.constant 0 : i32
        %dma_start3A_71 = tpu.memref_slice %arg6[%add3A_69, %dma_start3A_70] : memref<40x125xi32, #tpu.memory_space<vmem>> -> memref<1x125xi32, #tpu.memory_space<vmem>>
        %dma_start3A_72 = tpu.memref_squeeze %dma_start3A_71 : memref<1x125xi32, #tpu.memory_space<vmem>> -> memref<125xi32, #tpu.memory_space<vmem>>
        %dma_start3A_73 = arith.constant 0 : i32
        %dma_start3A_74 = arith.constant 0 : i32
        %dma_start3A_75 = tpu.memref_slice %arg2[%dma_start3A_73, %dma_start3A_74] : memref<10240x128xf32, #tpu.memory_space<hbm>> -> memref<10240x128xf32, #tpu.memory_space<hbm>>
        tpu.enqueue_indirect_dma source(%dma_start3A_75 : memref<10240x128xf32, #tpu.memory_space<hbm>>) target(%arg8 : memref<125x128xf32, #tpu.memory_space<vmem>>) offsets(%dma_start3A_72 : memref<125xi32, #tpu.memory_space<vmem>>) semaphore(%arg12 : memref<!tpu.dma_semaphore, #tpu.memory_space<semaphore_mem>>)
      } else {
      }
      "tpu.region"() ({
        %run_scoped3A = tpu.sem_alloc : memref<!tpu.dma_semaphore, #tpu.memory_space<semaphore_mem>>
        %dma_start3A_68 = arith.constant 0 : i32
        %dma_start3A_69 = tpu.memref_slice %arg7[%add3A_45, %dma_start3A_68] : memref<40x125xi32, #tpu.memory_space<vmem>> -> memref<1x125xi32, #tpu.memory_space<vmem>>
        %dma_start3A_70 = tpu.memref_squeeze %dma_start3A_69 : memref<1x125xi32, #tpu.memory_space<vmem>> -> memref<125xi32, #tpu.memory_space<vmem>>
        %dma_start3A_71 = arith.constant 0 : i32
        %dma_start3A_72 = arith.constant 0 : i32
        %dma_start3A_73 = tpu.memref_slice %arg11[%dma_start3A_71, %dma_start3A_72] : memref<10240x128xf32, #tpu.memory_space<vmem_shared>> -> memref<10240x128xf32, #tpu.memory_space<vmem_shared>>
        tpu.enqueue_indirect_dma source(%arg9 : memref<125x128xf32, #tpu.memory_space<vmem>>) target(%dma_start3A_73 : memref<10240x128xf32, #tpu.memory_space<vmem_shared>>) offsets(%dma_start3A_70 : memref<125xi32, #tpu.memory_space<vmem>>) semaphore(%run_scoped3A : memref<!tpu.dma_semaphore, #tpu.memory_space<semaphore_mem>>) {add = true}
        %dma_wait3A_74 = arith.constant 0 : i32
        %dma_wait3A_75 = tpu.memref_slice %arg7[%add3A_45, %dma_wait3A_74] : memref<40x125xi32, #tpu.memory_space<vmem>> -> memref<1x125xi32, #tpu.memory_space<vmem>>
        %dma_wait3A_76 = tpu.memref_squeeze %dma_wait3A_75 : memref<1x125xi32, #tpu.memory_space<vmem>> -> memref<125xi32, #tpu.memory_space<vmem>>
        %dma_wait3A_77 = arith.constant 0 : i32
        %dma_wait3A_78 = arith.constant 0 : i32
        %dma_wait3A_79 = tpu.memref_slice %arg11[%dma_wait3A_77, %dma_wait3A_78] : memref<10240x128xf32, #tpu.memory_space<vmem_shared>> -> memref<10240x128xf32, #tpu.memory_space<vmem_shared>>
        tpu.wait_indirect_dma semaphore(%run_scoped3A : memref<!tpu.dma_semaphore, #tpu.memory_space<semaphore_mem>>) src(%arg9 : memref<125x128xf32, #tpu.memory_space<vmem>>) dst(%dma_wait3A_79 : memref<10240x128xf32, #tpu.memory_space<vmem_shared>>)
        tpu.yield
      }) : () -> ()
      %scan3A_67 = arith.constant 0 : i32
      scf.yield %scan3A_67 : i32
    }
    %scan3A_32 = arith.constant 20 : i32
    %barrier3A_33 = arith.constant 0 : index
    tpu.barrier barrier_id(%barrier3A_33)
    %mul3A_34 = arith.constant 640 : i32
    %mul3A_35 = arith.muli %arg1, %mul3A_34 : i32
    %mul3A_36 = arith.constant 640 : i32
    %mul3A_37 = arith.muli %arg1, %mul3A_36 : i32
    "tpu.region"() ({
      %run_scoped3A = tpu.sem_alloc : memref<!tpu.dma_semaphore, #tpu.memory_space<semaphore_mem>>
      %dma_start3A_38 = arith.constant 0 : i32
      %dma_start3A_39 = tpu.memref_slice %arg5[%arg0, %mul3A_37, %dma_start3A_38] : memref<2x10240x128xf32, #tpu.memory_space<hbm>> -> memref<1x640x128xf32, #tpu.memory_space<hbm>>
      %dma_start3A_40 = tpu.memref_squeeze %dma_start3A_39 : memref<1x640x128xf32, #tpu.memory_space<hbm>> -> memref<640x128xf32, #tpu.memory_space<hbm>>
      %dma_start3A_41 = arith.constant 0 : i32
      %dma_start3A_42 = tpu.memref_slice %arg11[%mul3A_35, %dma_start3A_41] : memref<10240x128xf32, #tpu.memory_space<vmem_shared>> -> memref<640x128xf32, #tpu.memory_space<vmem_shared>>
      tpu.enqueue_dma source(%dma_start3A_42 : memref<640x128xf32, #tpu.memory_space<vmem_shared>>) target(%dma_start3A_40 : memref<640x128xf32, #tpu.memory_space<hbm>>) target_semaphore(%run_scoped3A : memref<!tpu.dma_semaphore, #tpu.memory_space<semaphore_mem>>)
      %dma_wait3A = arith.constant 0 : i32
      %dma_wait3A_43 = tpu.memref_slice %arg5[%arg0, %mul3A_37, %dma_wait3A] : memref<2x10240x128xf32, #tpu.memory_space<hbm>> -> memref<1x640x128xf32, #tpu.memory_space<hbm>>
      %dma_wait3A_44 = tpu.memref_squeeze %dma_wait3A_43 : memref<1x640x128xf32, #tpu.memory_space<hbm>> -> memref<640x128xf32, #tpu.memory_space<hbm>>
      %dma_wait3A_45 = arith.constant 0 : i32
      %dma_wait3A_46 = tpu.memref_slice %arg11[%mul3A_35, %dma_wait3A_45] : memref<10240x128xf32, #tpu.memory_space<vmem_shared>> -> memref<640x128xf32, #tpu.memory_space<vmem_shared>>
      tpu.wait_dma2 semaphore(%run_scoped3A : memref<!tpu.dma_semaphore, #tpu.memory_space<semaphore_mem>>) src(%dma_wait3A_46 : memref<640x128xf32, #tpu.memory_space<vmem_shared>>) dst(%dma_wait3A_44 : memref<640x128xf32, #tpu.memory_space<hbm>>)
      tpu.yield
    }) : () -> ()
    return
  }
}

module attributes {stable_mosaic.version = 14 : i64} {
  func.func @_scale_body(%arg0: i32, %arg1: memref<256x2xf32, #tpu.memory_space<vmem>>, %arg2: memref<256x128xf32, #tpu.memory_space<vmem>>, %arg3: memref<256x128xf32, #tpu.memory_space<vmem>>) attributes {dimension_semantics = [#tpu.dimension_semantics<arbitrary>], iteration_bounds = array<i64: 40>, scalar_prefetch = 0 : i64, scratch_operands = 0 : i64, tpu.core_type = #tpu.core_type<tc>, window_params = [{transform_indices = @transform_0, window_bounds = array<i64: 256, 2>}, {transform_indices = @transform_1, window_bounds = array<i64: 256, 128>}, {transform_indices = @transform_2, window_bounds = array<i64: 256, 128>}]} {
    %get3A = arith.constant 0 : index
    %get3A_0 = arith.constant 0 : index
    %get3A_1 = vector.load %arg1[%get3A, %get3A_0] : memref<256x2xf32, #tpu.memory_space<vmem>>, vector<256x1xf32>
    %get3A_2 = vector.shape_cast %get3A_1 : vector<256x1xf32> to vector<256xf32>
    %add3A = arith.constant 1.000000e+00 : f32
    %add3A_3 = vector.broadcast %add3A : f32 to vector<256xf32>
    %add3A_4 = arith.addf %add3A_3, %get3A_2 : vector<256xf32>
    %get3A_5 = arith.constant 0 : index
    %get3A_6 = arith.constant 1 : index
    %get3A_7 = vector.load %arg1[%get3A_5, %get3A_6] : memref<256x2xf32, #tpu.memory_space<vmem>>, vector<256x1xf32>
    %get3A_8 = vector.shape_cast %get3A_7 : vector<256x1xf32> to vector<256xf32>
    %add3A_9 = arith.addf %add3A_4, %get3A_8 : vector<256xf32>
    %rsqrt3A = math.rsqrt %add3A_9 : vector<256xf32>
    %get3A_10 = arith.constant 0 : index
    %get3A_11 = arith.constant 0 : index
    %get3A_12 = vector.load %arg2[%get3A_10, %get3A_11] : memref<256x128xf32, #tpu.memory_space<vmem>>, vector<256x128xf32>
    %broadcast_in_dim3A = vector.shape_cast %rsqrt3A : vector<256xf32> to vector<256x1xf32>
    %mul3A = vector.broadcast %broadcast_in_dim3A : vector<256x1xf32> to vector<256x128xf32>
    %mul3A_13 = arith.mulf %get3A_12, %mul3A : vector<256x128xf32>
    %swap3A = arith.constant 0 : index
    %swap3A_14 = arith.constant 0 : index
    %swap3A_15 = vector.load %arg3[%swap3A, %swap3A_14] : memref<256x128xf32, #tpu.memory_space<vmem>>, vector<256x128xf32>
    tpu.vector_store %arg3[%swap3A, %swap3A_14], %mul3A_13 {strides = array<i32>} : memref<256x128xf32, #tpu.memory_space<vmem>>, vector<256x128xf32>,
    return
  }
  func.func @transform_0(%arg0: i32) -> (i32, i32) {
    %c0_i32 = arith.constant 0 : i32
    %c0_i32_0 = arith.constant 0 : i32
    return %arg0, %c0_i32 : i32, i32
  }
  func.func @transform_1(%arg0: i32) -> (i32, i32) {
    %c0_i32 = arith.constant 0 : i32
    %c0_i32_0 = arith.constant 0 : i32
    return %arg0, %c0_i32 : i32, i32
  }
  func.func @transform_2(%arg0: i32) -> (i32, i32) {
    %c0_i32 = arith.constant 0 : i32
    %c0_i32_0 = arith.constant 0 : i32
    return %arg0, %c0_i32 : i32, i32
  }
}

module attributes {stable_mosaic.version = 14 : i64} {
  func.func @_mid_body(%arg0: i32, %arg1: memref<256x2xf32, #tpu.memory_space<vmem>>, %arg2: memref<2x256x128xf32, #tpu.memory_space<vmem>>, %arg3: memref<128x256xf32, #tpu.memory_space<vmem>>, %arg4: memref<1x256xf32, #tpu.memory_space<vmem>>, %arg5: memref<256x128xf32, #tpu.memory_space<vmem>>, %arg6: memref<256x128xf32, #tpu.memory_space<vmem>>) attributes {dimension_semantics = [#tpu.dimension_semantics<arbitrary>], iteration_bounds = array<i64: 40>, scalar_prefetch = 0 : i64, scratch_operands = 0 : i64, tpu.core_type = #tpu.core_type<tc>, window_params = [{transform_indices = @transform_0, window_bounds = array<i64: 256, 2>}, {transform_indices = @transform_1, window_bounds = array<i64: 2, 256, 128>}, {pipeline_mode = #tpu.pipeline_mode<synchronous>, transform_indices = @transform_2, window_bounds = array<i64: 128, 256>}, {pipeline_mode = #tpu.pipeline_mode<synchronous>, transform_indices = @transform_3, window_bounds = array<i64: 1, 256>}, {pipeline_mode = #tpu.pipeline_mode<synchronous>, transform_indices = @transform_4, window_bounds = array<i64: 256, 128>}, {transform_indices = @transform_5, window_bounds = array<i64: 256, 128>}]} {
    %get3A = arith.constant 0 : index
    %get3A_0 = arith.constant 0 : index
    %get3A_1 = vector.load %arg1[%get3A, %get3A_0] : memref<256x2xf32, #tpu.memory_space<vmem>>, vector<256x1xf32>
    %get3A_2 = vector.shape_cast %get3A_1 : vector<256x1xf32> to vector<256xf32>
    %add3A = arith.constant 1.000000e+00 : f32
    %add3A_3 = vector.broadcast %add3A : f32 to vector<256xf32>
    %add3A_4 = arith.addf %add3A_3, %get3A_2 : vector<256xf32>
    %get3A_5 = arith.constant 0 : index
    %get3A_6 = arith.constant 1 : index
    %get3A_7 = vector.load %arg1[%get3A_5, %get3A_6] : memref<256x2xf32, #tpu.memory_space<vmem>>, vector<256x1xf32>
    %get3A_8 = vector.shape_cast %get3A_7 : vector<256x1xf32> to vector<256xf32>
    %add3A_9 = arith.addf %add3A_4, %get3A_8 : vector<256xf32>
    %rsqrt3A = math.rsqrt %add3A_9 : vector<256xf32>
    %get3A_10 = arith.constant 0 : index
    %get3A_11 = arith.constant 0 : index
    %get3A_12 = arith.constant 0 : index
    %get3A_13 = vector.load %arg2[%get3A_10, %get3A_11, %get3A_12] : memref<2x256x128xf32, #tpu.memory_space<vmem>>, vector<1x256x128xf32>
    %get3A_14 = vector.shape_cast %get3A_13 : vector<1x256x128xf32> to vector<256x128xf32>
    %get3A_15 = arith.constant 1 : index
    %get3A_16 = arith.constant 0 : index
    %get3A_17 = arith.constant 0 : index
    %get3A_18 = vector.load %arg2[%get3A_15, %get3A_16, %get3A_17] : memref<2x256x128xf32, #tpu.memory_space<vmem>>, vector<1x256x128xf32>
    %get3A_19 = vector.shape_cast %get3A_18 : vector<1x256x128xf32> to vector<256x128xf32>
    %add3A_20 = arith.addf %get3A_14, %get3A_19 : vector<256x128xf32>
    %broadcast_in_dim3A = vector.shape_cast %rsqrt3A : vector<256xf32> to vector<256x1xf32>
    %mul3A = vector.broadcast %broadcast_in_dim3A : vector<256x1xf32> to vector<256x128xf32>
    %mul3A_21 = arith.mulf %add3A_20, %mul3A : vector<256x128xf32>
    %get3A_22 = arith.constant 0 : index
    %get3A_23 = arith.constant 0 : index
    %get3A_24 = vector.load %arg3[%get3A_22, %get3A_23] : memref<128x256xf32, #tpu.memory_space<vmem>>, vector<128x256xf32>
    %dot_general3A = arith.constant dense<0.000000e+00> : vector<256x256xf32>
    %dot_general3A_25 = tpu.matmul %mul3A_21, %get3A_24, %dot_general3A {dimension_numbers = #tpu.dot_dimension_numbers<[1], [0], [0], [1], [0, 0, 1, 1], [], []>, transpose_lhs_hint = false} : vector<256x128xf32>, vector<128x256xf32>, vector<256x256xf32> -> vector<256x256xf32>
    %get3A_26 = arith.constant 0 : index
    %get3A_27 = arith.constant 0 : index
    %get3A_28 = vector.load %arg4[%get3A_26, %get3A_27] : memref<1x256xf32, #tpu.memory_space<vmem>>, vector<1x256xf32>
    %add3A_29 = vector.broadcast %get3A_28 : vector<1x256xf32> to vector<256x256xf32>
    %add3A_30 = arith.addf %dot_general3A_25, %add3A_29 : vector<256x256xf32>
    %max3A = arith.constant 0.000000e+00 : f32
    %max3A_31 = vector.broadcast %max3A : f32 to vector<256x256xf32>
    %max3A_32 = arith.maximumf %add3A_30, %max3A_31 : vector<256x256xf32>
    %get3A_33 = arith.constant 0 : index
    %get3A_34 = arith.constant 0 : index
    %get3A_35 = vector.load %arg5[%get3A_33, %get3A_34] : memref<256x128xf32, #tpu.memory_space<vmem>>, vector<256x128xf32>
    %dot_general3A_36 = arith.constant dense<0.000000e+00> : vector<256x128xf32>
    %dot_general3A_37 = tpu.matmul %max3A_32, %get3A_35, %dot_general3A_36 {dimension_numbers = #tpu.dot_dimension_numbers<[1], [0], [0], [1], [0, 0, 1, 1], [], []>, transpose_lhs_hint = false} : vector<256x256xf32>, vector<256x128xf32>, vector<256x128xf32> -> vector<256x128xf32>
    %broadcast_in_dim3A_38 = vector.shape_cast %rsqrt3A : vector<256xf32> to vector<256x1xf32>
    %mul3A_39 = vector.broadcast %broadcast_in_dim3A_38 : vector<256x1xf32> to vector<256x128xf32>
    %mul3A_40 = arith.mulf %dot_general3A_37, %mul3A_39 : vector<256x128xf32>
    %swap3A = arith.constant 0 : index
    %swap3A_41 = arith.constant 0 : index
    %swap3A_42 = vector.load %arg6[%swap3A, %swap3A_41] : memref<256x128xf32, #tpu.memory_space<vmem>>, vector<256x128xf32>
    tpu.vector_store %arg6[%swap3A, %swap3A_41], %mul3A_40 {strides = array<i32>} : memref<256x128xf32, #tpu.memory_space<vmem>>, vector<256x128xf32>,
    return
  }
  func.func @transform_0(%arg0: i32) -> (i32, i32) {
    %c0_i32 = arith.constant 0 : i32
    %c0_i32_0 = arith.constant 0 : i32
    return %arg0, %c0_i32 : i32, i32
  }
  func.func @transform_1(%arg0: i32) -> (i32, i32, i32) {
    %c0_i32 = arith.constant 0 : i32
    %c0_i32_0 = arith.constant 0 : i32
    %c0_i32_1 = arith.constant 0 : i32
    return %c0_i32, %arg0, %c0_i32_0 : i32, i32, i32
  }
  func.func @transform_2(%arg0: i32) -> (i32, i32) {
    %c0_i32 = arith.constant 0 : i32
    %c0_i32_0 = arith.constant 0 : i32
    %c0_i32_1 = arith.constant 0 : i32
    return %c0_i32, %c0_i32_0 : i32, i32
  }
  func.func @transform_3(%arg0: i32) -> (i32, i32) {
    %c0_i32 = arith.constant 0 : i32
    %c0_i32_0 = arith.constant 0 : i32
    %c0_i32_1 = arith.constant 0 : i32
    return %c0_i32, %c0_i32_0 : i32, i32
  }
  func.func @transform_4(%arg0: i32) -> (i32, i32) {
    %c0_i32 = arith.constant 0 : i32
    %c0_i32_0 = arith.constant 0 : i32
    %c0_i32_1 = arith.constant 0 : i32
    return %c0_i32, %c0_i32_0 : i32, i32
  }
  func.func @transform_5(%arg0: i32) -> (i32, i32) {
    %c0_i32 = arith.constant 0 : i32
    %c0_i32_0 = arith.constant 0 : i32
    return %arg0, %c0_i32 : i32, i32
  }
}

module attributes {stable_mosaic.version = 14 : i64} {
  func.func @_head_body(%arg0: i32, %arg1: memref<256x2xf32, #tpu.memory_space<vmem>>, %arg2: memref<2x256x128xf32, #tpu.memory_space<vmem>>, %arg3: memref<1x128xf32, #tpu.memory_space<vmem>>, %arg4: memref<128x1xf32, #tpu.memory_space<vmem>>, %arg5: memref<1x1xf32, #tpu.memory_space<vmem>>, %arg6: memref<256x1xf32, #tpu.memory_space<vmem>>) attributes {dimension_semantics = [#tpu.dimension_semantics<arbitrary>], iteration_bounds = array<i64: 40>, scalar_prefetch = 0 : i64, scratch_operands = 0 : i64, tpu.core_type = #tpu.core_type<tc>, window_params = [{transform_indices = @transform_0, window_bounds = array<i64: 256, 2>}, {transform_indices = @transform_1, window_bounds = array<i64: 2, 256, 128>}, {pipeline_mode = #tpu.pipeline_mode<synchronous>, transform_indices = @transform_2, window_bounds = array<i64: 1, 128>}, {pipeline_mode = #tpu.pipeline_mode<synchronous>, transform_indices = @transform_3, window_bounds = array<i64: 128, 1>}, {pipeline_mode = #tpu.pipeline_mode<synchronous>, transform_indices = @transform_4, window_bounds = array<i64: 1, 1>}, {transform_indices = @transform_5, window_bounds = array<i64: 256, 1>}]} {
    %get3A = arith.constant 0 : index
    %get3A_0 = arith.constant 0 : index
    %get3A_1 = vector.load %arg1[%get3A, %get3A_0] : memref<256x2xf32, #tpu.memory_space<vmem>>, vector<256x1xf32>
    %get3A_2 = vector.shape_cast %get3A_1 : vector<256x1xf32> to vector<256xf32>
    %add3A = arith.constant 1.000000e+00 : f32
    %add3A_3 = vector.broadcast %add3A : f32 to vector<256xf32>
    %add3A_4 = arith.addf %add3A_3, %get3A_2 : vector<256xf32>
    %get3A_5 = arith.constant 0 : index
    %get3A_6 = arith.constant 1 : index
    %get3A_7 = vector.load %arg1[%get3A_5, %get3A_6] : memref<256x2xf32, #tpu.memory_space<vmem>>, vector<256x1xf32>
    %get3A_8 = vector.shape_cast %get3A_7 : vector<256x1xf32> to vector<256xf32>
    %add3A_9 = arith.addf %add3A_4, %get3A_8 : vector<256xf32>
    %rsqrt3A = math.rsqrt %add3A_9 : vector<256xf32>
    %get3A_10 = arith.constant 0 : index
    %get3A_11 = arith.constant 0 : index
    %get3A_12 = arith.constant 0 : index
    %get3A_13 = vector.load %arg2[%get3A_10, %get3A_11, %get3A_12] : memref<2x256x128xf32, #tpu.memory_space<vmem>>, vector<1x256x128xf32>
    %get3A_14 = vector.shape_cast %get3A_13 : vector<1x256x128xf32> to vector<256x128xf32>
    %get3A_15 = arith.constant 1 : index
    %get3A_16 = arith.constant 0 : index
    %get3A_17 = arith.constant 0 : index
    %get3A_18 = vector.load %arg2[%get3A_15, %get3A_16, %get3A_17] : memref<2x256x128xf32, #tpu.memory_space<vmem>>, vector<1x256x128xf32>
    %get3A_19 = vector.shape_cast %get3A_18 : vector<1x256x128xf32> to vector<256x128xf32>
    %add3A_20 = arith.addf %get3A_14, %get3A_19 : vector<256x128xf32>
    %broadcast_in_dim3A = vector.shape_cast %rsqrt3A : vector<256xf32> to vector<256x1xf32>
    %mul3A = vector.broadcast %broadcast_in_dim3A : vector<256x1xf32> to vector<256x128xf32>
    %mul3A_21 = arith.mulf %add3A_20, %mul3A : vector<256x128xf32>
    %get3A_22 = arith.constant 0 : index
    %get3A_23 = arith.constant 0 : index
    %get3A_24 = vector.load %arg3[%get3A_22, %get3A_23] : memref<1x128xf32, #tpu.memory_space<vmem>>, vector<1x128xf32>
    %add3A_25 = vector.broadcast %get3A_24 : vector<1x128xf32> to vector<256x128xf32>
    %add3A_26 = arith.addf %mul3A_21, %add3A_25 : vector<256x128xf32>
    %max3A = arith.constant 0.000000e+00 : f32
    %max3A_27 = vector.broadcast %max3A : f32 to vector<256x128xf32>
    %max3A_28 = arith.maximumf %add3A_26, %max3A_27 : vector<256x128xf32>
    %get3A_29 = arith.constant 0 : index
    %get3A_30 = arith.constant 0 : index
    %get3A_31 = vector.load %arg4[%get3A_29, %get3A_30] : memref<128x1xf32, #tpu.memory_space<vmem>>, vector<128x1xf32>
    %dot_general3A = arith.constant dense<0.000000e+00> : vector<256x1xf32>
    %dot_general3A_32 = tpu.matmul %max3A_28, %get3A_31, %dot_general3A {dimension_numbers = #tpu.dot_dimension_numbers<[1], [0], [0], [1], [0, 0, 1, 1], [], []>, transpose_lhs_hint = false} : vector<256x128xf32>, vector<128x1xf32>, vector<256x1xf32> -> vector<256x1xf32>
    %get3A_33 = arith.constant 0 : index
    %get3A_34 = arith.constant 0 : index
    %get3A_35 = vector.load %arg5[%get3A_33, %get3A_34] : memref<1x1xf32, #tpu.memory_space<vmem>>, vector<1x1xf32>
    %add3A_36 = vector.broadcast %get3A_35 : vector<1x1xf32> to vector<256x1xf32>
    %add3A_37 = arith.addf %dot_general3A_32, %add3A_36 : vector<256x1xf32>
    %swap3A = arith.constant 0 : index
    %swap3A_38 = arith.constant 0 : index
    %swap3A_39 = vector.load %arg6[%swap3A, %swap3A_38] : memref<256x1xf32, #tpu.memory_space<vmem>>, vector<256x1xf32>
    tpu.vector_store %arg6[%swap3A, %swap3A_38], %add3A_37 {strides = array<i32>} : memref<256x1xf32, #tpu.memory_space<vmem>>, vector<256x1xf32>,
    return
  }
  func.func @transform_0(%arg0: i32) -> (i32, i32) {
    %c0_i32 = arith.constant 0 : i32
    %c0_i32_0 = arith.constant 0 : i32
    return %arg0, %c0_i32 : i32, i32
  }
  func.func @transform_1(%arg0: i32) -> (i32, i32, i32) {
    %c0_i32 = arith.constant 0 : i32
    %c0_i32_0 = arith.constant 0 : i32
    %c0_i32_1 = arith.constant 0 : i32
    return %c0_i32, %arg0, %c0_i32_0 : i32, i32, i32
  }
  func.func @transform_2(%arg0: i32) -> (i32, i32) {
    %c0_i32 = arith.constant 0 : i32
    %c0_i32_0 = arith.constant 0 : i32
    %c0_i32_1 = arith.constant 0 : i32
    return %c0_i32, %c0_i32_0 : i32, i32
  }
  func.func @transform_3(%arg0: i32) -> (i32, i32) {
    %c0_i32 = arith.constant 0 : i32
    %c0_i32_0 = arith.constant 0 : i32
    %c0_i32_1 = arith.constant 0 : i32
    return %c0_i32, %c0_i32_0 : i32, i32
  }
  func.func @transform_4(%arg0: i32) -> (i32, i32) {
    %c0_i32 = arith.constant 0 : i32
    %c0_i32_0 = arith.constant 0 : i32
    %c0_i32_1 = arith.constant 0 : i32
    return %c0_i32, %c0_i32_0 : i32, i32
  }
  func.func @transform_5(%arg0: i32) -> (i32, i32) {
    %c0_i32 = arith.constant 0 : i32
    %c0_i32_0 = arith.constant 0 : i32
    return %arg0, %c0_i32 : i32, i32
  }
}

</mosaic_0001>

<sc_bundles>
// kernel: kernel.11.cloned.1.call-start
scs
__scs_entry_jumppad:
0x0: {  	(pc) =	sbr.rel $0x88, $3  }
0x1: {  	(tag) =	ssettag $0x0;
	lr =	simm.s32 $0x1  }
0x2: {  	[smem:$0x3F99] =	sst lr;
	_ =	strace $0xD0000000  }
0x3: {  	_ = 	snop  }
0x4: {  	_ = 	snop  }
0x5: {  	_ = 	snop  }
0x6: {  	_ = 	snop  }
0x7: {  	_ = 	snop  }
__scs_overlays_trampoline_lowered:
0x8: {  	[smem:$0x3FA8] =	sst s0  }
0x9: {  	[smem:$0x3FA9] =	sst s1  }
0xa: {  	[smem:$0x3FAA] =	sst s2  }
0xb: {  	[smem:$0x3FAB] =	sst s3  }
0xc: {  	[smem:$0x3FAC] =	sst s4  }
0xd: {  	[smem:$0x3FAD] =	sst s5  }
0xe: {  	[smem:$0x3FAE] =	sst s6  }
0xf: {  	[smem:$0x3FAF] =	sst s7  }
0x10: {  	[smem:$0x3FB0] =	sst s8  }
0x11: {  	[smem:$0x3FB1] =	sst s9;
	s0 =	simm.s32 @!p0 $0x0  }
0x12: {  	s1 =	sld [smem:$0x3F97];
	s0 =	simm.s32 @p0 $0x1  }
0x13: {  	[smem:$0x3FB2] =	sst s0;
	s0 =	simm.s32 @!p1 $0x0  }
0x14: {  	s2 =	sld [smem:$0x3F96];
	s0 =	simm.s32 @p1 $0x1  }
0x15: {  	[smem:$0x3FB3] =	sst s0;
	s0 =	simm.s32 @!p2 $0x0  }
0x16: {  	s3 =	sld [smem:$0x3FDB];
	s0 =	simm.s32 @p2 $0x1  }
0x17: {  	s4 =	simm.s32 $0x1BF5;
	[smem:$0x3FB5] =	sst s0  }
0x18: {  	s0 =	sld [smem:$0x3F98];
	_ =	swait.ge [sflag:s4], $0x0  }
0x19: {  	s7 =	sld [smem:$0x3F99]  }
0x1a: {  	s8 =	sadd.s32 $0xFFFFE003, lr  }
0x1b: {  	s9 =	sadd.s32 $0xFFFFFEF7, lr;
	s5 =	simm.s32 $0xFFFFFFFF;
	p2 =	slt.u32 s8, $0xFFFFF086  }
0x1c: {  	p1 =	slt.u32 s9, $0xF7A;
	s5 =	simm.s32 @!p2 $0x0  }
0x1d: {  	s5 =	simm.s32 @p1 $0x1;
	p0 =	seq.s32 s7, s2  }
0x1e: {  	s7 =	smul.u32 @!p0 $0xF7A, s2;
	p2 =	seq.s32 @!p0 s5, $0x0  }
0x1f: {  	s9 =	smul.u32 $0xF7A, s1;
	s8 =	simm.s32 @!p0 $0x1BF5;
	p2 =	por !p2, p0  }
0x20: {  	[sflag:s8] =	ssyncset.s32 @!p0 $0xFFFFF086;
	s6 =	sadd.s32 @!p0 s3, s7;
	s7 =	simm.s32 @!p0 $0x108  }
0x21: {  	s3 =	sadd.s32 s3, s9;
	s6 =	sadd.s32 @!p0 $0x88, s6;
	s7 =	simm.s32 @p2 $0x1082  }
0x22: {  	[simem:s7], [sflag:s8] =	dma.local @!p0 [hbm:s6], $0xF7A  }
0x23: {  	s9 =	sor.u32 $0xD0000000, s2;
	s6 =	simm.s32 $0x108;
	_ =	swait.ge @!p0 [sflag:s8], $0x0  }
0x24: {  	s3 =	sadd.s32 $0x88, s3;
	s6 =	simm.s32 @!p1 $0x1082;
	[sflag:s4] =	ssyncset.s32 $0xFFFFF086  }
0x25: {  	[simem:s6], [sflag:s4] =	dma.local [hbm:s3], $0xF7A  }
0x26: {  	[smem:$0x3F99] =	sst s1;
	(tag) =	ssettag s2;
	_ =	strace s9  }
0x27: {  	s1 =	sld [smem:$0x3FA9]  }
0x28: {  	s2 =	sld [smem:$0x3FAA]  }
0x29: {  	s4 =	sld [smem:$0x3FAC]  }
0x2a: {  	p0 =	seq.s32 s5, $0x0;
	s5 =	sld [smem:$0x3FAD]  }
0x2b: {  	s6 =	sld [smem:$0x3FAE]  }
0x2c: {  	s7 =	sld [smem:$0x3FAF]  }
0x2d: {  	s3 =	simm.s32 $0x108;
	s8 =	sld [smem:$0x3FB0]  }
0x2e: {  	s3 =	simm.s32 @!p0 $0x1082;
	s9 =	sld [smem:$0x3FB1]  }
0x2f: {  	lr =	sadd.s32 s0, s3;
	s0 =	sld [smem:$0x3FA8]  }
0x30: {  	s3 =	sld [smem:$0x3FAB]  }
0x31: {  	[smem:$0x3FB4] =	sst s10  }
0x32: {  	s10 =	sld [smem:$0x3FB2];
	_ =	sdelay $0x3  }
0x33: {  	p0 =	seq.s32 s10, $0x1;
	s10 =	sld [smem:$0x3FB4];
	_ =	sdelay $0x3  }
0x34: {  	[smem:$0x3FB4] =	sst s10  }
0x35: {  	s10 =	sld [smem:$0x3FB3];
	_ =	sdelay $0x3  }
0x36: {  	p1 =	seq.s32 s10, $0x1;
	s10 =	sld [smem:$0x3FB4];
	_ =	sdelay $0x3  }
0x37: {  	[smem:$0x3FB4] =	sst s10  }
0x38: {  	s10 =	sld [smem:$0x3FB5]  }
0x39: {  	_ = 	snop;
	(pc) =	sbr.ind lr, $3  }
0x3a: {  	_ = 	snop  }
0x3b: {  	_ = 	snop  }
0x3c: {  	p2 =	seq.s32 s10, $0x1;
	s10 =	sld [smem:$0x3FB4]  }
0x3d: {  	_ =	shalt  }
0x3e: {  	_ =	shalt  }
0x3f: {  	_ =	shalt  }
0x40: {  	_ =	shalt  }
0x41: {  	_ =	shalt  }
0x42: {  	_ =	shalt  }
0x43: {  	_ =	shalt  }
0x44: {  	_ =	shalt  }
0x45: {  	_ =	shalt  }
0x46: {  	_ =	shalt  }
0x47: {  	_ =	shalt  }
0x48: {  	_ =	shalt  }
0x49: {  	_ =	shalt  }
0x4a: {  	_ =	shalt  }
0x4b: {  	_ =	shalt  }
0x4c: {  	_ =	shalt  }
0x4d: {  	_ =	shalt  }
0x4e: {  	_ =	shalt  }
0x4f: {  	_ =	shalt  }
0x50: {  	_ =	shalt  }
0x51: {  	_ =	shalt  }
0x52: {  	_ =	shalt  }
0x53: {  	_ =	shalt  }
0x54: {  	_ =	shalt  }
0x55: {  	_ =	shalt  }
0x56: {  	_ =	shalt  }
0x57: {  	_ =	shalt  }
0x58: {  	_ =	shalt  }
0x59: {  	_ =	shalt  }
0x5a: {  	_ =	shalt  }
0x5b: {  	_ =	shalt  }
0x5c: {  	_ =	shalt  }
0x5d: {  	_ =	shalt  }
0x5e: {  	_ =	shalt  }
0x5f: {  	_ =	shalt  }
0x60: {  	_ =	shalt  }
0x61: {  	_ =	shalt  }
0x62: {  	_ =	shalt  }
0x63: {  	_ =	shalt  }
0x64: {  	_ =	shalt  }
0x65: {  	_ =	shalt  }
0x66: {  	_ =	shalt  }
0x67: {  	_ =	shalt  }
0x68: {  	_ =	shalt  }
0x69: {  	_ =	shalt  }
0x6a: {  	_ =	shalt  }
0x6b: {  	_ =	shalt  }
0x6c: {  	_ =	shalt  }
0x6d: {  	_ =	shalt  }
0x6e: {  	_ =	shalt  }
0x6f: {  	_ =	shalt  }
0x70: {  	_ =	shalt  }
0x71: {  	_ =	shalt  }
0x72: {  	_ =	shalt  }
0x73: {  	_ =	shalt  }
0x74: {  	_ =	shalt  }
0x75: {  	_ =	shalt  }
0x76: {  	_ =	shalt  }
0x77: {  	_ =	shalt  }
0x78: {  	_ =	shalt  }
0x79: {  	_ =	shalt  }
0x7a: {  	_ =	shalt  }
0x7b: {  	_ =	shalt  }
0x7c: {  	_ =	shalt  }
0x7d: {  	_ =	shalt  }
0x7e: {  	_ =	shalt  }
0x7f: {  	_ =	shalt  }
0x80: {  	_ =	shalt  }
0x81: {  	_ =	shalt  }
0x82: {  	_ =	shalt  }
0x83: {  	_ =	shalt  }
0x84: {  	_ =	shalt  }
0x85: {  	_ =	shalt  }
0x86: {  	_ =	shalt  }
0x87: {  	_ =	shalt  }
.Lfunc_end0:
.L_simem_size_0:
called_computation.1_lowered:
.L_overlay_start_0:
0x88: {  	s2 =	sld [smem:$0x3FD9]  }
0x89: {  	s3 =	sld [smem:$0x3FFE];
	_ =	sdelay $0x1  }
0x8a: {  	s1 =	srdreg.scid  }
0x8b: {  	s0 =	sand.u32 $0x1, s1  }
0x8c: {  	s16 =	sshll.u32 s0, $0xA;
	s2 =	sadd.s32 s3, s2  }
0x8d: {  	s2 =	sadd.s32 s2, s16  }
0x8e: {  	[smem:$0x3FC0] =	sst s2  }
0x8f: {  	_ = 	snop  }
0x90: {  	(tm) =	ssettm $0x1  }
0x91: {  	s17 =	sld [smem:$0x3FFB];
	_ =	sdelay $0x3  }
0x92: {  	_ =	strace s17  }
0x93: {  	s2 =	sld [smem:$0x3FFC];
	_ =	sdelay $0x3  }
0x94: {  	_ =	strace s2  }
0x95: {  	s2 =	sld [smem:$0x3FFD];
	_ =	sdelay $0x3  }
0x96: {  	_ =	strace s2  }
0x97: {  	_ =	strace $0x8FFFFFFF  }
0x98: {  	s18 =	sld [smem:$0x3FDB];
	_ =	sdelay $0x1  }
0x99: {  	s19 =	simm.s32 $_scs_section_size  }
0x9a: {  	s4 =	simm.s32 $_size__tile_overlayer_lowered;
	s5 =	simm.s32 $_tile_overlayer_lowered  }
0x9b: {  	s22 =	simm.s32 $0x1BFF;
	s21 =	sshll.u32 s5, $0x1;
	s2 =	sadd.s32 s19, s18  }
0x9c: {  	s6 =	simm.s32 $0x0;
	s20 =	sshll.u32 s4, $0x1;
	s4 =	sadd.s32 s21, s2  }
0x9d: {  	[timem:s6], [sflag:s22] =	dma.local [hbm:s4], s20  }
0x9e: {  	_ =	swait.ge [sflag:s22], s20  }
0x9f: {  	s3 =	ssub.s32 $0x0, s20;
	[sflag:s22] =	ssyncset.done $0x0  }
0xa0: {  	[sflag:s22] =	ssyncadd.s32 s3;
	_ =	sdelay $0x1  }
0xa1: {  	s23 =	simm.s32 $0x1B8B  }
0xa2: {  	_ =	swait.ge [sflag:s23], $0x1  }
0xa3: {  	[sflag:s23] =	ssyncset.done $0x0  }
0xa4: {  	s25 =	simm.s32 $0x1B8E;
	s24 =	sld [smem:$0x3FFE];
	[sflag:s23] =	ssyncadd.s32 $0xFFFFFFFF  }
0xa5: {  	s26 =	simm.s32 $execute0_lowered;
	[smem:$0x3FD2] =	sst s25  }
0xa6: {  	s4 =	sshll.u32 s26, $0x1;
	_ =	strace $0x80000049;
	[dreg:$0x1] =	wrdreg $0xFFFFFFFF  }
0xa7: {  	s28 =	simm.s32 $_size_execute0_lowered;
	s2 =	sadd.s32 s2, s4;
	[dreg:$0x0] =	wrdreg $0x0  }
0xa8: {  	s4 =	sshll.u32 s28, $0x1;
	[dreg:$0x2] =	wrdreg s2  }
0xa9: {  	[dreg:$0x3] =	wrdreg s4  }
0xaa: {  	[dreg:$0x4] =	wrdreg $0xC0  }
0xab: {  	_ =	task [dreg:s6], $0x5FFFF  }
0xac: {  	[dreg:$0x1] =	wrdreg $0xFFFFFFFF  }
0xad: {  	[dreg:$0x0] =	wrdreg $0x60  }
0xae: {  	[dreg:$0x2] =	wrdreg s24  }
0xaf: {  	[dreg:$0x3] =	wrdreg $0xB8000  }
0xb0: {  	[dreg:$0x4] =	wrdreg $0x9  }
0xb1: {  	_ =	task.clear_ibuf [dreg:s6], $0x5FFFF;
	_ =	strace $0x90000049  }
0xb2: {  	s29 =	simm.s32 $0x9;
	_ =	strace $0x8000004B  }
0xb3: {  	_ =	swait.ge [sflag:s29], $0x1  }
0xb4: {  	[sflag:s29] =	ssyncadd.s32 $0xFFFFFFFF  }
0xb5: {  	_ =	strace $0x9000004B  }
0xb6: {  	_ =	sfence  }
0xb7: {  	s30 =	sld [smem:$0x0];
	_ =	sdelay $0x2  }
0xb8: {  	s31 =	sshll.u32 s1, $0xD;
	s1 =	sshrl.u32 s1, $0x2  }
0xb9: {  	s3 =	sand.u32 $0x4000, s31;
	s1 =	sadd.s32 s1, s30  }
0xba: {  	s0 =	sor.u32 s3, s0;
	s1 =	sshll.u32 s1, $0x11  }
0xbb: {  	s0 =	sor.u32 s1, s0  }
0xbc: {  	s0 =	sadd.s32 $0x8F2B, s0  }
0xbd: {  	[sflag:s0] =	ssyncadd.remote.s32 $0x1  }
0xbe: {  	_ =	sfence.sel $0xFFFF  }
0xbf: {  	[dreg:$0x0] =	wrdreg $0xFFFFFFFF;
	(pc) =	sbr.abs _section_cstart, $3  }
0xc0: {  	[dreg:$0x1] =	wrdreg $0xFFFFFFFF  }
0xc1: {  	_ =	task.clear_ibuf [dreg:s6], $0x2FFFF;
	_ =	strace $0x9FFFFFFF  }
0xc2: {  	(tm) =	ssettm $0x7FFFFFFF  }
0xc3: {  	_ =	shalt  }
tec
execute0_lowered:
.L_overlay_start_1:
0x0: {  	(tag) =	ssettag $0x1  }
0x1: {  	s0 =	rddreg [dreg:$0x0]  }
0x2: {  	s1 =	rddreg [dreg:$0x1]  }
0x3: {  	s2 =	srdreg.scid;
	s9 =	stileid.u32  }
0x4: {  	s3 =	simm.s32 $0x0;
	s2 =	sand.u32 $0x1, s2;
	s5 =	smul.u32 $0x14000, s9  }
0x5: {  	[smem:$0x7FF] =	sst s3;
	s4 =	sadd.s32 $0x1E00, s0;
	s24 =	smul.u32 $0x140000, s2  }
0x6: {  	s25 =	sshll.u32 s9, $0x1;
	s7 =	smul.u32 $0x50000, s9;
	s8 =	ssub.s32 $0x2, s2  }
0x7: {  	s9 =	smul.u32 $0x2800, s9;
	s11 =	sshrl.u32 s8, $0x1;
	s3 =	sadd.s32 s5, s24  }
0x8: {  	s5 =	sor.u32 s2, s25;
	s26 =	ssub.s32 s8, s11;
	s8 =	sshrl.u32 s7, $0x2  }
0x9: {  	s9 =	sadd.s32 s4, s9;
	s12 =	smul.u32 $0x2800, s5;
	s5 =	sadd.s32 s8, s1  }
0xa: {  	_ =	strace $0x8000004A;
	[dreg:$0x3] =	wrdreg s9;
	s13 =	sadd.s32 $0x1000, s5  }
0xb: {  	s14 =	sadd.s32 $0x2000, s5;
	[dreg:$0x4] =	wrdreg s13  }
0xc: {  	s15 =	sadd.s32 $0x3000, s5;
	[dreg:$0x5] =	wrdreg s14  }
0xd: {  	s16 =	sadd.s32 $0x4000, s5;
	[dreg:$0x6] =	wrdreg s15  }
0xe: {  	s6 =	sadd.s32 $0x5B800, s0;
	s17 =	sadd.s32 $0x5000, s5;
	[dreg:$0x7] =	wrdreg s16  }
0xf: {  	s10 =	sadd.s32 $0x51800, s0;
	s18 =	sadd.s32 $0x6000, s5;
	[dreg:$0x8] =	wrdreg s17  }
0x10: {  	p0 =	sne.s32 s2, $0x0;
	s19 =	sadd.s32 $0x7000, s5;
	[dreg:$0x9] =	wrdreg s18  }
0x11: {  	s3 =	sshrl.u32 s3, $0x3;
	s20 =	sadd.s32 $0x8000, s5;
	[dreg:$0xa] =	wrdreg s19  }
0x12: {  	s0 =	sadd.s32 s3, s0;
	s21 =	sadd.s32 $0x9000, s5;
	[dreg:$0xb] =	wrdreg s20  }
0x13: {  	s22 =	sadd.s32 $0xA000, s5;
	s23 =	sadd.s32 $0xB000, s5;
	[dreg:$0xc] =	wrdreg s21  }
0x14: {  	s24 =	sadd.s32 $0xC000, s5;
	s25 =	sadd.s32 $0xD000, s5;
	[dreg:$0xd] =	wrdreg s22  }
0x15: {  	s28 =	sadd.s32 $0xF000, s5;
	s29 =	sadd.s32 $0x10000, s5;
	[dreg:$0xe] =	wrdreg s23  }
0x16: {  	s30 =	sadd.s32 $0x11000, s5;
	s31 =	sadd.s32 $0x12000, s5;
	[dreg:$0xf] =	wrdreg s24  }
0x17: {  	s3 =	simm.s32 $0x3;
	s11 =	sshrl.u32 s12, $0x3;
	[dreg:$0x10] =	wrdreg s25  }
0x18: {  	s13 =	simm.s32 $0x7D;
	s14 =	simm.s32 $0x2800;
	s15 =	simm.s32 $0x1  }
0x19: {  	s16 =	simm.s32 $0x6800;
	s17 =	simm.s32 $0x2;
	s18 =	simm.s32 $0x1380  }
0x1a: {  	s19 =	simm.s32 $0x2700;
	s20 =	simm.s32 $0x2780;
	s21 =	simm.s32 $0xA800  }
0x1b: {  	s22 =	simm.s32 $0x0;
	s7 =	sadd.s32 s6, s11;
	s12 =	sadd.s32 $0x280, s11  }
0x1c: {  	s8 =	sadd.s32 s10, s11;
	s11 =	sadd.s32 $0x65800, s0;
	s9 =	sadd.s32 s6, s12  }
0x1d: {  	s10 =	sadd.s32 s10, s12;
	s12 =	smax.u32 s26, $0x1;
	s26 =	sadd.s32 $0xE000, s5  }
0x1e: {  	v0 =	vimm.f32 $0.0e+00;
	s0 =	sadd.s32 $0x13000, s5;
	s6 =	simm.s32 $0x1400;
	[dreg:$0x11] =	wrdreg s26  }
.LBB2_1:
.Ltmp0:
0x1f: {  	(pc) =	sbr.rel @p0 .LBB2_3-.Ltmp0, $4  }
0x20: {  	_ = 	snop  }
0x21: {  	s2 =	stileid.u32  }
0x22: {  	s2 =	sshll.u32 s2, $0x6  }
0x23: {  	s23 =	sshrl.u32 s5, $0x3;
	s2 =	sor.u32 $0x1C03, s2  }
.Ltmp1:
0x24: {  	s24 =	rddreg [dreg:$0x3];
	(pc) =	sbr.rel .LBB2_6-.Ltmp1, $4  }
0x25: {  	[spmem:s23], [sflag:s2] =	dma.local [hbm:s24], $0x2800  }
0x26: {  	_ =	swait.ge [sflag:s3], $0x2800  }
0x27: {  	[sflag:s3] =	ssyncset.done $0x0  }
0x28: {  	[sflag:s3] =	ssyncadd.s32 $0xFFFFD800  }
.LBB2_3:
0x29: {  	s25 =	simm.s32 $0x0  }
0x2a: {  	s24 =	sshra.s32 s25, $0x2;
	s25 =	sadd.s32 $0x200, s25  }
.LBB2_4:
0x2b: {  	p1 =	seq.s32 s25, $0x3E00;
	[tilespmem:s24+$0xA870] =	vst v0  }
0x2c: {  	[tilespmem:s24+$0xA800] =	vst v0  }
0x2d: {  	[tilespmem:s24+$0xA810] =	vst v0  }
.Ltmp2:
0x2e: {  	[tilespmem:s24+$0xA820] =	vst v0;
	(pc) =	sbr.rel @!p1 .LBB2_4-.Ltmp2, $4  }
0x2f: {  	[tilespmem:s24+$0xA830] =	vst v0  }
0x30: {  	[tilespmem:s24+$0xA840] =	vst v0  }
0x31: {  	[tilespmem:s24+$0xA850] =	vst v0  }
0x32: {  	[tilespmem:s24+$0xA860] =	vst v0;
	s24 =	sshra.s32 s25, $0x2;
	s25 =	sadd.s32 $0x200, s25  }
0x33: {  	[tilespmem:s24+$0xA870] =	vst v0  }
0x34: {  	[tilespmem:s24+$0xA800] =	vst v0  }
0x35: {  	[tilespmem:s24+$0xA810] =	vst v0  }
0x36: {  	[tilespmem:s24+$0xA820] =	vst v0  }
0x37: {  	[tilespmem:s24+$0xA830] =	vst v0  }
0x38: {  	[tilespmem:s24+$0xA840] =	vst v0  }
0x39: {  	[tilespmem:s24+$0xA850] =	vst v0  }
0x3a: {  	[tilespmem:s24+$0xA860] =	vst v0  }
0x3b: {  	[spmem:s5] =	stream.linear.scatter [tilespmem:s21], [sflag:$0x3], $0x1000, $0x38;
	[tilespmem:$0x1F800] =	vst v63  }
0x3c: {  	_ =	swait.ge [sflag:s3], $0x1000  }
0x3d: {  	[sflag:s3] =	ssyncset.done $0x0  }
0x3e: {  	s25 =	rddreg [dreg:$0x4];
	[sflag:s3] =	ssyncadd.s32 $0xFFFFF000  }
0x3f: {  	[spmem:s25] =	stream.linear.scatter [tilespmem:s21], [sflag:$0x3], $0x1000, $0x38;
	[tilespmem:$0x1F800] =	vst v63  }
0x40: {  	_ =	swait.ge [sflag:s3], $0x1000  }
0x41: {  	[sflag:s3] =	ssyncset.done $0x0  }
0x42: {  	s26 =	rddreg [dreg:$0x5];
	[sflag:s3] =	ssyncadd.s32 $0xFFFFF000  }
0x43: {  	[spmem:s26] =	stream.linear.scatter [tilespmem:s21], [sflag:$0x3], $0x1000, $0x38;
	[tilespmem:$0x1F800] =	vst v63  }
0x44: {  	_ =	swait.ge [sflag:s3], $0x1000  }
0x45: {  	[sflag:s3] =	ssyncset.done $0x0  }
0x46: {  	s25 =	rddreg [dreg:$0x6];
	[sflag:s3] =	ssyncadd.s32 $0xFFFFF000  }
0x47: {  	[spmem:s25] =	stream.linear.scatter [tilespmem:s21], [sflag:$0x3], $0x1000, $0x38;
	[tilespmem:$0x1F800] =	vst v63  }
0x48: {  	_ =	swait.ge [sflag:s3], $0x1000  }
0x49: {  	[sflag:s3] =	ssyncset.done $0x0  }
0x4a: {  	s26 =	rddreg [dreg:$0x7];
	[sflag:s3] =	ssyncadd.s32 $0xFFFFF000  }
0x4b: {  	[spmem:s26] =	stream.linear.scatter [tilespmem:s21], [sflag:$0x3], $0x1000, $0x38;
	[tilespmem:$0x1F800] =	vst v63  }
0x4c: {  	_ =	swait.ge [sflag:s3], $0x1000  }
0x4d: {  	[sflag:s3] =	ssyncset.done $0x0  }
0x4e: {  	s25 =	rddreg [dreg:$0x8];
	[sflag:s3] =	ssyncadd.s32 $0xFFFFF000  }
0x4f: {  	[spmem:s25] =	stream.linear.scatter [tilespmem:s21], [sflag:$0x3], $0x1000, $0x38;
	[tilespmem:$0x1F800] =	vst v63  }
0x50: {  	_ =	swait.ge [sflag:s3], $0x1000  }
0x51: {  	[sflag:s3] =	ssyncset.done $0x0  }
0x52: {  	s26 =	rddreg [dreg:$0x9];
	[sflag:s3] =	ssyncadd.s32 $0xFFFFF000  }
0x53: {  	[spmem:s26] =	stream.linear.scatter [tilespmem:s21], [sflag:$0x3], $0x1000, $0x38;
	[tilespmem:$0x1F800] =	vst v63  }
0x54: {  	_ =	swait.ge [sflag:s3], $0x1000  }
0x55: {  	[sflag:s3] =	ssyncset.done $0x0  }
0x56: {  	s25 =	rddreg [dreg:$0xa];
	[sflag:s3] =	ssyncadd.s32 $0xFFFFF000  }
0x57: {  	[spmem:s25] =	stream.linear.scatter [tilespmem:s21], [sflag:$0x3], $0x1000, $0x38;
	[tilespmem:$0x1F800] =	vst v63  }
0x58: {  	_ =	swait.ge [sflag:s3], $0x1000  }
0x59: {  	[sflag:s3] =	ssyncset.done $0x0  }
0x5a: {  	s26 =	rddreg [dreg:$0xb];
	[sflag:s3] =	ssyncadd.s32 $0xFFFFF000  }
0x5b: {  	[spmem:s26] =	stream.linear.scatter [tilespmem:s21], [sflag:$0x3], $0x1000, $0x38;
	[tilespmem:$0x1F800] =	vst v63  }
0x5c: {  	_ =	swait.ge [sflag:s3], $0x1000  }
0x5d: {  	[sflag:s3] =	ssyncset.done $0x0  }
0x5e: {  	s25 =	rddreg [dreg:$0xc];
	[sflag:s3] =	ssyncadd.s32 $0xFFFFF000  }
0x5f: {  	[spmem:s25] =	stream.linear.scatter [tilespmem:s21], [sflag:$0x3], $0x1000, $0x38;
	[tilespmem:$0x1F800] =	vst v63  }
0x60: {  	_ =	swait.ge [sflag:s3], $0x1000  }
0x61: {  	[sflag:s3] =	ssyncset.done $0x0  }
0x62: {  	s26 =	rddreg [dreg:$0xd];
	[sflag:s3] =	ssyncadd.s32 $0xFFFFF000  }
0x63: {  	[spmem:s26] =	stream.linear.scatter [tilespmem:s21], [sflag:$0x3], $0x1000, $0x38;
	[tilespmem:$0x1F800] =	vst v63  }
0x64: {  	_ =	swait.ge [sflag:s3], $0x1000  }
0x65: {  	[sflag:s3] =	ssyncset.done $0x0  }
0x66: {  	s25 =	rddreg [dreg:$0xe];
	[sflag:s3] =	ssyncadd.s32 $0xFFFFF000  }
0x67: {  	[spmem:s25] =	stream.linear.scatter [tilespmem:s21], [sflag:$0x3], $0x1000, $0x38;
	[tilespmem:$0x1F800] =	vst v63  }
0x68: {  	_ =	swait.ge [sflag:s3], $0x1000  }
0x69: {  	[sflag:s3] =	ssyncset.done $0x0  }
0x6a: {  	s26 =	rddreg [dreg:$0xf];
	[sflag:s3] =	ssyncadd.s32 $0xFFFFF000  }
0x6b: {  	[spmem:s26] =	stream.linear.scatter [tilespmem:s21], [sflag:$0x3], $0x1000, $0x38;
	[tilespmem:$0x1F800] =	vst v63  }
0x6c: {  	_ =	swait.ge [sflag:s3], $0x1000  }
0x6d: {  	[sflag:s3] =	ssyncset.done $0x0  }
0x6e: {  	s25 =	rddreg [dreg:$0x10];
	[sflag:s3] =	ssyncadd.s32 $0xFFFFF000  }
0x6f: {  	[spmem:s25] =	stream.linear.scatter [tilespmem:s21], [sflag:$0x3], $0x1000, $0x38;
	[tilespmem:$0x1F800] =	vst v63  }
0x70: {  	_ =	swait.ge [sflag:s3], $0x1000  }
0x71: {  	[sflag:s3] =	ssyncset.done $0x0  }
0x72: {  	s26 =	rddreg [dreg:$0x11];
	[sflag:s3] =	ssyncadd.s32 $0xFFFFF000  }
0x73: {  	[spmem:s26] =	stream.linear.scatter [tilespmem:s21], [sflag:$0x3], $0x1000, $0x38;
	[tilespmem:$0x1F800] =	vst v63  }
0x74: {  	_ =	swait.ge [sflag:s3], $0x1000  }
0x75: {  	[sflag:s3] =	ssyncset.done $0x0  }
0x76: {  	[sflag:s3] =	ssyncadd.s32 $0xFFFFF000  }
0x77: {  	[spmem:s28] =	stream.linear.scatter [tilespmem:s21], [sflag:$0x3], $0x1000, $0x38;
	[tilespmem:$0x1F800] =	vst v63  }
0x78: {  	_ =	swait.ge [sflag:s3], $0x1000  }
0x79: {  	[sflag:s3] =	ssyncset.done $0x0  }
0x7a: {  	[sflag:s3] =	ssyncadd.s32 $0xFFFFF000  }
0x7b: {  	[spmem:s29] =	stream.linear.scatter [tilespmem:s21], [sflag:$0x3], $0x1000, $0x38;
	[tilespmem:$0x1F800] =	vst v63  }
0x7c: {  	_ =	swait.ge [sflag:s3], $0x1000  }
0x7d: {  	[sflag:s3] =	ssyncset.done $0x0  }
0x7e: {  	[sflag:s3] =	ssyncadd.s32 $0xFFFFF000  }
0x7f: {  	[spmem:s30] =	stream.linear.scatter [tilespmem:s21], [sflag:$0x3], $0x1000, $0x38;
	[tilespmem:$0x1F800] =	vst v63  }
0x80: {  	_ =	swait.ge [sflag:s3], $0x1000  }
0x81: {  	[sflag:s3] =	ssyncset.done $0x0  }
0x82: {  	[sflag:s3] =	ssyncadd.s32 $0xFFFFF000  }
0x83: {  	[spmem:s31] =	stream.linear.scatter [tilespmem:s21], [sflag:$0x3], $0x1000, $0x38;
	[tilespmem:$0x1F800] =	vst v63  }
0x84: {  	_ =	swait.ge [sflag:s3], $0x1000  }
0x85: {  	[sflag:s3] =	ssyncset.done $0x0  }
0x86: {  	[sflag:s3] =	ssyncadd.s32 $0xFFFFF000  }
0x87: {  	[spmem:s0] =	stream.linear.scatter [tilespmem:s21], [sflag:$0x3], $0x1000, $0x38;
	[tilespmem:$0x1F800] =	vst v63  }
0x88: {  	_ =	swait.ge [sflag:s3], $0x1000  }
0x89: {  	[sflag:s3] =	ssyncset.done $0x0  }
0x8a: {  	[sflag:s3] =	ssyncadd.s32 $0xFFFFF000  }
.LBB2_6:
0x8b: {  	[bflag:$0x0] =	sbarrier.arrive $0xFFFF;
	s24 =	simm.s32 $0x0  }
0x8c: {  	[tilespmem:s24], [sflag:$0x3] =	stream.linear.gather [hbm4b:s7+s24], $0x1400, $0x38;
	[tilespmem:$0x1F800] =	vst v63  }
0x8d: {  	_ =	swait.ge [sflag:s3], $0x1400  }
0x8e: {  	[sflag:s3] =	ssyncset.done $0x0  }
0x8f: {  	[sflag:s3] =	ssyncadd.s32 $0xFFFFEC00  }
0x90: {  	[tilespmem:s6], [sflag:$0x3] =	stream.linear.gather [hbm4b:s8+s24], $0x1400, $0x38;
	[tilespmem:$0x1F800] =	vst v63  }
0x91: {  	_ =	swait.ge [sflag:s3], $0x1400  }
0x92: {  	[sflag:s3] =	ssyncset.done $0x0  }
0x93: {  	[sflag:s3] =	ssyncadd.s32 $0xFFFFEC00  }
0x94: {  	[tilespmem:s14], [sflag:$0x1] =	stream.indirect.gather [hbm4b:s4+s13], $0x80, s24, s13, $0xb8;
	[tilespmem:$0x1F800] =	vst v63  }
0x95: {  	_ =	swait.ge [sflag:s15], $0x3E80  }
0x96: {  	[sflag:s15] =	ssyncset.done $0x0  }
0x97: {  	s25 =	simm.s32 $0x80;
	[sflag:s15] =	ssyncadd.s32 $0xFFFFC180  }
0x98: {  	[tilespmem:s16], [sflag:$0x2] =	stream.indirect.gather [hbm4b:s4+s13], $0x80, s25, s13, $0xb8;
	[tilespmem:$0x1F800] =	vst v63  }
0x99: {  	s26 =	simm.s32 $0x1400  }
0x9a: {  	[spmem:s1] =	stream.indirect.scatter.add.f32 [tilespmem:s14], [sflag:$0x3], $0x80, s26, s13, $0xb8;
	[tilespmem:$0x1F800] =	vst v63  }
0x9b: {  	_ =	swait.ge [sflag:s3], $0x3E80  }
0x9c: {  	[sflag:s3] =	ssyncset.done $0x0  }
0x9d: {  	[sflag:s3] =	ssyncadd.s32 $0xFFFFC180  }
0x9e: {  	_ =	swait.ge [sflag:s17], $0x3E80  }
0x9f: {  	[sflag:s17] =	ssyncset.done $0x0  }
0xa0: {  	s25 =	simm.s32 $0x100;
	[sflag:s17] =	ssyncadd.s32 $0xFFFFC180  }
0xa1: {  	[tilespmem:s14], [sflag:$0x1] =	stream.indirect.gather [hbm4b:s4+s13], $0x80, s25, s13, $0xb8;
	[tilespmem:$0x1F800] =	vst v63  }
0xa2: {  	s26 =	simm.s32 $0x1480  }
0xa3: {  	[spmem:s1] =	stream.indirect.scatter.add.f32 [tilespmem:s16], [sflag:$0x3], $0x80, s26, s13, $0xb8;
	[tilespmem:$0x1F800] =	vst v63  }
0xa4: {  	_ =	swait.ge [sflag:s3], $0x3E80  }
0xa5: {  	s24 =	simm.s32 $0x400;
	[sflag:s3] =	ssyncset.done $0x0  }
.LBB2_7:
0xa6: {  	p1 =	sne.s32 s24, $0x4800  }
0xa7: {  	[sflag:s3] =	ssyncadd.s32 $0xFFFFC180;
	s25 =	smov.u32 s24;
	s24 =	sadd.s32 $0x400, s24  }
0xa8: {  	_ = 	snop  }
0xa9: {  	_ =	swait.ge [sflag:s15], $0x3E80  }
0xaa: {  	s25 =	sshra.s32 s25, $0x2;
	[sflag:s15] =	ssyncset.done $0x0  }
0xab: {  	s26 =	sadd.s32 $0x80, s25;
	[sflag:s15] =	ssyncadd.s32 $0xFFFFC180  }
0xac: {  	[tilespmem:s16], [sflag:$0x2] =	stream.indirect.gather [hbm4b:s4+s13], $0x80, s26, s13, $0xb8;
	[tilespmem:$0x1F800] =	vst v63  }
0xad: {  	s26 =	sadd.s32 $0x1400, s25  }
0xae: {  	[spmem:s1] =	stream.indirect.scatter.add.f32 [tilespmem:s14], [sflag:$0x3], $0x80, s26, s13, $0xb8;
	[tilespmem:$0x1F800] =	vst v63  }
0xaf: {  	_ =	swait.ge [sflag:s3], $0x3E80  }
0xb0: {  	[sflag:s3] =	ssyncset.done $0x0  }
0xb1: {  	[sflag:s3] =	ssyncadd.s32 $0xFFFFC180  }
0xb2: {  	_ =	swait.ge [sflag:s17], $0x3E80  }
0xb3: {  	[sflag:s17] =	ssyncset.done $0x0  }
0xb4: {  	s26 =	sadd.s32 $0x100, s25;
	[sflag:s17] =	ssyncadd.s32 $0xFFFFC180  }
0xb5: {  	[tilespmem:s14], [sflag:$0x1] =	stream.indirect.gather [hbm4b:s4+s13], $0x80, s26, s13, $0xb8;
	[tilespmem:$0x1F800] =	vst v63  }
.Ltmp3:
0xb6: {  	_ = 	snop;
	(pc) =	sbr.rel @p1 .LBB2_7-.Ltmp3, $4  }
0xb7: {  	s25 =	sadd.s32 $0x1480, s25  }
0xb8: {  	[spmem:s1] =	stream.indirect.scatter.add.f32 [tilespmem:s16], [sflag:$0x3], $0x80, s25, s13, $0xb8;
	[tilespmem:$0x1F800] =	vst v63  }
0xb9: {  	_ =	swait.ge [sflag:s3], $0x3E80  }
0xba: {  	[sflag:s3] =	ssyncset.done $0x0  }
0xbb: {  	[sflag:s3] =	ssyncadd.s32 $0xFFFFC180  }
0xbc: {  	_ =	swait.ge [sflag:s15], $0x3E80  }
0xbd: {  	[sflag:s15] =	ssyncset.done $0x0  }
0xbe: {  	[sflag:s15] =	ssyncadd.s32 $0xFFFFC180  }
0xbf: {  	[tilespmem:s16], [sflag:$0x2] =	stream.indirect.gather [hbm4b:s4+s13], $0x80, s18, s13, $0xb8;
	[tilespmem:$0x1F800] =	vst v63  }
0xc0: {  	_ = 	snop  }
0xc1: {  	[spmem:s1] =	stream.indirect.scatter.add.f32 [tilespmem:s14], [sflag:$0x3], $0x80, s19, s13, $0xb8;
	[tilespmem:$0x1F800] =	vst v63  }
0xc2: {  	_ =	swait.ge [sflag:s3], $0x3E80  }
0xc3: {  	[sflag:s3] =	ssyncset.done $0x0  }
0xc4: {  	[sflag:s3] =	ssyncadd.s32 $0xFFFFC180  }
0xc5: {  	_ =	swait.ge [sflag:s17], $0x3E80  }
0xc6: {  	[sflag:s17] =	ssyncset.done $0x0  }
0xc7: {  	[sflag:s17] =	ssyncadd.s32 $0xFFFFC180  }
0xc8: {  	[spmem:s1] =	stream.indirect.scatter.add.f32 [tilespmem:s16], [sflag:$0x3], $0x80, s20, s13, $0xb8;
	[tilespmem:$0x1F800] =	vst v63  }
0xc9: {  	_ =	swait.ge [sflag:s3], $0x3E80  }
0xca: {  	[sflag:s3] =	ssyncset.done $0x0  }
0xcb: {  	s24 =	simm.s32 $0x0;
	[sflag:s3] =	ssyncadd.s32 $0xFFFFC180  }
0xcc: {  	[tilespmem:s24], [sflag:$0x3] =	stream.linear.gather [hbm4b:s9+s24], $0x1400, $0x38;
	[tilespmem:$0x1F800] =	vst v63  }
0xcd: {  	_ =	swait.ge [sflag:s3], $0x1400  }
0xce: {  	[sflag:s3] =	ssyncset.done $0x0  }
0xcf: {  	[sflag:s3] =	ssyncadd.s32 $0xFFFFEC00  }
0xd0: {  	[tilespmem:s6], [sflag:$0x3] =	stream.linear.gather [hbm4b:s10+s24], $0x1400, $0x38;
	[tilespmem:$0x1F800] =	vst v63  }
0xd1: {  	_ =	swait.ge [sflag:s3], $0x1400  }
0xd2: {  	[sflag:s3] =	ssyncset.done $0x0  }
0xd3: {  	[sflag:s3] =	ssyncadd.s32 $0xFFFFEC00  }
0xd4: {  	[tilespmem:s14], [sflag:$0x1] =	stream.indirect.gather [hbm4b:s4+s13], $0x80, s24, s13, $0xb8;
	[tilespmem:$0x1F800] =	vst v63  }
0xd5: {  	_ =	swait.ge [sflag:s15], $0x3E80  }
0xd6: {  	[sflag:s15] =	ssyncset.done $0x0  }
0xd7: {  	s25 =	simm.s32 $0x80;
	[sflag:s15] =	ssyncadd.s32 $0xFFFFC180  }
0xd8: {  	[tilespmem:s16], [sflag:$0x2] =	stream.indirect.gather [hbm4b:s4+s13], $0x80, s25, s13, $0xb8;
	[tilespmem:$0x1F800] =	vst v63  }
0xd9: {  	s26 =	simm.s32 $0x1400  }
0xda: {  	[spmem:s1] =	stream.indirect.scatter.add.f32 [tilespmem:s14], [sflag:$0x3], $0x80, s26, s13, $0xb8;
	[tilespmem:$0x1F800] =	vst v63  }
0xdb: {  	_ =	swait.ge [sflag:s3], $0x3E80  }
0xdc: {  	[sflag:s3] =	ssyncset.done $0x0  }
0xdd: {  	[sflag:s3] =	ssyncadd.s32 $0xFFFFC180  }
0xde: {  	_ =	swait.ge [sflag:s17], $0x3E80  }
0xdf: {  	[sflag:s17] =	ssyncset.done $0x0  }
0xe0: {  	s25 =	simm.s32 $0x100;
	[sflag:s17] =	ssyncadd.s32 $0xFFFFC180  }
0xe1: {  	[tilespmem:s14], [sflag:$0x1] =	stream.indirect.gather [hbm4b:s4+s13], $0x80, s25, s13, $0xb8;
	[tilespmem:$0x1F800] =	vst v63  }
0xe2: {  	s26 =	simm.s32 $0x1480  }
0xe3: {  	[spmem:s1] =	stream.indirect.scatter.add.f32 [tilespmem:s16], [sflag:$0x3], $0x80, s26, s13, $0xb8;
	[tilespmem:$0x1F800] =	vst v63  }
0xe4: {  	_ =	swait.ge [sflag:s3], $0x3E80  }
0xe5: {  	s24 =	simm.s32 $0x400;
	[sflag:s3] =	ssyncset.done $0x0  }
.LBB2_9:
0xe6: {  	p1 =	sne.s32 s24, $0x4800  }
0xe7: {  	[sflag:s3] =	ssyncadd.s32 $0xFFFFC180;
	s25 =	smov.u32 s24;
	s24 =	sadd.s32 $0x400, s24  }
0xe8: {  	_ = 	snop  }
0xe9: {  	_ =	swait.ge [sflag:s15], $0x3E80  }
0xea: {  	s25 =	sshra.s32 s25, $0x2;
	[sflag:s15] =	ssyncset.done $0x0  }
0xeb: {  	s26 =	sadd.s32 $0x80, s25;
	[sflag:s15] =	ssyncadd.s32 $0xFFFFC180  }
0xec: {  	[tilespmem:s16], [sflag:$0x2] =	stream.indirect.gather [hbm4b:s4+s13], $0x80, s26, s13, $0xb8;
	[tilespmem:$0x1F800] =	vst v63  }
0xed: {  	s26 =	sadd.s32 $0x1400, s25  }
0xee: {  	[spmem:s1] =	stream.indirect.scatter.add.f32 [tilespmem:s14], [sflag:$0x3], $0x80, s26, s13, $0xb8;
	[tilespmem:$0x1F800] =	vst v63  }
0xef: {  	_ =	swait.ge [sflag:s3], $0x3E80  }
0xf0: {  	[sflag:s3] =	ssyncset.done $0x0  }
0xf1: {  	[sflag:s3] =	ssyncadd.s32 $0xFFFFC180  }
0xf2: {  	_ =	swait.ge [sflag:s17], $0x3E80  }
0xf3: {  	[sflag:s17] =	ssyncset.done $0x0  }
0xf4: {  	s26 =	sadd.s32 $0x100, s25;
	[sflag:s17] =	ssyncadd.s32 $0xFFFFC180  }
0xf5: {  	[tilespmem:s14], [sflag:$0x1] =	stream.indirect.gather [hbm4b:s4+s13], $0x80, s26, s13, $0xb8;
	[tilespmem:$0x1F800] =	vst v63  }
.Ltmp4:
0xf6: {  	_ = 	snop;
	(pc) =	sbr.rel @p1 .LBB2_9-.Ltmp4, $4  }
0xf7: {  	s25 =	sadd.s32 $0x1480, s25  }
0xf8: {  	[spmem:s1] =	stream.indirect.scatter.add.f32 [tilespmem:s16], [sflag:$0x3], $0x80, s25, s13, $0xb8;
	[tilespmem:$0x1F800] =	vst v63  }
0xf9: {  	_ =	swait.ge [sflag:s3], $0x3E80  }
0xfa: {  	[sflag:s3] =	ssyncset.done $0x0  }
0xfb: {  	[sflag:s3] =	ssyncadd.s32 $0xFFFFC180  }
0xfc: {  	_ =	swait.ge [sflag:s15], $0x3E80  }
0xfd: {  	[sflag:s15] =	ssyncset.done $0x0  }
0xfe: {  	[sflag:s15] =	ssyncadd.s32 $0xFFFFC180  }
0xff: {  	[tilespmem:s16], [sflag:$0x2] =	stream.indirect.gather [hbm4b:s4+s13], $0x80, s18, s13, $0xb8;
	[tilespmem:$0x1F800] =	vst v63  }
0x100: {  	_ = 	snop  }
0x101: {  	[spmem:s1] =	stream.indirect.scatter.add.f32 [tilespmem:s14], [sflag:$0x3], $0x80, s19, s13, $0xb8;
	[tilespmem:$0x1F800] =	vst v63  }
0x102: {  	_ =	swait.ge [sflag:s3], $0x3E80  }
0x103: {  	[sflag:s3] =	ssyncset.done $0x0  }
0x104: {  	[sflag:s3] =	ssyncadd.s32 $0xFFFFC180  }
0x105: {  	_ =	swait.ge [sflag:s17], $0x3E80  }
0x106: {  	[sflag:s17] =	ssyncset.done $0x0  }
0x107: {  	[sflag:s17] =	ssyncadd.s32 $0xFFFFC180  }
0x108: {  	[spmem:s1] =	stream.indirect.scatter.add.f32 [tilespmem:s16], [sflag:$0x3], $0x80, s20, s13, $0xb8;
	[tilespmem:$0x1F800] =	vst v63  }
0x109: {  	_ =	swait.ge [sflag:s3], $0x3E80  }
0x10a: {  	s22 =	sadd.s32 $0x1, s22;
	[sflag:s3] =	ssyncset.done $0x0  }
0x10b: {  	p1 =	sne.s32 s22, s12;
	[sflag:s3] =	ssyncadd.s32 $0xFFFFC180  }
.Ltmp5:
0x10c: {  	[bflag:$0x0] =	sbarrier.arrive $0xFFFF;
	(pc) =	sbr.rel @p1 .LBB2_1-.Ltmp5, $4  }
0x10d: {  	[hbm:s11], [sflag:s2] =	dma.local [spmem:s23], $0x2800  }
0x10e: {  	_ =	swait.ge [sflag:s3], $0x2800  }
0x10f: {  	[sflag:s3] =	ssyncset.done $0x0  }
0x110: {  	[sflag:s3] =	ssyncadd.s32 $0xFFFFD800  }
0x111: {  	_ =	sfence.sel $0x180000  }
0x112: {  	[bflag:$0x0] =	sbarrier.arrive $0xFFFF  }
0x113: {  	_ =	strace $0x9000004A  }
0x114: {  	s0 =	stileid.u32;
	[bflag:$0x2] =	sbarrier.arrive $0xFFFF  }
0x115: {  	p0 =	sne.s32 s0, $0x0;
	s0 =	rddreg [dreg:$0x2]  }
0x116: {  	s0 =	sadd.s32 @!p0 $0x100000, s0  }
0x117: {  	[sflag:s0] =	ssyncadd.tile.s32 @!p0 $0x1;
	_ =	shalt  }
.Lfunc_end2:
_tile_overlayer_lowered:
.L_overlay_start_2:
0x118: {  	(tag) =	ssettag $0x2  }
0x119: {  	s0 =	rddreg [dreg:$0x0];
	s2 =	stileid.u32  }
0x11a: {  	s1 =	rddreg [dreg:$0x1];
	p0 =	sne.s32 s2, $0x0  }
0x11b: {  	s3 =	rddreg [dreg:$0x2];
	[bflag:$0x3] =	sbarrier.arrive $0xFFFF;
	s2 =	simm.s32 @!p0 $0x1C03  }
0x11c: {  	[timem:s3], [sflag:s2] =	dma.local @!p0 [hbm:s0], s1  }
0x11d: {  	s0 =	simm.s32 @!p0 $0x3  }
0x11e: {  	_ =	swait.ge @!p0 [sflag:s0], s1  }
0x11f: {  	s1 =	ssub.s32 @!p0 $0x0, s1;
	[sflag:s0] =	ssyncset.done @!p0 $0x0  }
0x120: {  	[sflag:s0] =	ssyncadd.s32 @!p0 s1  }
0x121: {  	[bflag:$0x3] =	sbarrier.arrive $0xFFFF  }
0x122: {  	_ =	shalt  }

// kernel: kernel.14.cloned.1.call-start
scs
__scs_entry_jumppad:
0x0: {  	(pc) =	sbr.rel $0x88, $3  }
0x1: {  	(tag) =	ssettag $0x0;
	lr =	simm.s32 $0x1  }
0x2: {  	[smem:$0x3F99] =	sst lr;
	_ =	strace $0xD0000000  }
0x3: {  	_ = 	snop  }
0x4: {  	_ = 	snop  }
0x5: {  	_ = 	snop  }
0x6: {  	_ = 	snop  }
0x7: {  	_ = 	snop  }
__scs_overlays_trampoline_lowered:
0x8: {  	[smem:$0x3FA8] =	sst s0  }
0x9: {  	[smem:$0x3FA9] =	sst s1  }
0xa: {  	[smem:$0x3FAA] =	sst s2  }
0xb: {  	[smem:$0x3FAB] =	sst s3  }
0xc: {  	[smem:$0x3FAC] =	sst s4  }
0xd: {  	[smem:$0x3FAD] =	sst s5  }
0xe: {  	[smem:$0x3FAE] =	sst s6  }
0xf: {  	[smem:$0x3FAF] =	sst s7  }
0x10: {  	[smem:$0x3FB0] =	sst s8  }
0x11: {  	[smem:$0x3FB1] =	sst s9;
	s0 =	simm.s32 @!p0 $0x0  }
0x12: {  	s1 =	sld [smem:$0x3F97];
	s0 =	simm.s32 @p0 $0x1  }
0x13: {  	[smem:$0x3FB2] =	sst s0;
	s0 =	simm.s32 @!p1 $0x0  }
0x14: {  	s2 =	sld [smem:$0x3F96];
	s0 =	simm.s32 @p1 $0x1  }
0x15: {  	[smem:$0x3FB3] =	sst s0;
	s0 =	simm.s32 @!p2 $0x0  }
0x16: {  	s3 =	sld [smem:$0x3FDB];
	s0 =	simm.s32 @p2 $0x1  }
0x17: {  	s4 =	simm.s32 $0x1BF5;
	[smem:$0x3FB5] =	sst s0  }
0x18: {  	s0 =	sld [smem:$0x3F98];
	_ =	swait.ge [sflag:s4], $0x0  }
0x19: {  	s7 =	sld [smem:$0x3F99]  }
0x1a: {  	s8 =	sadd.s32 $0xFFFFE003, lr  }
0x1b: {  	s9 =	sadd.s32 $0xFFFFFEF7, lr;
	s5 =	simm.s32 $0xFFFFFFFF;
	p2 =	slt.u32 s8, $0xFFFFF086  }
0x1c: {  	p1 =	slt.u32 s9, $0xF7A;
	s5 =	simm.s32 @!p2 $0x0  }
0x1d: {  	s5 =	simm.s32 @p1 $0x1;
	p0 =	seq.s32 s7, s2  }
0x1e: {  	s7 =	smul.u32 @!p0 $0xF7A, s2;
	p2 =	seq.s32 @!p0 s5, $0x0  }
0x1f: {  	s9 =	smul.u32 $0xF7A, s1;
	s8 =	simm.s32 @!p0 $0x1BF5;
	p2 =	por !p2, p0  }
0x20: {  	[sflag:s8] =	ssyncset.s32 @!p0 $0xFFFFF086;
	s6 =	sadd.s32 @!p0 s3, s7;
	s7 =	simm.s32 @!p0 $0x108  }
0x21: {  	s3 =	sadd.s32 s3, s9;
	s6 =	sadd.s32 @!p0 $0x88, s6;
	s7 =	simm.s32 @p2 $0x1082  }
0x22: {  	[simem:s7], [sflag:s8] =	dma.local @!p0 [hbm:s6], $0xF7A  }
0x23: {  	s9 =	sor.u32 $0xD0000000, s2;
	s6 =	simm.s32 $0x108;
	_ =	swait.ge @!p0 [sflag:s8], $0x0  }
0x24: {  	s3 =	sadd.s32 $0x88, s3;
	s6 =	simm.s32 @!p1 $0x1082;
	[sflag:s4] =	ssyncset.s32 $0xFFFFF086  }
0x25: {  	[simem:s6], [sflag:s4] =	dma.local [hbm:s3], $0xF7A  }
0x26: {  	[smem:$0x3F99] =	sst s1;
	(tag) =	ssettag s2;
	_ =	strace s9  }
0x27: {  	s1 =	sld [smem:$0x3FA9]  }
0x28: {  	s2 =	sld [smem:$0x3FAA]  }
0x29: {  	s4 =	sld [smem:$0x3FAC]  }
0x2a: {  	p0 =	seq.s32 s5, $0x0;
	s5 =	sld [smem:$0x3FAD]  }
0x2b: {  	s6 =	sld [smem:$0x3FAE]  }
0x2c: {  	s7 =	sld [smem:$0x3FAF]  }
0x2d: {  	s3 =	simm.s32 $0x108;
	s8 =	sld [smem:$0x3FB0]  }
0x2e: {  	s3 =	simm.s32 @!p0 $0x1082;
	s9 =	sld [smem:$0x3FB1]  }
0x2f: {  	lr =	sadd.s32 s0, s3;
	s0 =	sld [smem:$0x3FA8]  }
0x30: {  	s3 =	sld [smem:$0x3FAB]  }
0x31: {  	[smem:$0x3FB4] =	sst s10  }
0x32: {  	s10 =	sld [smem:$0x3FB2];
	_ =	sdelay $0x3  }
0x33: {  	p0 =	seq.s32 s10, $0x1;
	s10 =	sld [smem:$0x3FB4];
	_ =	sdelay $0x3  }
0x34: {  	[smem:$0x3FB4] =	sst s10  }
0x35: {  	s10 =	sld [smem:$0x3FB3];
	_ =	sdelay $0x3  }
0x36: {  	p1 =	seq.s32 s10, $0x1;
	s10 =	sld [smem:$0x3FB4];
	_ =	sdelay $0x3  }
0x37: {  	[smem:$0x3FB4] =	sst s10  }
0x38: {  	s10 =	sld [smem:$0x3FB5]  }
0x39: {  	_ = 	snop;
	(pc) =	sbr.ind lr, $3  }
0x3a: {  	_ = 	snop  }
0x3b: {  	_ = 	snop  }
0x3c: {  	p2 =	seq.s32 s10, $0x1;
	s10 =	sld [smem:$0x3FB4]  }
0x3d: {  	_ =	shalt  }
0x3e: {  	_ =	shalt  }
0x3f: {  	_ =	shalt  }
0x40: {  	_ =	shalt  }
0x41: {  	_ =	shalt  }
0x42: {  	_ =	shalt  }
0x43: {  	_ =	shalt  }
0x44: {  	_ =	shalt  }
0x45: {  	_ =	shalt  }
0x46: {  	_ =	shalt  }
0x47: {  	_ =	shalt  }
0x48: {  	_ =	shalt  }
0x49: {  	_ =	shalt  }
0x4a: {  	_ =	shalt  }
0x4b: {  	_ =	shalt  }
0x4c: {  	_ =	shalt  }
0x4d: {  	_ =	shalt  }
0x4e: {  	_ =	shalt  }
0x4f: {  	_ =	shalt  }
0x50: {  	_ =	shalt  }
0x51: {  	_ =	shalt  }
0x52: {  	_ =	shalt  }
0x53: {  	_ =	shalt  }
0x54: {  	_ =	shalt  }
0x55: {  	_ =	shalt  }
0x56: {  	_ =	shalt  }
0x57: {  	_ =	shalt  }
0x58: {  	_ =	shalt  }
0x59: {  	_ =	shalt  }
0x5a: {  	_ =	shalt  }
0x5b: {  	_ =	shalt  }
0x5c: {  	_ =	shalt  }
0x5d: {  	_ =	shalt  }
0x5e: {  	_ =	shalt  }
0x5f: {  	_ =	shalt  }
0x60: {  	_ =	shalt  }
0x61: {  	_ =	shalt  }
0x62: {  	_ =	shalt  }
0x63: {  	_ =	shalt  }
0x64: {  	_ =	shalt  }
0x65: {  	_ =	shalt  }
0x66: {  	_ =	shalt  }
0x67: {  	_ =	shalt  }
0x68: {  	_ =	shalt  }
0x69: {  	_ =	shalt  }
0x6a: {  	_ =	shalt  }
0x6b: {  	_ =	shalt  }
0x6c: {  	_ =	shalt  }
0x6d: {  	_ =	shalt  }
0x6e: {  	_ =	shalt  }
0x6f: {  	_ =	shalt  }
0x70: {  	_ =	shalt  }
0x71: {  	_ =	shalt  }
0x72: {  	_ =	shalt  }
0x73: {  	_ =	shalt  }
0x74: {  	_ =	shalt  }
0x75: {  	_ =	shalt  }
0x76: {  	_ =	shalt  }
0x77: {  	_ =	shalt  }
0x78: {  	_ =	shalt  }
0x79: {  	_ =	shalt  }
0x7a: {  	_ =	shalt  }
0x7b: {  	_ =	shalt  }
0x7c: {  	_ =	shalt  }
0x7d: {  	_ =	shalt  }
0x7e: {  	_ =	shalt  }
0x7f: {  	_ =	shalt  }
0x80: {  	_ =	shalt  }
0x81: {  	_ =	shalt  }
0x82: {  	_ =	shalt  }
0x83: {  	_ =	shalt  }
0x84: {  	_ =	shalt  }
0x85: {  	_ =	shalt  }
0x86: {  	_ =	shalt  }
0x87: {  	_ =	shalt  }
.Lfunc_end0:
.L_simem_size_0:
called_computation.2_lowered:
.L_overlay_start_0:
0x88: {  	s2 =	sld [smem:$0x3FD9]  }
0x89: {  	s3 =	sld [smem:$0x3FFE];
	_ =	sdelay $0x1  }
0x8a: {  	s1 =	srdreg.scid  }
0x8b: {  	s0 =	sand.u32 $0x1, s1  }
0x8c: {  	s16 =	sshll.u32 s0, $0xA;
	s2 =	sadd.s32 s3, s2  }
0x8d: {  	s2 =	sadd.s32 s2, s16  }
0x8e: {  	[smem:$0x3FC0] =	sst s2  }
0x8f: {  	_ = 	snop  }
0x90: {  	(tm) =	ssettm $0x1  }
0x91: {  	s17 =	sld [smem:$0x3FFB];
	_ =	sdelay $0x3  }
0x92: {  	_ =	strace s17  }
0x93: {  	s2 =	sld [smem:$0x3FFC];
	_ =	sdelay $0x3  }
0x94: {  	_ =	strace s2  }
0x95: {  	s2 =	sld [smem:$0x3FFD];
	_ =	sdelay $0x3  }
0x96: {  	_ =	strace s2  }
0x97: {  	_ =	strace $0x8FFFFFFF  }
0x98: {  	s18 =	sld [smem:$0x3FDB];
	_ =	sdelay $0x1  }
0x99: {  	s19 =	simm.s32 $_scs_section_size  }
0x9a: {  	s4 =	simm.s32 $_size__tile_overlayer_lowered;
	s5 =	simm.s32 $_tile_overlayer_lowered  }
0x9b: {  	s22 =	simm.s32 $0x1BFF;
	s21 =	sshll.u32 s5, $0x1;
	s2 =	sadd.s32 s19, s18  }
0x9c: {  	s6 =	simm.s32 $0x0;
	s20 =	sshll.u32 s4, $0x1;
	s4 =	sadd.s32 s21, s2  }
0x9d: {  	[timem:s6], [sflag:s22] =	dma.local [hbm:s4], s20  }
0x9e: {  	_ =	swait.ge [sflag:s22], s20  }
0x9f: {  	s3 =	ssub.s32 $0x0, s20;
	[sflag:s22] =	ssyncset.done $0x0  }
0xa0: {  	[sflag:s22] =	ssyncadd.s32 s3;
	_ =	sdelay $0x1  }
0xa1: {  	s23 =	simm.s32 $0x1B8B  }
0xa2: {  	_ =	swait.ge [sflag:s23], $0x1  }
0xa3: {  	[sflag:s23] =	ssyncset.done $0x0  }
0xa4: {  	s25 =	simm.s32 $0x1B8E;
	s24 =	sld [smem:$0x3FFE];
	[sflag:s23] =	ssyncadd.s32 $0xFFFFFFFF  }
0xa5: {  	s26 =	simm.s32 $execute0_lowered;
	[smem:$0x3FD2] =	sst s25  }
0xa6: {  	s4 =	sshll.u32 s26, $0x1;
	_ =	strace $0x8000004C;
	[dreg:$0x1] =	wrdreg $0xFFFFFFFF  }
0xa7: {  	s28 =	simm.s32 $_size_execute0_lowered;
	s2 =	sadd.s32 s2, s4;
	[dreg:$0x0] =	wrdreg $0x0  }
0xa8: {  	s4 =	sshll.u32 s28, $0x1;
	[dreg:$0x2] =	wrdreg s2  }
0xa9: {  	[dreg:$0x3] =	wrdreg s4  }
0xaa: {  	[dreg:$0x4] =	wrdreg $0xC0  }
0xab: {  	_ =	task [dreg:s6], $0x5FFFF  }
0xac: {  	[dreg:$0x1] =	wrdreg $0xFFFFFFFF  }
0xad: {  	[dreg:$0x0] =	wrdreg $0x60  }
0xae: {  	[dreg:$0x2] =	wrdreg s24  }
0xaf: {  	[dreg:$0x3] =	wrdreg $0xB8000  }
0xb0: {  	[dreg:$0x4] =	wrdreg $0x9  }
0xb1: {  	_ =	task.clear_ibuf [dreg:s6], $0x5FFFF;
	_ =	strace $0x9000004C  }
0xb2: {  	s29 =	simm.s32 $0x9;
	_ =	strace $0x8000004E  }
0xb3: {  	_ =	swait.ge [sflag:s29], $0x1  }
0xb4: {  	[sflag:s29] =	ssyncadd.s32 $0xFFFFFFFF  }
0xb5: {  	_ =	strace $0x9000004E  }
0xb6: {  	_ =	sfence  }
0xb7: {  	s30 =	sld [smem:$0x0];
	_ =	sdelay $0x2  }
0xb8: {  	s31 =	sshll.u32 s1, $0xD;
	s1 =	sshrl.u32 s1, $0x2  }
0xb9: {  	s3 =	sand.u32 $0x4000, s31;
	s1 =	sadd.s32 s1, s30  }
0xba: {  	s0 =	sor.u32 s3, s0;
	s1 =	sshll.u32 s1, $0x11  }
0xbb: {  	s0 =	sor.u32 s1, s0  }
0xbc: {  	s0 =	sadd.s32 $0x8F2B, s0  }
0xbd: {  	[sflag:s0] =	ssyncadd.remote.s32 $0x1  }
0xbe: {  	_ =	sfence.sel $0xFFFF  }
0xbf: {  	[dreg:$0x0] =	wrdreg $0xFFFFFFFF;
	(pc) =	sbr.abs _section_cstart, $3  }
0xc0: {  	[dreg:$0x1] =	wrdreg $0xFFFFFFFF  }
0xc1: {  	_ =	task.clear_ibuf [dreg:s6], $0x2FFFF;
	_ =	strace $0x9FFFFFFF  }
0xc2: {  	(tm) =	ssettm $0x7FFFFFFF  }
0xc3: {  	_ =	shalt  }
tec
execute0_lowered:
.L_overlay_start_1:
0x0: {  	(tag) =	ssettag $0x1  }
0x1: {  	s0 =	rddreg [dreg:$0x0]  }
0x2: {  	s1 =	rddreg [dreg:$0x1]  }
0x3: {  	s2 =	srdreg.scid;
	s9 =	stileid.u32  }
0x4: {  	s3 =	simm.s32 $0x0;
	s2 =	sand.u32 $0x1, s2;
	s5 =	smul.u32 $0x14000, s9  }
0x5: {  	[smem:$0x7FF] =	sst s3;
	s4 =	sadd.s32 $0x1E00, s0;
	s24 =	smul.u32 $0x140000, s2  }
0x6: {  	s25 =	sshll.u32 s9, $0x1;
	s7 =	smul.u32 $0x50000, s9;
	s8 =	ssub.s32 $0x2, s2  }
0x7: {  	s9 =	smul.u32 $0x2800, s9;
	s11 =	sshrl.u32 s8, $0x1;
	s3 =	sadd.s32 s5, s24  }
0x8: {  	s5 =	sor.u32 s2, s25;
	s26 =	ssub.s32 s8, s11;
	s8 =	sshrl.u32 s7, $0x2  }
0x9: {  	s9 =	sadd.s32 s4, s9;
	s12 =	smul.u32 $0x2800, s5;
	s5 =	sadd.s32 s8, s1  }
0xa: {  	_ =	strace $0x8000004D;
	[dreg:$0x3] =	wrdreg s9;
	s13 =	sadd.s32 $0x1000, s5  }
0xb: {  	s14 =	sadd.s32 $0x2000, s5;
	[dreg:$0x4] =	wrdreg s13  }
0xc: {  	s15 =	sadd.s32 $0x3000, s5;
	[dreg:$0x5] =	wrdreg s14  }
0xd: {  	s16 =	sadd.s32 $0x4000, s5;
	[dreg:$0x6] =	wrdreg s15  }
0xe: {  	s6 =	sadd.s32 $0x5B800, s0;
	s17 =	sadd.s32 $0x5000, s5;
	[dreg:$0x7] =	wrdreg s16  }
0xf: {  	s10 =	sadd.s32 $0x51800, s0;
	s18 =	sadd.s32 $0x6000, s5;
	[dreg:$0x8] =	wrdreg s17  }
0x10: {  	p0 =	sne.s32 s2, $0x0;
	s19 =	sadd.s32 $0x7000, s5;
	[dreg:$0x9] =	wrdreg s18  }
0x11: {  	s3 =	sshrl.u32 s3, $0x3;
	s20 =	sadd.s32 $0x8000, s5;
	[dreg:$0xa] =	wrdreg s19  }
0x12: {  	s0 =	sadd.s32 s3, s0;
	s21 =	sadd.s32 $0x9000, s5;
	[dreg:$0xb] =	wrdreg s20  }
0x13: {  	s22 =	sadd.s32 $0xA000, s5;
	s23 =	sadd.s32 $0xB000, s5;
	[dreg:$0xc] =	wrdreg s21  }
0x14: {  	s24 =	sadd.s32 $0xC000, s5;
	s25 =	sadd.s32 $0xD000, s5;
	[dreg:$0xd] =	wrdreg s22  }
0x15: {  	s28 =	sadd.s32 $0xF000, s5;
	s29 =	sadd.s32 $0x10000, s5;
	[dreg:$0xe] =	wrdreg s23  }
0x16: {  	s30 =	sadd.s32 $0x11000, s5;
	s31 =	sadd.s32 $0x12000, s5;
	[dreg:$0xf] =	wrdreg s24  }
0x17: {  	s3 =	simm.s32 $0x3;
	s11 =	sshrl.u32 s12, $0x3;
	[dreg:$0x10] =	wrdreg s25  }
0x18: {  	s13 =	simm.s32 $0x7D;
	s14 =	simm.s32 $0x2800;
	s15 =	simm.s32 $0x1  }
0x19: {  	s16 =	simm.s32 $0x6800;
	s17 =	simm.s32 $0x2;
	s18 =	simm.s32 $0x1380  }
0x1a: {  	s19 =	simm.s32 $0x2700;
	s20 =	simm.s32 $0x2780;
	s21 =	simm.s32 $0xA800  }
0x1b: {  	s22 =	simm.s32 $0x0;
	s7 =	sadd.s32 s6, s11;
	s12 =	sadd.s32 $0x280, s11  }
0x1c: {  	s8 =	sadd.s32 s10, s11;
	s11 =	sadd.s32 $0x65800, s0;
	s9 =	sadd.s32 s6, s12  }
0x1d: {  	s10 =	sadd.s32 s10, s12;
	s12 =	smax.u32 s26, $0x1;
	s26 =	sadd.s32 $0xE000, s5  }
0x1e: {  	v0 =	vimm.f32 $0.0e+00;
	s0 =	sadd.s32 $0x13000, s5;
	s6 =	simm.s32 $0x1400;
	[dreg:$0x11] =	wrdreg s26  }
.LBB2_1:
.Ltmp0:
0x1f: {  	(pc) =	sbr.rel @p0 .LBB2_3-.Ltmp0, $4  }
0x20: {  	_ = 	snop  }
0x21: {  	s2 =	stileid.u32  }
0x22: {  	s2 =	sshll.u32 s2, $0x6  }
0x23: {  	s23 =	sshrl.u32 s5, $0x3;
	s2 =	sor.u32 $0x1C03, s2  }
.Ltmp1:
0x24: {  	s24 =	rddreg [dreg:$0x3];
	(pc) =	sbr.rel .LBB2_6-.Ltmp1, $4  }
0x25: {  	[spmem:s23], [sflag:s2] =	dma.local [hbm:s24], $0x2800  }
0x26: {  	_ =	swait.ge [sflag:s3], $0x2800  }
0x27: {  	[sflag:s3] =	ssyncset.done $0x0  }
0x28: {  	[sflag:s3] =	ssyncadd.s32 $0xFFFFD800  }
.LBB2_3:
0x29: {  	s25 =	simm.s32 $0x0  }
0x2a: {  	s24 =	sshra.s32 s25, $0x2;
	s25 =	sadd.s32 $0x200, s25  }
.LBB2_4:
0x2b: {  	p1 =	seq.s32 s25, $0x3E00;
	[tilespmem:s24+$0xA870] =	vst v0  }
0x2c: {  	[tilespmem:s24+$0xA800] =	vst v0  }
0x2d: {  	[tilespmem:s24+$0xA810] =	vst v0  }
.Ltmp2:
0x2e: {  	[tilespmem:s24+$0xA820] =	vst v0;
	(pc) =	sbr.rel @!p1 .LBB2_4-.Ltmp2, $4  }
0x2f: {  	[tilespmem:s24+$0xA830] =	vst v0  }
0x30: {  	[tilespmem:s24+$0xA840] =	vst v0  }
0x31: {  	[tilespmem:s24+$0xA850] =	vst v0  }
0x32: {  	[tilespmem:s24+$0xA860] =	vst v0;
	s24 =	sshra.s32 s25, $0x2;
	s25 =	sadd.s32 $0x200, s25  }
0x33: {  	[tilespmem:s24+$0xA870] =	vst v0  }
0x34: {  	[tilespmem:s24+$0xA800] =	vst v0  }
0x35: {  	[tilespmem:s24+$0xA810] =	vst v0  }
0x36: {  	[tilespmem:s24+$0xA820] =	vst v0  }
0x37: {  	[tilespmem:s24+$0xA830] =	vst v0  }
0x38: {  	[tilespmem:s24+$0xA840] =	vst v0  }
0x39: {  	[tilespmem:s24+$0xA850] =	vst v0  }
0x3a: {  	[tilespmem:s24+$0xA860] =	vst v0  }
0x3b: {  	[spmem:s5] =	stream.linear.scatter [tilespmem:s21], [sflag:$0x3], $0x1000, $0x38;
	[tilespmem:$0x1F800] =	vst v63  }
0x3c: {  	_ =	swait.ge [sflag:s3], $0x1000  }
0x3d: {  	[sflag:s3] =	ssyncset.done $0x0  }
0x3e: {  	s25 =	rddreg [dreg:$0x4];
	[sflag:s3] =	ssyncadd.s32 $0xFFFFF000  }
0x3f: {  	[spmem:s25] =	stream.linear.scatter [tilespmem:s21], [sflag:$0x3], $0x1000, $0x38;
	[tilespmem:$0x1F800] =	vst v63  }
0x40: {  	_ =	swait.ge [sflag:s3], $0x1000  }
0x41: {  	[sflag:s3] =	ssyncset.done $0x0  }
0x42: {  	s26 =	rddreg [dreg:$0x5];
	[sflag:s3] =	ssyncadd.s32 $0xFFFFF000  }
0x43: {  	[spmem:s26] =	stream.linear.scatter [tilespmem:s21], [sflag:$0x3], $0x1000, $0x38;
	[tilespmem:$0x1F800] =	vst v63  }
0x44: {  	_ =	swait.ge [sflag:s3], $0x1000  }
0x45: {  	[sflag:s3] =	ssyncset.done $0x0  }
0x46: {  	s25 =	rddreg [dreg:$0x6];
	[sflag:s3] =	ssyncadd.s32 $0xFFFFF000  }
0x47: {  	[spmem:s25] =	stream.linear.scatter [tilespmem:s21], [sflag:$0x3], $0x1000, $0x38;
	[tilespmem:$0x1F800] =	vst v63  }
0x48: {  	_ =	swait.ge [sflag:s3], $0x1000  }
0x49: {  	[sflag:s3] =	ssyncset.done $0x0  }
0x4a: {  	s26 =	rddreg [dreg:$0x7];
	[sflag:s3] =	ssyncadd.s32 $0xFFFFF000  }
0x4b: {  	[spmem:s26] =	stream.linear.scatter [tilespmem:s21], [sflag:$0x3], $0x1000, $0x38;
	[tilespmem:$0x1F800] =	vst v63  }
0x4c: {  	_ =	swait.ge [sflag:s3], $0x1000  }
0x4d: {  	[sflag:s3] =	ssyncset.done $0x0  }
0x4e: {  	s25 =	rddreg [dreg:$0x8];
	[sflag:s3] =	ssyncadd.s32 $0xFFFFF000  }
0x4f: {  	[spmem:s25] =	stream.linear.scatter [tilespmem:s21], [sflag:$0x3], $0x1000, $0x38;
	[tilespmem:$0x1F800] =	vst v63  }
0x50: {  	_ =	swait.ge [sflag:s3], $0x1000  }
0x51: {  	[sflag:s3] =	ssyncset.done $0x0  }
0x52: {  	s26 =	rddreg [dreg:$0x9];
	[sflag:s3] =	ssyncadd.s32 $0xFFFFF000  }
0x53: {  	[spmem:s26] =	stream.linear.scatter [tilespmem:s21], [sflag:$0x3], $0x1000, $0x38;
	[tilespmem:$0x1F800] =	vst v63  }
0x54: {  	_ =	swait.ge [sflag:s3], $0x1000  }
0x55: {  	[sflag:s3] =	ssyncset.done $0x0  }
0x56: {  	s25 =	rddreg [dreg:$0xa];
	[sflag:s3] =	ssyncadd.s32 $0xFFFFF000  }
0x57: {  	[spmem:s25] =	stream.linear.scatter [tilespmem:s21], [sflag:$0x3], $0x1000, $0x38;
	[tilespmem:$0x1F800] =	vst v63  }
0x58: {  	_ =	swait.ge [sflag:s3], $0x1000  }
0x59: {  	[sflag:s3] =	ssyncset.done $0x0  }
0x5a: {  	s26 =	rddreg [dreg:$0xb];
	[sflag:s3] =	ssyncadd.s32 $0xFFFFF000  }
0x5b: {  	[spmem:s26] =	stream.linear.scatter [tilespmem:s21], [sflag:$0x3], $0x1000, $0x38;
	[tilespmem:$0x1F800] =	vst v63  }
0x5c: {  	_ =	swait.ge [sflag:s3], $0x1000  }
0x5d: {  	[sflag:s3] =	ssyncset.done $0x0  }
0x5e: {  	s25 =	rddreg [dreg:$0xc];
	[sflag:s3] =	ssyncadd.s32 $0xFFFFF000  }
0x5f: {  	[spmem:s25] =	stream.linear.scatter [tilespmem:s21], [sflag:$0x3], $0x1000, $0x38;
	[tilespmem:$0x1F800] =	vst v63  }
0x60: {  	_ =	swait.ge [sflag:s3], $0x1000  }
0x61: {  	[sflag:s3] =	ssyncset.done $0x0  }
0x62: {  	s26 =	rddreg [dreg:$0xd];
	[sflag:s3] =	ssyncadd.s32 $0xFFFFF000  }
0x63: {  	[spmem:s26] =	stream.linear.scatter [tilespmem:s21], [sflag:$0x3], $0x1000, $0x38;
	[tilespmem:$0x1F800] =	vst v63  }
0x64: {  	_ =	swait.ge [sflag:s3], $0x1000  }
0x65: {  	[sflag:s3] =	ssyncset.done $0x0  }
0x66: {  	s25 =	rddreg [dreg:$0xe];
	[sflag:s3] =	ssyncadd.s32 $0xFFFFF000  }
0x67: {  	[spmem:s25] =	stream.linear.scatter [tilespmem:s21], [sflag:$0x3], $0x1000, $0x38;
	[tilespmem:$0x1F800] =	vst v63  }
0x68: {  	_ =	swait.ge [sflag:s3], $0x1000  }
0x69: {  	[sflag:s3] =	ssyncset.done $0x0  }
0x6a: {  	s26 =	rddreg [dreg:$0xf];
	[sflag:s3] =	ssyncadd.s32 $0xFFFFF000  }
0x6b: {  	[spmem:s26] =	stream.linear.scatter [tilespmem:s21], [sflag:$0x3], $0x1000, $0x38;
	[tilespmem:$0x1F800] =	vst v63  }
0x6c: {  	_ =	swait.ge [sflag:s3], $0x1000  }
0x6d: {  	[sflag:s3] =	ssyncset.done $0x0  }
0x6e: {  	s25 =	rddreg [dreg:$0x10];
	[sflag:s3] =	ssyncadd.s32 $0xFFFFF000  }
0x6f: {  	[spmem:s25] =	stream.linear.scatter [tilespmem:s21], [sflag:$0x3], $0x1000, $0x38;
	[tilespmem:$0x1F800] =	vst v63  }
0x70: {  	_ =	swait.ge [sflag:s3], $0x1000  }
0x71: {  	[sflag:s3] =	ssyncset.done $0x0  }
0x72: {  	s26 =	rddreg [dreg:$0x11];
	[sflag:s3] =	ssyncadd.s32 $0xFFFFF000  }
0x73: {  	[spmem:s26] =	stream.linear.scatter [tilespmem:s21], [sflag:$0x3], $0x1000, $0x38;
	[tilespmem:$0x1F800] =	vst v63  }
0x74: {  	_ =	swait.ge [sflag:s3], $0x1000  }
0x75: {  	[sflag:s3] =	ssyncset.done $0x0  }
0x76: {  	[sflag:s3] =	ssyncadd.s32 $0xFFFFF000  }
0x77: {  	[spmem:s28] =	stream.linear.scatter [tilespmem:s21], [sflag:$0x3], $0x1000, $0x38;
	[tilespmem:$0x1F800] =	vst v63  }
0x78: {  	_ =	swait.ge [sflag:s3], $0x1000  }
0x79: {  	[sflag:s3] =	ssyncset.done $0x0  }
0x7a: {  	[sflag:s3] =	ssyncadd.s32 $0xFFFFF000  }
0x7b: {  	[spmem:s29] =	stream.linear.scatter [tilespmem:s21], [sflag:$0x3], $0x1000, $0x38;
	[tilespmem:$0x1F800] =	vst v63  }
0x7c: {  	_ =	swait.ge [sflag:s3], $0x1000  }
0x7d: {  	[sflag:s3] =	ssyncset.done $0x0  }
0x7e: {  	[sflag:s3] =	ssyncadd.s32 $0xFFFFF000  }
0x7f: {  	[spmem:s30] =	stream.linear.scatter [tilespmem:s21], [sflag:$0x3], $0x1000, $0x38;
	[tilespmem:$0x1F800] =	vst v63  }
0x80: {  	_ =	swait.ge [sflag:s3], $0x1000  }
0x81: {  	[sflag:s3] =	ssyncset.done $0x0  }
0x82: {  	[sflag:s3] =	ssyncadd.s32 $0xFFFFF000  }
0x83: {  	[spmem:s31] =	stream.linear.scatter [tilespmem:s21], [sflag:$0x3], $0x1000, $0x38;
	[tilespmem:$0x1F800] =	vst v63  }
0x84: {  	_ =	swait.ge [sflag:s3], $0x1000  }
0x85: {  	[sflag:s3] =	ssyncset.done $0x0  }
0x86: {  	[sflag:s3] =	ssyncadd.s32 $0xFFFFF000  }
0x87: {  	[spmem:s0] =	stream.linear.scatter [tilespmem:s21], [sflag:$0x3], $0x1000, $0x38;
	[tilespmem:$0x1F800] =	vst v63  }
0x88: {  	_ =	swait.ge [sflag:s3], $0x1000  }
0x89: {  	[sflag:s3] =	ssyncset.done $0x0  }
0x8a: {  	[sflag:s3] =	ssyncadd.s32 $0xFFFFF000  }
.LBB2_6:
0x8b: {  	[bflag:$0x0] =	sbarrier.arrive $0xFFFF;
	s24 =	simm.s32 $0x0  }
0x8c: {  	[tilespmem:s24], [sflag:$0x3] =	stream.linear.gather [hbm4b:s7+s24], $0x1400, $0x38;
	[tilespmem:$0x1F800] =	vst v63  }
0x8d: {  	_ =	swait.ge [sflag:s3], $0x1400  }
0x8e: {  	[sflag:s3] =	ssyncset.done $0x0  }
0x8f: {  	[sflag:s3] =	ssyncadd.s32 $0xFFFFEC00  }
0x90: {  	[tilespmem:s6], [sflag:$0x3] =	stream.linear.gather [hbm4b:s8+s24], $0x1400, $0x38;
	[tilespmem:$0x1F800] =	vst v63  }
0x91: {  	_ =	swait.ge [sflag:s3], $0x1400  }
0x92: {  	[sflag:s3] =	ssyncset.done $0x0  }
0x93: {  	[sflag:s3] =	ssyncadd.s32 $0xFFFFEC00  }
0x94: {  	[tilespmem:s14], [sflag:$0x1] =	stream.indirect.gather [hbm4b:s4+s13], $0x80, s24, s13, $0xb8;
	[tilespmem:$0x1F800] =	vst v63  }
0x95: {  	_ =	swait.ge [sflag:s15], $0x3E80  }
0x96: {  	[sflag:s15] =	ssyncset.done $0x0  }
0x97: {  	s25 =	simm.s32 $0x80;
	[sflag:s15] =	ssyncadd.s32 $0xFFFFC180  }
0x98: {  	[tilespmem:s16], [sflag:$0x2] =	stream.indirect.gather [hbm4b:s4+s13], $0x80, s25, s13, $0xb8;
	[tilespmem:$0x1F800] =	vst v63  }
0x99: {  	s26 =	simm.s32 $0x1400  }
0x9a: {  	[spmem:s1] =	stream.indirect.scatter.add.f32 [tilespmem:s14], [sflag:$0x3], $0x80, s26, s13, $0xb8;
	[tilespmem:$0x1F800] =	vst v63  }
0x9b: {  	_ =	swait.ge [sflag:s3], $0x3E80  }
0x9c: {  	[sflag:s3] =	ssyncset.done $0x0  }
0x9d: {  	[sflag:s3] =	ssyncadd.s32 $0xFFFFC180  }
0x9e: {  	_ =	swait.ge [sflag:s17], $0x3E80  }
0x9f: {  	[sflag:s17] =	ssyncset.done $0x0  }
0xa0: {  	s25 =	simm.s32 $0x100;
	[sflag:s17] =	ssyncadd.s32 $0xFFFFC180  }
0xa1: {  	[tilespmem:s14], [sflag:$0x1] =	stream.indirect.gather [hbm4b:s4+s13], $0x80, s25, s13, $0xb8;
	[tilespmem:$0x1F800] =	vst v63  }
0xa2: {  	s26 =	simm.s32 $0x1480  }
0xa3: {  	[spmem:s1] =	stream.indirect.scatter.add.f32 [tilespmem:s16], [sflag:$0x3], $0x80, s26, s13, $0xb8;
	[tilespmem:$0x1F800] =	vst v63  }
0xa4: {  	_ =	swait.ge [sflag:s3], $0x3E80  }
0xa5: {  	s24 =	simm.s32 $0x400;
	[sflag:s3] =	ssyncset.done $0x0  }
.LBB2_7:
0xa6: {  	p1 =	sne.s32 s24, $0x4800  }
0xa7: {  	[sflag:s3] =	ssyncadd.s32 $0xFFFFC180;
	s25 =	smov.u32 s24;
	s24 =	sadd.s32 $0x400, s24  }
0xa8: {  	_ = 	snop  }
0xa9: {  	_ =	swait.ge [sflag:s15], $0x3E80  }
0xaa: {  	s25 =	sshra.s32 s25, $0x2;
	[sflag:s15] =	ssyncset.done $0x0  }
0xab: {  	s26 =	sadd.s32 $0x80, s25;
	[sflag:s15] =	ssyncadd.s32 $0xFFFFC180  }
0xac: {  	[tilespmem:s16], [sflag:$0x2] =	stream.indirect.gather [hbm4b:s4+s13], $0x80, s26, s13, $0xb8;
	[tilespmem:$0x1F800] =	vst v63  }
0xad: {  	s26 =	sadd.s32 $0x1400, s25  }
0xae: {  	[spmem:s1] =	stream.indirect.scatter.add.f32 [tilespmem:s14], [sflag:$0x3], $0x80, s26, s13, $0xb8;
	[tilespmem:$0x1F800] =	vst v63  }
0xaf: {  	_ =	swait.ge [sflag:s3], $0x3E80  }
0xb0: {  	[sflag:s3] =	ssyncset.done $0x0  }
0xb1: {  	[sflag:s3] =	ssyncadd.s32 $0xFFFFC180  }
0xb2: {  	_ =	swait.ge [sflag:s17], $0x3E80  }
0xb3: {  	[sflag:s17] =	ssyncset.done $0x0  }
0xb4: {  	s26 =	sadd.s32 $0x100, s25;
	[sflag:s17] =	ssyncadd.s32 $0xFFFFC180  }
0xb5: {  	[tilespmem:s14], [sflag:$0x1] =	stream.indirect.gather [hbm4b:s4+s13], $0x80, s26, s13, $0xb8;
	[tilespmem:$0x1F800] =	vst v63  }
.Ltmp3:
0xb6: {  	_ = 	snop;
	(pc) =	sbr.rel @p1 .LBB2_7-.Ltmp3, $4  }
0xb7: {  	s25 =	sadd.s32 $0x1480, s25  }
0xb8: {  	[spmem:s1] =	stream.indirect.scatter.add.f32 [tilespmem:s16], [sflag:$0x3], $0x80, s25, s13, $0xb8;
	[tilespmem:$0x1F800] =	vst v63  }
0xb9: {  	_ =	swait.ge [sflag:s3], $0x3E80  }
0xba: {  	[sflag:s3] =	ssyncset.done $0x0  }
0xbb: {  	[sflag:s3] =	ssyncadd.s32 $0xFFFFC180  }
0xbc: {  	_ =	swait.ge [sflag:s15], $0x3E80  }
0xbd: {  	[sflag:s15] =	ssyncset.done $0x0  }
0xbe: {  	[sflag:s15] =	ssyncadd.s32 $0xFFFFC180  }
0xbf: {  	[tilespmem:s16], [sflag:$0x2] =	stream.indirect.gather [hbm4b:s4+s13], $0x80, s18, s13, $0xb8;
	[tilespmem:$0x1F800] =	vst v63  }
0xc0: {  	_ = 	snop  }
0xc1: {  	[spmem:s1] =	stream.indirect.scatter.add.f32 [tilespmem:s14], [sflag:$0x3], $0x80, s19, s13, $0xb8;
	[tilespmem:$0x1F800] =	vst v63  }
0xc2: {  	_ =	swait.ge [sflag:s3], $0x3E80  }
0xc3: {  	[sflag:s3] =	ssyncset.done $0x0  }
0xc4: {  	[sflag:s3] =	ssyncadd.s32 $0xFFFFC180  }
0xc5: {  	_ =	swait.ge [sflag:s17], $0x3E80  }
0xc6: {  	[sflag:s17] =	ssyncset.done $0x0  }
0xc7: {  	[sflag:s17] =	ssyncadd.s32 $0xFFFFC180  }
0xc8: {  	[spmem:s1] =	stream.indirect.scatter.add.f32 [tilespmem:s16], [sflag:$0x3], $0x80, s20, s13, $0xb8;
	[tilespmem:$0x1F800] =	vst v63  }
0xc9: {  	_ =	swait.ge [sflag:s3], $0x3E80  }
0xca: {  	[sflag:s3] =	ssyncset.done $0x0  }
0xcb: {  	s24 =	simm.s32 $0x0;
	[sflag:s3] =	ssyncadd.s32 $0xFFFFC180  }
0xcc: {  	[tilespmem:s24], [sflag:$0x3] =	stream.linear.gather [hbm4b:s9+s24], $0x1400, $0x38;
	[tilespmem:$0x1F800] =	vst v63  }
0xcd: {  	_ =	swait.ge [sflag:s3], $0x1400  }
0xce: {  	[sflag:s3] =	ssyncset.done $0x0  }
0xcf: {  	[sflag:s3] =	ssyncadd.s32 $0xFFFFEC00  }
0xd0: {  	[tilespmem:s6], [sflag:$0x3] =	stream.linear.gather [hbm4b:s10+s24], $0x1400, $0x38;
	[tilespmem:$0x1F800] =	vst v63  }
0xd1: {  	_ =	swait.ge [sflag:s3], $0x1400  }
0xd2: {  	[sflag:s3] =	ssyncset.done $0x0  }
0xd3: {  	[sflag:s3] =	ssyncadd.s32 $0xFFFFEC00  }
0xd4: {  	[tilespmem:s14], [sflag:$0x1] =	stream.indirect.gather [hbm4b:s4+s13], $0x80, s24, s13, $0xb8;
	[tilespmem:$0x1F800] =	vst v63  }
0xd5: {  	_ =	swait.ge [sflag:s15], $0x3E80  }
0xd6: {  	[sflag:s15] =	ssyncset.done $0x0  }
0xd7: {  	s25 =	simm.s32 $0x80;
	[sflag:s15] =	ssyncadd.s32 $0xFFFFC180  }
0xd8: {  	[tilespmem:s16], [sflag:$0x2] =	stream.indirect.gather [hbm4b:s4+s13], $0x80, s25, s13, $0xb8;
	[tilespmem:$0x1F800] =	vst v63  }
0xd9: {  	s26 =	simm.s32 $0x1400  }
0xda: {  	[spmem:s1] =	stream.indirect.scatter.add.f32 [tilespmem:s14], [sflag:$0x3], $0x80, s26, s13, $0xb8;
	[tilespmem:$0x1F800] =	vst v63  }
0xdb: {  	_ =	swait.ge [sflag:s3], $0x3E80  }
0xdc: {  	[sflag:s3] =	ssyncset.done $0x0  }
0xdd: {  	[sflag:s3] =	ssyncadd.s32 $0xFFFFC180  }
0xde: {  	_ =	swait.ge [sflag:s17], $0x3E80  }
0xdf: {  	[sflag:s17] =	ssyncset.done $0x0  }
0xe0: {  	s25 =	simm.s32 $0x100;
	[sflag:s17] =	ssyncadd.s32 $0xFFFFC180  }
0xe1: {  	[tilespmem:s14], [sflag:$0x1] =	stream.indirect.gather [hbm4b:s4+s13], $0x80, s25, s13, $0xb8;
	[tilespmem:$0x1F800] =	vst v63  }
0xe2: {  	s26 =	simm.s32 $0x1480  }
0xe3: {  	[spmem:s1] =	stream.indirect.scatter.add.f32 [tilespmem:s16], [sflag:$0x3], $0x80, s26, s13, $0xb8;
	[tilespmem:$0x1F800] =	vst v63  }
0xe4: {  	_ =	swait.ge [sflag:s3], $0x3E80  }
0xe5: {  	s24 =	simm.s32 $0x400;
	[sflag:s3] =	ssyncset.done $0x0  }
.LBB2_9:
0xe6: {  	p1 =	sne.s32 s24, $0x4800  }
0xe7: {  	[sflag:s3] =	ssyncadd.s32 $0xFFFFC180;
	s25 =	smov.u32 s24;
	s24 =	sadd.s32 $0x400, s24  }
0xe8: {  	_ = 	snop  }
0xe9: {  	_ =	swait.ge [sflag:s15], $0x3E80  }
0xea: {  	s25 =	sshra.s32 s25, $0x2;
	[sflag:s15] =	ssyncset.done $0x0  }
0xeb: {  	s26 =	sadd.s32 $0x80, s25;
	[sflag:s15] =	ssyncadd.s32 $0xFFFFC180  }
0xec: {  	[tilespmem:s16], [sflag:$0x2] =	stream.indirect.gather [hbm4b:s4+s13], $0x80, s26, s13, $0xb8;
	[tilespmem:$0x1F800] =	vst v63  }
0xed: {  	s26 =	sadd.s32 $0x1400, s25  }
0xee: {  	[spmem:s1] =	stream.indirect.scatter.add.f32 [tilespmem:s14], [sflag:$0x3], $0x80, s26, s13, $0xb8;
	[tilespmem:$0x1F800] =	vst v63  }
0xef: {  	_ =	swait.ge [sflag:s3], $0x3E80  }
0xf0: {  	[sflag:s3] =	ssyncset.done $0x0  }
0xf1: {  	[sflag:s3] =	ssyncadd.s32 $0xFFFFC180  }
0xf2: {  	_ =	swait.ge [sflag:s17], $0x3E80  }
0xf3: {  	[sflag:s17] =	ssyncset.done $0x0  }
0xf4: {  	s26 =	sadd.s32 $0x100, s25;
	[sflag:s17] =	ssyncadd.s32 $0xFFFFC180  }
0xf5: {  	[tilespmem:s14], [sflag:$0x1] =	stream.indirect.gather [hbm4b:s4+s13], $0x80, s26, s13, $0xb8;
	[tilespmem:$0x1F800] =	vst v63  }
.Ltmp4:
0xf6: {  	_ = 	snop;
	(pc) =	sbr.rel @p1 .LBB2_9-.Ltmp4, $4  }
0xf7: {  	s25 =	sadd.s32 $0x1480, s25  }
0xf8: {  	[spmem:s1] =	stream.indirect.scatter.add.f32 [tilespmem:s16], [sflag:$0x3], $0x80, s25, s13, $0xb8;
	[tilespmem:$0x1F800] =	vst v63  }
0xf9: {  	_ =	swait.ge [sflag:s3], $0x3E80  }
0xfa: {  	[sflag:s3] =	ssyncset.done $0x0  }
0xfb: {  	[sflag:s3] =	ssyncadd.s32 $0xFFFFC180  }
0xfc: {  	_ =	swait.ge [sflag:s15], $0x3E80  }
0xfd: {  	[sflag:s15] =	ssyncset.done $0x0  }
0xfe: {  	[sflag:s15] =	ssyncadd.s32 $0xFFFFC180  }
0xff: {  	[tilespmem:s16], [sflag:$0x2] =	stream.indirect.gather [hbm4b:s4+s13], $0x80, s18, s13, $0xb8;
	[tilespmem:$0x1F800] =	vst v63  }
0x100: {  	_ = 	snop  }
0x101: {  	[spmem:s1] =	stream.indirect.scatter.add.f32 [tilespmem:s14], [sflag:$0x3], $0x80, s19, s13, $0xb8;
	[tilespmem:$0x1F800] =	vst v63  }
0x102: {  	_ =	swait.ge [sflag:s3], $0x3E80  }
0x103: {  	[sflag:s3] =	ssyncset.done $0x0  }
0x104: {  	[sflag:s3] =	ssyncadd.s32 $0xFFFFC180  }
0x105: {  	_ =	swait.ge [sflag:s17], $0x3E80  }
0x106: {  	[sflag:s17] =	ssyncset.done $0x0  }
0x107: {  	[sflag:s17] =	ssyncadd.s32 $0xFFFFC180  }
0x108: {  	[spmem:s1] =	stream.indirect.scatter.add.f32 [tilespmem:s16], [sflag:$0x3], $0x80, s20, s13, $0xb8;
	[tilespmem:$0x1F800] =	vst v63  }
0x109: {  	_ =	swait.ge [sflag:s3], $0x3E80  }
0x10a: {  	s22 =	sadd.s32 $0x1, s22;
	[sflag:s3] =	ssyncset.done $0x0  }
0x10b: {  	p1 =	sne.s32 s22, s12;
	[sflag:s3] =	ssyncadd.s32 $0xFFFFC180  }
.Ltmp5:
0x10c: {  	[bflag:$0x0] =	sbarrier.arrive $0xFFFF;
	(pc) =	sbr.rel @p1 .LBB2_1-.Ltmp5, $4  }
0x10d: {  	[hbm:s11], [sflag:s2] =	dma.local [spmem:s23], $0x2800  }
0x10e: {  	_ =	swait.ge [sflag:s3], $0x2800  }
0x10f: {  	[sflag:s3] =	ssyncset.done $0x0  }
0x110: {  	[sflag:s3] =	ssyncadd.s32 $0xFFFFD800  }
0x111: {  	_ =	sfence.sel $0x180000  }
0x112: {  	[bflag:$0x0] =	sbarrier.arrive $0xFFFF  }
0x113: {  	_ =	strace $0x9000004D  }
0x114: {  	s0 =	stileid.u32;
	[bflag:$0x2] =	sbarrier.arrive $0xFFFF  }
0x115: {  	p0 =	sne.s32 s0, $0x0;
	s0 =	rddreg [dreg:$0x2]  }
0x116: {  	s0 =	sadd.s32 @!p0 $0x100000, s0  }
0x117: {  	[sflag:s0] =	ssyncadd.tile.s32 @!p0 $0x1;
	_ =	shalt  }
.Lfunc_end2:
_tile_overlayer_lowered:
.L_overlay_start_2:
0x118: {  	(tag) =	ssettag $0x2  }
0x119: {  	s0 =	rddreg [dreg:$0x0];
	s2 =	stileid.u32  }
0x11a: {  	s1 =	rddreg [dreg:$0x1];
	p0 =	sne.s32 s2, $0x0  }
0x11b: {  	s3 =	rddreg [dreg:$0x2];
	[bflag:$0x3] =	sbarrier.arrive $0xFFFF;
	s2 =	simm.s32 @!p0 $0x1C03  }
0x11c: {  	[timem:s3], [sflag:s2] =	dma.local @!p0 [hbm:s0], s1  }
0x11d: {  	s0 =	simm.s32 @!p0 $0x3  }
0x11e: {  	_ =	swait.ge @!p0 [sflag:s0], s1  }
0x11f: {  	s1 =	ssub.s32 @!p0 $0x0, s1;
	[sflag:s0] =	ssyncset.done @!p0 $0x0  }
0x120: {  	[sflag:s0] =	ssyncadd.s32 @!p0 s1  }
0x121: {  	[bflag:$0x3] =	sbarrier.arrive $0xFFFF  }
0x122: {  	_ =	shalt  }

// kernel: kernel.8.cloned.1.call-start
scs
__scs_entry_jumppad:
0x0: {  	(pc) =	sbr.rel $0x88, $3  }
0x1: {  	(tag) =	ssettag $0x0;
	lr =	simm.s32 $0x1  }
0x2: {  	[smem:$0x3F99] =	sst lr;
	_ =	strace $0xD0000000  }
0x3: {  	_ = 	snop  }
0x4: {  	_ = 	snop  }
0x5: {  	_ = 	snop  }
0x6: {  	_ = 	snop  }
0x7: {  	_ = 	snop  }
__scs_overlays_trampoline_lowered:
0x8: {  	[smem:$0x3FA8] =	sst s0  }
0x9: {  	[smem:$0x3FA9] =	sst s1  }
0xa: {  	[smem:$0x3FAA] =	sst s2  }
0xb: {  	[smem:$0x3FAB] =	sst s3  }
0xc: {  	[smem:$0x3FAC] =	sst s4  }
0xd: {  	[smem:$0x3FAD] =	sst s5  }
0xe: {  	[smem:$0x3FAE] =	sst s6  }
0xf: {  	[smem:$0x3FAF] =	sst s7  }
0x10: {  	[smem:$0x3FB0] =	sst s8  }
0x11: {  	[smem:$0x3FB1] =	sst s9;
	s0 =	simm.s32 @!p0 $0x0  }
0x12: {  	s1 =	sld [smem:$0x3F97];
	s0 =	simm.s32 @p0 $0x1  }
0x13: {  	[smem:$0x3FB2] =	sst s0;
	s0 =	simm.s32 @!p1 $0x0  }
0x14: {  	s2 =	sld [smem:$0x3F96];
	s0 =	simm.s32 @p1 $0x1  }
0x15: {  	[smem:$0x3FB3] =	sst s0;
	s0 =	simm.s32 @!p2 $0x0  }
0x16: {  	s3 =	sld [smem:$0x3FDB];
	s0 =	simm.s32 @p2 $0x1  }
0x17: {  	s4 =	simm.s32 $0x1BF5;
	[smem:$0x3FB5] =	sst s0  }
0x18: {  	s0 =	sld [smem:$0x3F98];
	_ =	swait.ge [sflag:s4], $0x0  }
0x19: {  	s7 =	sld [smem:$0x3F99]  }
0x1a: {  	s8 =	sadd.s32 $0xFFFFE003, lr  }
0x1b: {  	s9 =	sadd.s32 $0xFFFFFEF7, lr;
	s5 =	simm.s32 $0xFFFFFFFF;
	p2 =	slt.u32 s8, $0xFFFFF086  }
0x1c: {  	p1 =	slt.u32 s9, $0xF7A;
	s5 =	simm.s32 @!p2 $0x0  }
0x1d: {  	s5 =	simm.s32 @p1 $0x1;
	p0 =	seq.s32 s7, s2  }
0x1e: {  	s7 =	smul.u32 @!p0 $0xF7A, s2;
	p2 =	seq.s32 @!p0 s5, $0x0  }
0x1f: {  	s9 =	smul.u32 $0xF7A, s1;
	s8 =	simm.s32 @!p0 $0x1BF5;
	p2 =	por !p2, p0  }
0x20: {  	[sflag:s8] =	ssyncset.s32 @!p0 $0xFFFFF086;
	s6 =	sadd.s32 @!p0 s3, s7;
	s7 =	simm.s32 @!p0 $0x108  }
0x21: {  	s3 =	sadd.s32 s3, s9;
	s6 =	sadd.s32 @!p0 $0x88, s6;
	s7 =	simm.s32 @p2 $0x1082  }
0x22: {  	[simem:s7], [sflag:s8] =	dma.local @!p0 [hbm:s6], $0xF7A  }
0x23: {  	s9 =	sor.u32 $0xD0000000, s2;
	s6 =	simm.s32 $0x108;
	_ =	swait.ge @!p0 [sflag:s8], $0x0  }
0x24: {  	s3 =	sadd.s32 $0x88, s3;
	s6 =	simm.s32 @!p1 $0x1082;
	[sflag:s4] =	ssyncset.s32 $0xFFFFF086  }
0x25: {  	[simem:s6], [sflag:s4] =	dma.local [hbm:s3], $0xF7A  }
0x26: {  	[smem:$0x3F99] =	sst s1;
	(tag) =	ssettag s2;
	_ =	strace s9  }
0x27: {  	s1 =	sld [smem:$0x3FA9]  }
0x28: {  	s2 =	sld [smem:$0x3FAA]  }
0x29: {  	s4 =	sld [smem:$0x3FAC]  }
0x2a: {  	p0 =	seq.s32 s5, $0x0;
	s5 =	sld [smem:$0x3FAD]  }
0x2b: {  	s6 =	sld [smem:$0x3FAE]  }
0x2c: {  	s7 =	sld [smem:$0x3FAF]  }
0x2d: {  	s3 =	simm.s32 $0x108;
	s8 =	sld [smem:$0x3FB0]  }
0x2e: {  	s3 =	simm.s32 @!p0 $0x1082;
	s9 =	sld [smem:$0x3FB1]  }
0x2f: {  	lr =	sadd.s32 s0, s3;
	s0 =	sld [smem:$0x3FA8]  }
0x30: {  	s3 =	sld [smem:$0x3FAB]  }
0x31: {  	[smem:$0x3FB4] =	sst s10  }
0x32: {  	s10 =	sld [smem:$0x3FB2];
	_ =	sdelay $0x3  }
0x33: {  	p0 =	seq.s32 s10, $0x1;
	s10 =	sld [smem:$0x3FB4];
	_ =	sdelay $0x3  }
0x34: {  	[smem:$0x3FB4] =	sst s10  }
0x35: {  	s10 =	sld [smem:$0x3FB3];
	_ =	sdelay $0x3  }
0x36: {  	p1 =	seq.s32 s10, $0x1;
	s10 =	sld [smem:$0x3FB4];
	_ =	sdelay $0x3  }
0x37: {  	[smem:$0x3FB4] =	sst s10  }
0x38: {  	s10 =	sld [smem:$0x3FB5]  }
0x39: {  	_ = 	snop;
	(pc) =	sbr.ind lr, $3  }
0x3a: {  	_ = 	snop  }
0x3b: {  	_ = 	snop  }
0x3c: {  	p2 =	seq.s32 s10, $0x1;
	s10 =	sld [smem:$0x3FB4]  }
0x3d: {  	_ =	shalt  }
0x3e: {  	_ =	shalt  }
0x3f: {  	_ =	shalt  }
0x40: {  	_ =	shalt  }
0x41: {  	_ =	shalt  }
0x42: {  	_ =	shalt  }
0x43: {  	_ =	shalt  }
0x44: {  	_ =	shalt  }
0x45: {  	_ =	shalt  }
0x46: {  	_ =	shalt  }
0x47: {  	_ =	shalt  }
0x48: {  	_ =	shalt  }
0x49: {  	_ =	shalt  }
0x4a: {  	_ =	shalt  }
0x4b: {  	_ =	shalt  }
0x4c: {  	_ =	shalt  }
0x4d: {  	_ =	shalt  }
0x4e: {  	_ =	shalt  }
0x4f: {  	_ =	shalt  }
0x50: {  	_ =	shalt  }
0x51: {  	_ =	shalt  }
0x52: {  	_ =	shalt  }
0x53: {  	_ =	shalt  }
0x54: {  	_ =	shalt  }
0x55: {  	_ =	shalt  }
0x56: {  	_ =	shalt  }
0x57: {  	_ =	shalt  }
0x58: {  	_ =	shalt  }
0x59: {  	_ =	shalt  }
0x5a: {  	_ =	shalt  }
0x5b: {  	_ =	shalt  }
0x5c: {  	_ =	shalt  }
0x5d: {  	_ =	shalt  }
0x5e: {  	_ =	shalt  }
0x5f: {  	_ =	shalt  }
0x60: {  	_ =	shalt  }
0x61: {  	_ =	shalt  }
0x62: {  	_ =	shalt  }
0x63: {  	_ =	shalt  }
0x64: {  	_ =	shalt  }
0x65: {  	_ =	shalt  }
0x66: {  	_ =	shalt  }
0x67: {  	_ =	shalt  }
0x68: {  	_ =	shalt  }
0x69: {  	_ =	shalt  }
0x6a: {  	_ =	shalt  }
0x6b: {  	_ =	shalt  }
0x6c: {  	_ =	shalt  }
0x6d: {  	_ =	shalt  }
0x6e: {  	_ =	shalt  }
0x6f: {  	_ =	shalt  }
0x70: {  	_ =	shalt  }
0x71: {  	_ =	shalt  }
0x72: {  	_ =	shalt  }
0x73: {  	_ =	shalt  }
0x74: {  	_ =	shalt  }
0x75: {  	_ =	shalt  }
0x76: {  	_ =	shalt  }
0x77: {  	_ =	shalt  }
0x78: {  	_ =	shalt  }
0x79: {  	_ =	shalt  }
0x7a: {  	_ =	shalt  }
0x7b: {  	_ =	shalt  }
0x7c: {  	_ =	shalt  }
0x7d: {  	_ =	shalt  }
0x7e: {  	_ =	shalt  }
0x7f: {  	_ =	shalt  }
0x80: {  	_ =	shalt  }
0x81: {  	_ =	shalt  }
0x82: {  	_ =	shalt  }
0x83: {  	_ =	shalt  }
0x84: {  	_ =	shalt  }
0x85: {  	_ =	shalt  }
0x86: {  	_ =	shalt  }
0x87: {  	_ =	shalt  }
.Lfunc_end0:
.L_simem_size_0:
called_computation_lowered:
.L_overlay_start_0:
0x88: {  	s2 =	sld [smem:$0x3FD9]  }
0x89: {  	s3 =	sld [smem:$0x3FFE];
	_ =	sdelay $0x1  }
0x8a: {  	s1 =	srdreg.scid  }
0x8b: {  	s0 =	sand.u32 $0x1, s1  }
0x8c: {  	s16 =	sshll.u32 s0, $0xA;
	s2 =	sadd.s32 s3, s2  }
0x8d: {  	s2 =	sadd.s32 s2, s16  }
0x8e: {  	[smem:$0x3FC0] =	sst s2  }
0x8f: {  	_ = 	snop  }
0x90: {  	(tm) =	ssettm $0x1  }
0x91: {  	s17 =	sld [smem:$0x3FFB];
	_ =	sdelay $0x3  }
0x92: {  	_ =	strace s17  }
0x93: {  	s2 =	sld [smem:$0x3FFC];
	_ =	sdelay $0x3  }
0x94: {  	_ =	strace s2  }
0x95: {  	s2 =	sld [smem:$0x3FFD];
	_ =	sdelay $0x3  }
0x96: {  	_ =	strace s2  }
0x97: {  	_ =	strace $0x8FFFFFFF  }
0x98: {  	s18 =	sld [smem:$0x3FDB];
	_ =	sdelay $0x1  }
0x99: {  	s19 =	simm.s32 $_scs_section_size  }
0x9a: {  	s4 =	simm.s32 $_size__tile_overlayer_lowered;
	s5 =	simm.s32 $_tile_overlayer_lowered  }
0x9b: {  	s22 =	simm.s32 $0x1BFF;
	s21 =	sshll.u32 s5, $0x1;
	s2 =	sadd.s32 s19, s18  }
0x9c: {  	s6 =	simm.s32 $0x0;
	s20 =	sshll.u32 s4, $0x1;
	s4 =	sadd.s32 s21, s2  }
0x9d: {  	[timem:s6], [sflag:s22] =	dma.local [hbm:s4], s20  }
0x9e: {  	_ =	swait.ge [sflag:s22], s20  }
0x9f: {  	s3 =	ssub.s32 $0x0, s20;
	[sflag:s22] =	ssyncset.done $0x0  }
0xa0: {  	[sflag:s22] =	ssyncadd.s32 s3;
	_ =	sdelay $0x1  }
0xa1: {  	s23 =	simm.s32 $0x1B8B  }
0xa2: {  	_ =	swait.ge [sflag:s23], $0x1  }
0xa3: {  	[sflag:s23] =	ssyncset.done $0x0  }
0xa4: {  	s25 =	simm.s32 $0x1B8E;
	s24 =	sld [smem:$0x3FFE];
	[sflag:s23] =	ssyncadd.s32 $0xFFFFFFFF  }
0xa5: {  	s26 =	simm.s32 $execute0_lowered;
	[smem:$0x3FD2] =	sst s25  }
0xa6: {  	s4 =	sshll.u32 s26, $0x1;
	_ =	strace $0x80000046;
	[dreg:$0x1] =	wrdreg $0xFFFFFFFF  }
0xa7: {  	s28 =	simm.s32 $_size_execute0_lowered;
	s2 =	sadd.s32 s2, s4;
	[dreg:$0x0] =	wrdreg $0x0  }
0xa8: {  	s4 =	sshll.u32 s28, $0x1;
	[dreg:$0x2] =	wrdreg s2  }
0xa9: {  	[dreg:$0x3] =	wrdreg s4  }
0xaa: {  	[dreg:$0x4] =	wrdreg $0xC0  }
0xab: {  	_ =	task [dreg:s6], $0x5FFFF  }
0xac: {  	[dreg:$0x1] =	wrdreg $0xFFFFFFFF  }
0xad: {  	[dreg:$0x0] =	wrdreg $0x60  }
0xae: {  	[dreg:$0x2] =	wrdreg s24  }
0xaf: {  	[dreg:$0x3] =	wrdreg $0x18C000  }
0xb0: {  	[dreg:$0x4] =	wrdreg $0x9  }
0xb1: {  	_ =	task.clear_ibuf [dreg:s6], $0x5FFFF;
	_ =	strace $0x90000046  }
0xb2: {  	s29 =	simm.s32 $0x9;
	_ =	strace $0x80000048  }
0xb3: {  	_ =	swait.ge [sflag:s29], $0x1  }
0xb4: {  	[sflag:s29] =	ssyncadd.s32 $0xFFFFFFFF  }
0xb5: {  	_ =	strace $0x90000048  }
0xb6: {  	_ =	sfence  }
0xb7: {  	s30 =	sld [smem:$0x0];
	_ =	sdelay $0x2  }
0xb8: {  	s31 =	sshll.u32 s1, $0xD;
	s1 =	sshrl.u32 s1, $0x2  }
0xb9: {  	s3 =	sand.u32 $0x4000, s31;
	s1 =	sadd.s32 s1, s30  }
0xba: {  	s0 =	sor.u32 s3, s0;
	s1 =	sshll.u32 s1, $0x11  }
0xbb: {  	s0 =	sor.u32 s1, s0  }
0xbc: {  	s0 =	sadd.s32 $0x8F2B, s0  }
0xbd: {  	[sflag:s0] =	ssyncadd.remote.s32 $0x1  }
0xbe: {  	_ =	sfence.sel $0xFFFF  }
0xbf: {  	[dreg:$0x0] =	wrdreg $0xFFFFFFFF;
	(pc) =	sbr.abs _section_cstart, $3  }
0xc0: {  	[dreg:$0x1] =	wrdreg $0xFFFFFFFF  }
0xc1: {  	_ =	task.clear_ibuf [dreg:s6], $0x2FFFF;
	_ =	strace $0x9FFFFFFF  }
0xc2: {  	(tm) =	ssettm $0x7FFFFFFF  }
0xc3: {  	_ =	shalt  }
tec
execute0_lowered:
.L_overlay_start_1:
0x0: {  	(tag) =	ssettag $0x1  }
0x1: {  	s0 =	rddreg [dreg:$0x0]  }
0x2: {  	s1 =	srdreg.scid;
	s8 =	stileid.u32  }
0x3: {  	s2 =	rddreg [dreg:$0x1];
	s4 =	simm.s32 $0x0;
	s1 =	sand.u32 $0x1, s1  }
0x4: {  	s3 =	sshll.u32 s8, $0x1;
	[smem:$0x7FF] =	sst s4;
	s7 =	smul.u32 $0x500, s8  }
0x5: {  	s6 =	sshrl.u32 s8, $0x3;
	s11 =	sshll.u32 s8, $0x7;
	s3 =	sor.u32 s1, s3  }
0x6: {  	_ =	strace $0x80000047;
	s5 =	sshll.u32 s1, $0x7;
	s1 =	ssub.s32 $0x2, s1  }
0x7: {  	s3 =	smul.u32 $0x2780, s3;
	s4 =	sor.u32 s5, s7;
	s10 =	sshrl.u32 s1, $0x1  }
0x8: {  	s7 =	smul.u32 $0x5000, s8;
	s4 =	sshrl.u32 s4, $0x3;
	s1 =	ssub.s32 s1, s10  }
0x9: {  	s3 =	sadd.s32 s3, s0;
	s0 =	sadd.s32 s4, s0;
	s8 =	smax.u32 s1, $0x1  }
0xa: {  	s13 =	sshrl.u32 s7, $0x2;
	s3 =	sadd.s32 $0x1E00, s3;
	[dreg:$0x15] =	wrdreg s8  }
0xb: {  	s4 =	sadd.s32 s13, s2;
	s0 =	sadd.s32 $0x50E00, s0;
	[dreg:$0x3] =	wrdreg s3  }
0xc: {  	s16 =	sadd.s32 $0x80, s4;
	[dreg:$0x14] =	wrdreg s0  }
0xd: {  	s17 =	sadd.s32 $0x100, s4;
	[dreg:$0x5] =	wrdreg s16  }
0xe: {  	s18 =	sadd.s32 $0x180, s4;
	[dreg:$0x6] =	wrdreg s17  }
0xf: {  	s19 =	sadd.s32 $0x200, s4;
	[dreg:$0x7] =	wrdreg s18  }
0x10: {  	s20 =	sadd.s32 $0x280, s4;
	[dreg:$0x8] =	wrdreg s19  }
0x11: {  	s21 =	sadd.s32 $0x300, s4;
	[dreg:$0x9] =	wrdreg s20  }
0x12: {  	s22 =	sadd.s32 $0x380, s4;
	[dreg:$0xa] =	wrdreg s21  }
0x13: {  	s23 =	sadd.s32 $0x14000, s4;
	[dreg:$0xb] =	wrdreg s22  }
0x14: {  	s24 =	sadd.s32 $0x14080, s4;
	[dreg:$0xc] =	wrdreg s23  }
0x15: {  	s25 =	sadd.s32 $0x14100, s4;
	[dreg:$0xd] =	wrdreg s24  }
0x16: {  	s26 =	sadd.s32 $0x14180, s4;
	[dreg:$0xe] =	wrdreg s25  }
0x17: {  	s5 =	sadd.s32 $0x14280, s4;
	[dreg:$0xf] =	wrdreg s26  }
0x18: {  	s9 =	smul.u32 $0x50000, s6;
	s6 =	sadd.s32 $0x14300, s4;
	[dreg:$0x11] =	wrdreg s5  }
0x19: {  	s7 =	sadd.s32 $0x14380, s4;
	[dreg:$0x12] =	wrdreg s6  }
0x1a: {  	s12 =	sshrl.u32 s9, $0x2;
	s9 =	sadd.s32 $0x400, s4;
	[dreg:$0x13] =	wrdreg s7  }
0x1b: {  	s10 =	sadd.s32 $0x800, s4;
	[dreg:$0x16] =	wrdreg s9  }
0x1c: {  	s3 =	sand.u32 $0x380, s11;
	s11 =	sadd.s32 $0xC00, s4;
	[dreg:$0x17] =	wrdreg s10  }
0x1d: {  	s14 =	sadd.s32 s12, s2;
	s12 =	sadd.s32 $0x1000, s4;
	[dreg:$0x18] =	wrdreg s11  }
0x1e: {  	s13 =	sadd.s32 $0x480, s4;
	[dreg:$0x19] =	wrdreg s12  }
0x1f: {  	s1 =	sadd.s32 $0xE00, s4;
	[dreg:$0x1a] =	wrdreg s13  }
0x20: {  	s2 =	sadd.s32 $0x1200, s4;
	[smem:$0x7E5] =	sst s1  }
0x21: {  	s8 =	sadd.s32 $0x700, s4;
	[smem:$0x7E6] =	sst s2  }
0x22: {  	s15 =	sadd.s32 s3, s14;
	[smem:$0x7EB] =	sst s8  }
0x23: {  	s3 =	sadd.s32 $0x14200, s4;
	[dreg:$0x4] =	wrdreg s15  }
0x24: {  	s14 =	sadd.s32 $0x880, s4;
	[dreg:$0x10] =	wrdreg s3  }
0x25: {  	s16 =	sadd.s32 $0x1080, s4;
	[dreg:$0x1b] =	wrdreg s14  }
0x26: {  	s17 =	sadd.s32 $0x500, s4;
	[dreg:$0x1d] =	wrdreg s16  }
0x27: {  	s18 =	sadd.s32 $0x900, s4;
	[dreg:$0x1e] =	wrdreg s17  }
0x28: {  	s19 =	sadd.s32 $0xD00, s4;
	[dreg:$0x1f] =	wrdreg s18  }
0x29: {  	s20 =	sadd.s32 $0x1100, s4;
	[smem:$0x7DD] =	sst s19  }
0x2a: {  	s21 =	sadd.s32 $0x580, s4;
	[smem:$0x7DE] =	sst s20  }
0x2b: {  	s22 =	sadd.s32 $0x980, s4;
	[smem:$0x7DF] =	sst s21  }
0x2c: {  	s23 =	sadd.s32 $0xD80, s4;
	[smem:$0x7E0] =	sst s22  }
0x2d: {  	s24 =	sadd.s32 $0x1180, s4;
	[smem:$0x7E1] =	sst s23  }
0x2e: {  	s25 =	sadd.s32 $0x600, s4;
	[smem:$0x7E2] =	sst s24  }
0x2f: {  	s26 =	sadd.s32 $0xA00, s4;
	[smem:$0x7E3] =	sst s25  }
0x30: {  	s5 =	sadd.s32 $0xA80, s4;
	[smem:$0x7E4] =	sst s26  }
0x31: {  	s6 =	sadd.s32 $0xE80, s4;
	[smem:$0x7E8] =	sst s5  }
0x32: {  	s7 =	sadd.s32 $0x1280, s4;
	[smem:$0x7E9] =	sst s6  }
0x33: {  	s9 =	sadd.s32 $0xB00, s4;
	[smem:$0x7EA] =	sst s7  }
0x34: {  	s10 =	sadd.s32 $0xF00, s4;
	[smem:$0x7EC] =	sst s9  }
0x35: {  	s11 =	sadd.s32 $0x1300, s4;
	[smem:$0x7ED] =	sst s10  }
0x36: {  	s12 =	sadd.s32 $0x780, s4;
	[smem:$0x7EE] =	sst s11  }
0x37: {  	s13 =	sadd.s32 $0xB80, s4;
	[smem:$0x7EF] =	sst s12  }
0x38: {  	s15 =	sadd.s32 $0xC80, s4;
	[smem:$0x7F0] =	sst s13  }
0x39: {  	s28 =	simm.s32 $0x1;
	s3 =	sadd.s32 $0x680, s4;
	[dreg:$0x1c] =	wrdreg s15  }
0x3a: {  	s29 =	simm.s32 $0x13C00;
	s14 =	sadd.s32 $0xF80, s4;
	[smem:$0x7E7] =	sst s3  }
0x3b: {  	s30 =	simm.s32 $0x80;
	s16 =	sadd.s32 $0x14400, s4;
	[smem:$0x7F1] =	sst s14  }
0x3c: {  	s31 =	simm.s32 $0x0;
	s17 =	sadd.s32 $0x14800, s4;
	[smem:$0x7F3] =	sst s16  }
0x3d: {  	s8 =	sadd.s32 $0x14980, s4;
	s18 =	sadd.s32 $0x14C00, s4;
	[smem:$0x7F4] =	sst s17  }
0x3e: {  	s19 =	sadd.s32 $0x15000, s4;
	s20 =	sadd.s32 $0x14480, s4;
	[smem:$0x7F5] =	sst s18  }
0x3f: {  	s21 =	sadd.s32 $0x14880, s4;
	s22 =	sadd.s32 $0x14C80, s4;
	[smem:$0x7F6] =	sst s19  }
0x40: {  	s23 =	sadd.s32 $0x15080, s4;
	s24 =	sadd.s32 $0x14500, s4;
	[smem:$0x7F7] =	sst s20  }
0x41: {  	s25 =	sadd.s32 $0x14900, s4;
	s26 =	sadd.s32 $0x14D00, s4;
	[smem:$0x7F8] =	sst s21  }
0x42: {  	s6 =	sadd.s32 $0x15100, s4;
	s7 =	sadd.s32 $0x14580, s4;
	[smem:$0x7F9] =	sst s22  }
0x43: {  	s9 =	sadd.s32 $0x14D80, s4;
	s10 =	sadd.s32 $0x15180, s4;
	[smem:$0x7FA] =	sst s23  }
0x44: {  	s11 =	sadd.s32 $0x14600, s4;
	s12 =	sadd.s32 $0x14A00, s4;
	[smem:$0x7FB] =	sst s24  }
0x45: {  	s13 =	sadd.s32 $0x14E00, s4;
	s15 =	sadd.s32 $0x1380, s4;
	[smem:$0x7FC] =	sst s25  }
0x46: {  	[smem:$0x7FD] =	sst s26;
	s14 =	sadd.s32 $0x15200, s4;
	s16 =	sadd.s32 $0x14A80, s4  }
0x47: {  	s17 =	sadd.s32 $0x14E80, s4;
	s18 =	sadd.s32 $0x15280, s4;
	s19 =	sadd.s32 $0x14700, s4  }
0x48: {  	s20 =	sadd.s32 $0x14B00, s4;
	s21 =	sadd.s32 $0x14F00, s4;
	s22 =	sadd.s32 $0x15300, s4  }
0x49: {  	s23 =	sadd.s32 $0x14780, s4;
	s24 =	sadd.s32 $0x14B80, s4;
	s25 =	sadd.s32 $0x14F80, s4  }
0x4a: {  	v0 =	vimm.f32 $0.0e+00;
	v1 =	vimm.f32 $1.000000000e+00;
	s26 =	sadd.s32 $0x15380, s4;
	[smem:$0x7F2] =	sst s15;
	s15 =	sadd.s32 $0x14680, s4  }
.LBB2_1:
0x4b: {  	s0 =	simm.s32 $0x0;
	s1 =	rddreg [dreg:$0x3]  }
0x4c: {  	[tilespmem:s0], [sflag:$0x1] =	stream.linear.gather [hbm4b:s1+s0], $0x13880, $0x38;
	[tilespmem:$0x1B400] =	vst v63  }
0x4d: {  	_ =	swait.ge [sflag:s28], $0x13880  }
0x4e: {  	[sflag:s28] =	ssyncset.done $0x0  }
0x4f: {  	s0 =	simm.s32 $0x0;
	[sflag:s28] =	ssyncadd.s32 $0xFFFEC780  }
.LBB2_2:
0x50: {  	p0 =	sne.s32 s0, $0x9FC0  }
.Ltmp0:
0x51: {  	_ = 	snop;
	(pc) =	sbr.rel @p0 .LBB2_2-.Ltmp0, $3  }
0x52: {  	_ =	sdelay $0x1  }
0x53: {  	s1 =	sshra.s32 s0, $0x2  }
0x54: {  	s0 =	sadd.s32 $0x40, s0;
	[tilespmem:s1+$0x13C00] =	vst v0  }
0x55: {  	s1 =	simm.s32 $0x0;
	s0 =	simm.s32 $0x200  }
.LBB2_4:
0x56: {  	p0 =	sne.s32 s0, $0x4E000;
	v2 =	vld [tilespmem:s1+$0x0];
	_ =	sdelay $0x3  }
.Ltmp1:
0x57: {  	(pc) =	sbr.rel @p0 .LBB2_4-.Ltmp1, $2  }
0x58: {  	_ =	sdelay $0x2  }
0x59: {  	s1 =	sshra.s32 s0, $0x2;
	s0 =	sadd.s32 $0x200, s0;
	[tilespmem:v2+s29+$0x0] =	vst.idx.add.f32.msk $0xffff, v1  }
0x5a: {  	v2 =	vld [tilespmem:s1+$0x0];
	_ =	sdelay $0x7  }
0x5b: {  	s1 =	simm.s32 $0x13C00;
	s0 =	rddreg [dreg:$0x4];
	s2 =	simm.s32 $0x400;
	[tilespmem:v2+s29+$0x0] =	vst.idx.add.f32.msk $0xffff, v1  }
0x5c: {  	[spmem:s0] =	stream.strided.scatter [tilespmem:s1], [sflag:$0x1], $0x2800, s2, s30, $0x38;
	[tilespmem:$0x1B400] =	vst v63  }
0x5d: {  	_ =	swait.ge [sflag:s28], $0x2800  }
0x5e: {  	[sflag:s28] =	ssyncset.done $0x0  }
0x5f: {  	[sflag:s28] =	ssyncadd.s32 $0xFFFFD800  }
0x60: {  	s2 =	simm.s32 $0x16400;
	[bflag:$0x0] =	sbarrier.arrive $0xFFFF  }
0x61: {  	[tilespmem:s2], [sflag:$0x1] =	stream.linear.gather [spmem:s4], $0x80, $0x38;
	[tilespmem:$0x1B400] =	vst v63  }
0x62: {  	s5 =	simm.s32 $0x16800;
	s3 =	rddreg [dreg:$0x16]  }
0x63: {  	[tilespmem:s5], [sflag:$0x1] =	stream.linear.gather [spmem:s3], $0x80, $0x38;
	[tilespmem:$0x1B400] =	vst v63  }
0x64: {  	s3 =	rddreg [dreg:$0x17];
	s5 =	simm.s32 $0x16C00  }
0x65: {  	[tilespmem:s5], [sflag:$0x1] =	stream.linear.gather [spmem:s3], $0x80, $0x38;
	[tilespmem:$0x1B400] =	vst v63  }
0x66: {  	s3 =	rddreg [dreg:$0x18];
	s5 =	simm.s32 $0x17000  }
0x67: {  	[tilespmem:s5], [sflag:$0x1] =	stream.linear.gather [spmem:s3], $0x80, $0x38;
	[tilespmem:$0x1B400] =	vst v63  }
0x68: {  	s3 =	rddreg [dreg:$0x19];
	s5 =	simm.s32 $0x17400  }
0x69: {  	[tilespmem:s5], [sflag:$0x1] =	stream.linear.gather [spmem:s3], $0x80, $0x38;
	[tilespmem:$0x1B400] =	vst v63  }
0x6a: {  	_ =	swait.ge [sflag:s28], $0x280  }
0x6b: {  	[sflag:s28] =	ssyncset.done $0x0  }
0x6c: {  	s5 =	simm.s32 $0x16480;
	s3 =	rddreg [dreg:$0x5];
	[sflag:s28] =	ssyncadd.s32 $0xFFFFFD80  }
0x6d: {  	[tilespmem:s5], [sflag:$0x1] =	stream.linear.gather [spmem:s3], $0x80, $0x38;
	[tilespmem:$0x1B400] =	vst v63  }
0x6e: {  	s3 =	rddreg [dreg:$0x1a];
	s5 =	simm.s32 $0x16880  }
0x6f: {  	[tilespmem:s5], [sflag:$0x1] =	stream.linear.gather [spmem:s3], $0x80, $0x38;
	[tilespmem:$0x1B400] =	vst v63  }
0x70: {  	s3 =	rddreg [dreg:$0x1b];
	s5 =	simm.s32 $0x16C80  }
0x71: {  	[tilespmem:s5], [sflag:$0x1] =	stream.linear.gather [spmem:s3], $0x80, $0x38;
	[tilespmem:$0x1B400] =	vst v63  }
0x72: {  	s3 =	rddreg [dreg:$0x1c];
	s5 =	simm.s32 $0x17080  }
0x73: {  	[tilespmem:s5], [sflag:$0x1] =	stream.linear.gather [spmem:s3], $0x80, $0x38;
	[tilespmem:$0x1B400] =	vst v63  }
0x74: {  	s3 =	rddreg [dreg:$0x1d];
	s5 =	simm.s32 $0x17480  }
0x75: {  	[tilespmem:s5], [sflag:$0x1] =	stream.linear.gather [spmem:s3], $0x80, $0x38;
	[tilespmem:$0x1B400] =	vst v63  }
0x76: {  	_ =	swait.ge [sflag:s28], $0x280  }
0x77: {  	[sflag:s28] =	ssyncset.done $0x0  }
0x78: {  	s5 =	simm.s32 $0x16500;
	s3 =	rddreg [dreg:$0x6];
	[sflag:s28] =	ssyncadd.s32 $0xFFFFFD80  }
0x79: {  	[tilespmem:s5], [sflag:$0x1] =	stream.linear.gather [spmem:s3], $0x80, $0x38;
	[tilespmem:$0x1B400] =	vst v63  }
0x7a: {  	s3 =	rddreg [dreg:$0x1e];
	s5 =	simm.s32 $0x16900  }
0x7b: {  	[tilespmem:s5], [sflag:$0x1] =	stream.linear.gather [spmem:s3], $0x80, $0x38;
	[tilespmem:$0x1B400] =	vst v63  }
0x7c: {  	s3 =	rddreg [dreg:$0x1f];
	s5 =	simm.s32 $0x16D00  }
0x7d: {  	[tilespmem:s5], [sflag:$0x1] =	stream.linear.gather [spmem:s3], $0x80, $0x38;
	[tilespmem:$0x1B400] =	vst v63  }
0x7e: {  	s3 =	sld [smem:$0x7DD];
	_ =	sdelay $0x1  }
0x7f: {  	s5 =	simm.s32 $0x17100  }
0x80: {  	[tilespmem:s5], [sflag:$0x1] =	stream.linear.gather [spmem:s3], $0x80, $0x38;
	[tilespmem:$0x1B400] =	vst v63  }
0x81: {  	s3 =	sld [smem:$0x7DE];
	_ =	sdelay $0x1  }
0x82: {  	s5 =	simm.s32 $0x17500  }
0x83: {  	[tilespmem:s5], [sflag:$0x1] =	stream.linear.gather [spmem:s3], $0x80, $0x38;
	[tilespmem:$0x1B400] =	vst v63  }
0x84: {  	_ =	swait.ge [sflag:s28], $0x280  }
0x85: {  	[sflag:s28] =	ssyncset.done $0x0  }
0x86: {  	s5 =	simm.s32 $0x16580;
	s3 =	rddreg [dreg:$0x7];
	[sflag:s28] =	ssyncadd.s32 $0xFFFFFD80  }
0x87: {  	[tilespmem:s5], [sflag:$0x1] =	stream.linear.gather [spmem:s3], $0x80, $0x38;
	[tilespmem:$0x1B400] =	vst v63  }
0x88: {  	s3 =	sld [smem:$0x7DF];
	_ =	sdelay $0x1  }
0x89: {  	s5 =	simm.s32 $0x16980  }
0x8a: {  	[tilespmem:s5], [sflag:$0x1] =	stream.linear.gather [spmem:s3], $0x80, $0x38;
	[tilespmem:$0x1B400] =	vst v63  }
0x8b: {  	s3 =	sld [smem:$0x7E0];
	_ =	sdelay $0x1  }
0x8c: {  	s5 =	simm.s32 $0x16D80  }
0x8d: {  	[tilespmem:s5], [sflag:$0x1] =	stream.linear.gather [spmem:s3], $0x80, $0x38;
	[tilespmem:$0x1B400] =	vst v63  }
0x8e: {  	s3 =	sld [smem:$0x7E1];
	_ =	sdelay $0x1  }
0x8f: {  	s5 =	simm.s32 $0x17180  }
0x90: {  	[tilespmem:s5], [sflag:$0x1] =	stream.linear.gather [spmem:s3], $0x80, $0x38;
	[tilespmem:$0x1B400] =	vst v63  }
0x91: {  	s3 =	sld [smem:$0x7E2];
	_ =	sdelay $0x1  }
0x92: {  	s5 =	simm.s32 $0x17580  }
0x93: {  	[tilespmem:s5], [sflag:$0x1] =	stream.linear.gather [spmem:s3], $0x80, $0x38;
	[tilespmem:$0x1B400] =	vst v63  }
0x94: {  	_ =	swait.ge [sflag:s28], $0x280  }
0x95: {  	[sflag:s28] =	ssyncset.done $0x0  }
0x96: {  	s5 =	simm.s32 $0x16600;
	s3 =	rddreg [dreg:$0x8];
	[sflag:s28] =	ssyncadd.s32 $0xFFFFFD80  }
0x97: {  	[tilespmem:s5], [sflag:$0x1] =	stream.linear.gather [spmem:s3], $0x80, $0x38;
	[tilespmem:$0x1B400] =	vst v63  }
0x98: {  	s3 =	sld [smem:$0x7E3];
	_ =	sdelay $0x1  }
0x99: {  	s5 =	simm.s32 $0x16A00  }
0x9a: {  	[tilespmem:s5], [sflag:$0x1] =	stream.linear.gather [spmem:s3], $0x80, $0x38;
	[tilespmem:$0x1B400] =	vst v63  }
0x9b: {  	s3 =	sld [smem:$0x7E4];
	_ =	sdelay $0x1  }
0x9c: {  	s5 =	simm.s32 $0x16E00  }
0x9d: {  	[tilespmem:s5], [sflag:$0x1] =	stream.linear.gather [spmem:s3], $0x80, $0x38;
	[tilespmem:$0x1B400] =	vst v63  }
0x9e: {  	s3 =	sld [smem:$0x7E5];
	_ =	sdelay $0x1  }
0x9f: {  	s5 =	simm.s32 $0x17200  }
0xa0: {  	[tilespmem:s5], [sflag:$0x1] =	stream.linear.gather [spmem:s3], $0x80, $0x38;
	[tilespmem:$0x1B400] =	vst v63  }
0xa1: {  	s3 =	sld [smem:$0x7E6];
	_ =	sdelay $0x1  }
0xa2: {  	s5 =	simm.s32 $0x17600  }
0xa3: {  	[tilespmem:s5], [sflag:$0x1] =	stream.linear.gather [spmem:s3], $0x80, $0x38;
	[tilespmem:$0x1B400] =	vst v63  }
0xa4: {  	_ =	swait.ge [sflag:s28], $0x280  }
0xa5: {  	[sflag:s28] =	ssyncset.done $0x0  }
0xa6: {  	s5 =	simm.s32 $0x16680;
	s3 =	rddreg [dreg:$0x9];
	[sflag:s28] =	ssyncadd.s32 $0xFFFFFD80  }
0xa7: {  	[tilespmem:s5], [sflag:$0x1] =	stream.linear.gather [spmem:s3], $0x80, $0x38;
	[tilespmem:$0x1B400] =	vst v63  }
0xa8: {  	s3 =	sld [smem:$0x7E7];
	_ =	sdelay $0x1  }
0xa9: {  	s5 =	simm.s32 $0x16A80  }
0xaa: {  	[tilespmem:s5], [sflag:$0x1] =	stream.linear.gather [spmem:s3], $0x80, $0x38;
	[tilespmem:$0x1B400] =	vst v63  }
0xab: {  	s3 =	sld [smem:$0x7E8];
	_ =	sdelay $0x1  }
0xac: {  	s5 =	simm.s32 $0x16E80  }
0xad: {  	[tilespmem:s5], [sflag:$0x1] =	stream.linear.gather [spmem:s3], $0x80, $0x38;
	[tilespmem:$0x1B400] =	vst v63  }
0xae: {  	s3 =	sld [smem:$0x7E9];
	_ =	sdelay $0x1  }
0xaf: {  	s5 =	simm.s32 $0x17280  }
0xb0: {  	[tilespmem:s5], [sflag:$0x1] =	stream.linear.gather [spmem:s3], $0x80, $0x38;
	[tilespmem:$0x1B400] =	vst v63  }
0xb1: {  	s3 =	sld [smem:$0x7EA];
	_ =	sdelay $0x1  }
0xb2: {  	s5 =	simm.s32 $0x17680  }
0xb3: {  	[tilespmem:s5], [sflag:$0x1] =	stream.linear.gather [spmem:s3], $0x80, $0x38;
	[tilespmem:$0x1B400] =	vst v63  }
0xb4: {  	_ =	swait.ge [sflag:s28], $0x280  }
0xb5: {  	[sflag:s28] =	ssyncset.done $0x0  }
0xb6: {  	s5 =	simm.s32 $0x16700;
	s3 =	rddreg [dreg:$0xa];
	[sflag:s28] =	ssyncadd.s32 $0xFFFFFD80  }
0xb7: {  	[tilespmem:s5], [sflag:$0x1] =	stream.linear.gather [spmem:s3], $0x80, $0x38;
	[tilespmem:$0x1B400] =	vst v63  }
0xb8: {  	s3 =	sld [smem:$0x7EB];
	_ =	sdelay $0x1  }
0xb9: {  	s5 =	simm.s32 $0x16B00  }
0xba: {  	[tilespmem:s5], [sflag:$0x1] =	stream.linear.gather [spmem:s3], $0x80, $0x38;
	[tilespmem:$0x1B400] =	vst v63  }
0xbb: {  	s3 =	sld [smem:$0x7EC];
	_ =	sdelay $0x1  }
0xbc: {  	s5 =	simm.s32 $0x16F00  }
0xbd: {  	[tilespmem:s5], [sflag:$0x1] =	stream.linear.gather [spmem:s3], $0x80, $0x38;
	[tilespmem:$0x1B400] =	vst v63  }
0xbe: {  	s3 =	sld [smem:$0x7ED];
	_ =	sdelay $0x1  }
0xbf: {  	s5 =	simm.s32 $0x17300  }
0xc0: {  	[tilespmem:s5], [sflag:$0x1] =	stream.linear.gather [spmem:s3], $0x80, $0x38;
	[tilespmem:$0x1B400] =	vst v63  }
0xc1: {  	s3 =	sld [smem:$0x7EE];
	_ =	sdelay $0x1  }
0xc2: {  	s5 =	simm.s32 $0x17700  }
0xc3: {  	[tilespmem:s5], [sflag:$0x1] =	stream.linear.gather [spmem:s3], $0x80, $0x38;
	[tilespmem:$0x1B400] =	vst v63  }
0xc4: {  	_ =	swait.ge [sflag:s28], $0x280  }
0xc5: {  	[sflag:s28] =	ssyncset.done $0x0  }
0xc6: {  	s5 =	simm.s32 $0x16780;
	s3 =	rddreg [dreg:$0xb];
	[sflag:s28] =	ssyncadd.s32 $0xFFFFFD80  }
0xc7: {  	[tilespmem:s5], [sflag:$0x1] =	stream.linear.gather [spmem:s3], $0x80, $0x38;
	[tilespmem:$0x1B400] =	vst v63  }
0xc8: {  	s3 =	sld [smem:$0x7EF];
	_ =	sdelay $0x1  }
0xc9: {  	s5 =	simm.s32 $0x16B80  }
0xca: {  	[tilespmem:s5], [sflag:$0x1] =	stream.linear.gather [spmem:s3], $0x80, $0x38;
	[tilespmem:$0x1B400] =	vst v63  }
0xcb: {  	s3 =	sld [smem:$0x7F0];
	_ =	sdelay $0x1  }
0xcc: {  	s5 =	simm.s32 $0x16F80  }
0xcd: {  	[tilespmem:s5], [sflag:$0x1] =	stream.linear.gather [spmem:s3], $0x80, $0x38;
	[tilespmem:$0x1B400] =	vst v63  }
0xce: {  	s3 =	sld [smem:$0x7F1];
	_ =	sdelay $0x1  }
0xcf: {  	s5 =	simm.s32 $0x17380  }
0xd0: {  	[tilespmem:s5], [sflag:$0x1] =	stream.linear.gather [spmem:s3], $0x80, $0x38;
	[tilespmem:$0x1B400] =	vst v63  }
0xd1: {  	s3 =	sld [smem:$0x7F2];
	_ =	sdelay $0x1  }
0xd2: {  	s5 =	simm.s32 $0x17780  }
0xd3: {  	[tilespmem:s5], [sflag:$0x1] =	stream.linear.gather [spmem:s3], $0x80, $0x38;
	[tilespmem:$0x1B400] =	vst v63  }
0xd4: {  	_ =	swait.ge [sflag:s28], $0x280  }
0xd5: {  	[sflag:s28] =	ssyncset.done $0x0  }
0xd6: {  	s5 =	simm.s32 $0x17800;
	s3 =	rddreg [dreg:$0xc];
	[sflag:s28] =	ssyncadd.s32 $0xFFFFFD80  }
0xd7: {  	[tilespmem:s5], [sflag:$0x1] =	stream.linear.gather [spmem:s3], $0x80, $0x38;
	[tilespmem:$0x1B400] =	vst v63  }
0xd8: {  	s3 =	sld [smem:$0x7F3];
	_ =	sdelay $0x1  }
0xd9: {  	s5 =	simm.s32 $0x17C00  }
0xda: {  	[tilespmem:s5], [sflag:$0x1] =	stream.linear.gather [spmem:s3], $0x80, $0x38;
	[tilespmem:$0x1B400] =	vst v63  }
0xdb: {  	s3 =	sld [smem:$0x7F4];
	_ =	sdelay $0x1  }
0xdc: {  	s5 =	simm.s32 $0x18000  }
0xdd: {  	[tilespmem:s5], [sflag:$0x1] =	stream.linear.gather [spmem:s3], $0x80, $0x38;
	[tilespmem:$0x1B400] =	vst v63  }
0xde: {  	s3 =	sld [smem:$0x7F5];
	_ =	sdelay $0x1  }
0xdf: {  	s5 =	simm.s32 $0x18400  }
0xe0: {  	[tilespmem:s5], [sflag:$0x1] =	stream.linear.gather [spmem:s3], $0x80, $0x38;
	[tilespmem:$0x1B400] =	vst v63  }
0xe1: {  	s3 =	sld [smem:$0x7F6];
	_ =	sdelay $0x1  }
0xe2: {  	s5 =	simm.s32 $0x18800  }
0xe3: {  	[tilespmem:s5], [sflag:$0x1] =	stream.linear.gather [spmem:s3], $0x80, $0x38;
	[tilespmem:$0x1B400] =	vst v63  }
0xe4: {  	_ =	swait.ge [sflag:s28], $0x280  }
0xe5: {  	[sflag:s28] =	ssyncset.done $0x0  }
0xe6: {  	s5 =	simm.s32 $0x17880;
	s3 =	rddreg [dreg:$0xd];
	[sflag:s28] =	ssyncadd.s32 $0xFFFFFD80  }
0xe7: {  	[tilespmem:s5], [sflag:$0x1] =	stream.linear.gather [spmem:s3], $0x80, $0x38;
	[tilespmem:$0x1B400] =	vst v63  }
0xe8: {  	s3 =	sld [smem:$0x7F7];
	_ =	sdelay $0x1  }
0xe9: {  	s5 =	simm.s32 $0x17C80  }
0xea: {  	[tilespmem:s5], [sflag:$0x1] =	stream.linear.gather [spmem:s3], $0x80, $0x38;
	[tilespmem:$0x1B400] =	vst v63  }
0xeb: {  	s3 =	sld [smem:$0x7F8];
	_ =	sdelay $0x1  }
0xec: {  	s5 =	simm.s32 $0x18080  }
0xed: {  	[tilespmem:s5], [sflag:$0x1] =	stream.linear.gather [spmem:s3], $0x80, $0x38;
	[tilespmem:$0x1B400] =	vst v63  }
0xee: {  	s3 =	sld [smem:$0x7F9];
	_ =	sdelay $0x1  }
0xef: {  	s5 =	simm.s32 $0x18480  }
0xf0: {  	[tilespmem:s5], [sflag:$0x1] =	stream.linear.gather [spmem:s3], $0x80, $0x38;
	[tilespmem:$0x1B400] =	vst v63  }
0xf1: {  	s3 =	sld [smem:$0x7FA];
	_ =	sdelay $0x1  }
0xf2: {  	s5 =	simm.s32 $0x18880  }
0xf3: {  	[tilespmem:s5], [sflag:$0x1] =	stream.linear.gather [spmem:s3], $0x80, $0x38;
	[tilespmem:$0x1B400] =	vst v63  }
0xf4: {  	_ =	swait.ge [sflag:s28], $0x280  }
0xf5: {  	[sflag:s28] =	ssyncset.done $0x0  }
0xf6: {  	s5 =	simm.s32 $0x17900;
	s3 =	rddreg [dreg:$0xe];
	[sflag:s28] =	ssyncadd.s32 $0xFFFFFD80  }
0xf7: {  	[tilespmem:s5], [sflag:$0x1] =	stream.linear.gather [spmem:s3], $0x80, $0x38;
	[tilespmem:$0x1B400] =	vst v63  }
0xf8: {  	s3 =	sld [smem:$0x7FB];
	_ =	sdelay $0x1  }
0xf9: {  	s5 =	simm.s32 $0x17D00  }
0xfa: {  	[tilespmem:s5], [sflag:$0x1] =	stream.linear.gather [spmem:s3], $0x80, $0x38;
	[tilespmem:$0x1B400] =	vst v63  }
0xfb: {  	s3 =	sld [smem:$0x7FC];
	_ =	sdelay $0x1  }
0xfc: {  	s2 =	sld [smem:$0x7FD];
	s5 =	simm.s32 $0x18100  }
0xfd: {  	[tilespmem:s5], [sflag:$0x1] =	stream.linear.gather [spmem:s3], $0x80, $0x38;
	[tilespmem:$0x1B400] =	vst v63  }
0xfe: {  	s3 =	simm.s32 $0x18500  }
0xff: {  	[tilespmem:s3], [sflag:$0x1] =	stream.linear.gather [spmem:s2], $0x80, $0x38;
	[tilespmem:$0x1B400] =	vst v63  }
0x100: {  	s5 =	simm.s32 $0x18900  }
0x101: {  	[tilespmem:s5], [sflag:$0x1] =	stream.linear.gather [spmem:s6], $0x80, $0x38;
	[tilespmem:$0x1B400] =	vst v63  }
0x102: {  	_ =	swait.ge [sflag:s28], $0x280  }
0x103: {  	[sflag:s28] =	ssyncset.done $0x0  }
0x104: {  	s3 =	simm.s32 $0x17980;
	s2 =	rddreg [dreg:$0xf];
	[sflag:s28] =	ssyncadd.s32 $0xFFFFFD80  }
0x105: {  	[tilespmem:s3], [sflag:$0x1] =	stream.linear.gather [spmem:s2], $0x80, $0x38;
	[tilespmem:$0x1B400] =	vst v63  }
0x106: {  	s5 =	simm.s32 $0x17D80  }
0x107: {  	[tilespmem:s5], [sflag:$0x1] =	stream.linear.gather [spmem:s7], $0x80, $0x38;
	[tilespmem:$0x1B400] =	vst v63  }
0x108: {  	s2 =	simm.s32 $0x18180  }
0x109: {  	[tilespmem:s2], [sflag:$0x1] =	stream.linear.gather [spmem:s8], $0x80, $0x38;
	[tilespmem:$0x1B400] =	vst v63  }
0x10a: {  	s3 =	simm.s32 $0x18580  }
0x10b: {  	[tilespmem:s3], [sflag:$0x1] =	stream.linear.gather [spmem:s9], $0x80, $0x38;
	[tilespmem:$0x1B400] =	vst v63  }
0x10c: {  	s5 =	simm.s32 $0x18980  }
0x10d: {  	[tilespmem:s5], [sflag:$0x1] =	stream.linear.gather [spmem:s10], $0x80, $0x38;
	[tilespmem:$0x1B400] =	vst v63  }
0x10e: {  	_ =	swait.ge [sflag:s28], $0x280  }
0x10f: {  	[sflag:s28] =	ssyncset.done $0x0  }
0x110: {  	s3 =	simm.s32 $0x17A00;
	s2 =	rddreg [dreg:$0x10];
	[sflag:s28] =	ssyncadd.s32 $0xFFFFFD80  }
0x111: {  	[tilespmem:s3], [sflag:$0x1] =	stream.linear.gather [spmem:s2], $0x80, $0x38;
	[tilespmem:$0x1B400] =	vst v63  }
0x112: {  	s5 =	simm.s32 $0x17E00  }
0x113: {  	[tilespmem:s5], [sflag:$0x1] =	stream.linear.gather [spmem:s11], $0x80, $0x38;
	[tilespmem:$0x1B400] =	vst v63  }
0x114: {  	s2 =	simm.s32 $0x18200  }
0x115: {  	[tilespmem:s2], [sflag:$0x1] =	stream.linear.gather [spmem:s12], $0x80, $0x38;
	[tilespmem:$0x1B400] =	vst v63  }
0x116: {  	s3 =	simm.s32 $0x18600  }
0x117: {  	[tilespmem:s3], [sflag:$0x1] =	stream.linear.gather [spmem:s13], $0x80, $0x38;
	[tilespmem:$0x1B400] =	vst v63  }
0x118: {  	s5 =	simm.s32 $0x18A00  }
0x119: {  	[tilespmem:s5], [sflag:$0x1] =	stream.linear.gather [spmem:s14], $0x80, $0x38;
	[tilespmem:$0x1B400] =	vst v63  }
0x11a: {  	_ =	swait.ge [sflag:s28], $0x280  }
0x11b: {  	[sflag:s28] =	ssyncset.done $0x0  }
0x11c: {  	s3 =	simm.s32 $0x17A80;
	s2 =	rddreg [dreg:$0x11];
	[sflag:s28] =	ssyncadd.s32 $0xFFFFFD80  }
0x11d: {  	[tilespmem:s3], [sflag:$0x1] =	stream.linear.gather [spmem:s2], $0x80, $0x38;
	[tilespmem:$0x1B400] =	vst v63  }
0x11e: {  	s5 =	simm.s32 $0x17E80  }
0x11f: {  	[tilespmem:s5], [sflag:$0x1] =	stream.linear.gather [spmem:s15], $0x80, $0x38;
	[tilespmem:$0x1B400] =	vst v63  }
0x120: {  	s2 =	simm.s32 $0x18280  }
0x121: {  	[tilespmem:s2], [sflag:$0x1] =	stream.linear.gather [spmem:s16], $0x80, $0x38;
	[tilespmem:$0x1B400] =	vst v63  }
0x122: {  	s3 =	simm.s32 $0x18680  }
0x123: {  	[tilespmem:s3], [sflag:$0x1] =	stream.linear.gather [spmem:s17], $0x80, $0x38;
	[tilespmem:$0x1B400] =	vst v63  }
0x124: {  	s5 =	simm.s32 $0x18A80  }
0x125: {  	[tilespmem:s5], [sflag:$0x1] =	stream.linear.gather [spmem:s18], $0x80, $0x38;
	[tilespmem:$0x1B400] =	vst v63  }
0x126: {  	_ =	swait.ge [sflag:s28], $0x280  }
0x127: {  	[sflag:s28] =	ssyncset.done $0x0  }
0x128: {  	s3 =	simm.s32 $0x17B00;
	s2 =	rddreg [dreg:$0x12];
	[sflag:s28] =	ssyncadd.s32 $0xFFFFFD80  }
0x129: {  	[tilespmem:s3], [sflag:$0x1] =	stream.linear.gather [spmem:s2], $0x80, $0x38;
	[tilespmem:$0x1B400] =	vst v63  }
0x12a: {  	s5 =	simm.s32 $0x17F00  }
0x12b: {  	[tilespmem:s5], [sflag:$0x1] =	stream.linear.gather [spmem:s19], $0x80, $0x38;
	[tilespmem:$0x1B400] =	vst v63  }
0x12c: {  	s2 =	simm.s32 $0x18300  }
0x12d: {  	[tilespmem:s2], [sflag:$0x1] =	stream.linear.gather [spmem:s20], $0x80, $0x38;
	[tilespmem:$0x1B400] =	vst v63  }
0x12e: {  	s3 =	simm.s32 $0x18700  }
0x12f: {  	[tilespmem:s3], [sflag:$0x1] =	stream.linear.gather [spmem:s21], $0x80, $0x38;
	[tilespmem:$0x1B400] =	vst v63  }
0x130: {  	s5 =	simm.s32 $0x18B00  }
0x131: {  	[tilespmem:s5], [sflag:$0x1] =	stream.linear.gather [spmem:s22], $0x80, $0x38;
	[tilespmem:$0x1B400] =	vst v63  }
0x132: {  	_ =	swait.ge [sflag:s28], $0x280  }
0x133: {  	[sflag:s28] =	ssyncset.done $0x0  }
0x134: {  	s3 =	simm.s32 $0x17B80;
	s2 =	rddreg [dreg:$0x13];
	[sflag:s28] =	ssyncadd.s32 $0xFFFFFD80  }
0x135: {  	[tilespmem:s3], [sflag:$0x1] =	stream.linear.gather [spmem:s2], $0x80, $0x38;
	[tilespmem:$0x1B400] =	vst v63  }
0x136: {  	s5 =	simm.s32 $0x17F80  }
0x137: {  	[tilespmem:s5], [sflag:$0x1] =	stream.linear.gather [spmem:s23], $0x80, $0x38;
	[tilespmem:$0x1B400] =	vst v63  }
0x138: {  	s2 =	simm.s32 $0x18380  }
0x139: {  	[tilespmem:s2], [sflag:$0x1] =	stream.linear.gather [spmem:s24], $0x80, $0x38;
	[tilespmem:$0x1B400] =	vst v63  }
0x13a: {  	s3 =	simm.s32 $0x18780  }
0x13b: {  	[tilespmem:s3], [sflag:$0x1] =	stream.linear.gather [spmem:s25], $0x80, $0x38;
	[tilespmem:$0x1B400] =	vst v63  }
0x13c: {  	s5 =	simm.s32 $0x18B80;
	s2 =	simm.s32 $0x0  }
0x13d: {  	[tilespmem:s5], [sflag:$0x1] =	stream.linear.gather [spmem:s26], $0x80, $0x38;
	[tilespmem:$0x1B400] =	vst v63  }
0x13e: {  	s0 =	sand.u32 $0x1C00, s2;
	s3 =	sand.u32 $0x70, s2;
	_ =	swait.ge [sflag:s28], $0x280  }
0x13f: {  	s0 =	sor.u32 s3, s0;
	[sflag:s28] =	ssyncset.done $0x0  }
0x140: {  	s2 =	sadd.s32 $0x16400, s0;
	[sflag:s28] =	ssyncadd.s32 $0xFFFFFD80  }
0x141: {  	v2 =	vld [tilespmem:s2+$0x80]  }
0x142: {  	v3 =	vld [tilespmem:s0+$0x16400];
	_ =	sdelay $0x1  }
0x143: {  	v4 =	vld [tilespmem:s2+$0x100];
	_ =	sdelay $0x1  }
0x144: {  	v5 =	vld [tilespmem:s2+$0x180]  }
0x145: {  	v2 =	vadd.f32 v2, v3  }
0x146: {  	v3 =	vld [tilespmem:s2+$0x200]  }
0x147: {  	v2 =	vadd.f32 v4, v2  }
0x148: {  	v56 =	vld [tilespmem:s2+$0x280]  }
0x149: {  	v2 =	vadd.f32 v5, v2  }
0x14a: {  	v57 =	vld [tilespmem:s2+$0x300]  }
0x14b: {  	v2 =	vadd.f32 v3, v2  }
0x14c: {  	v3 =	vld [tilespmem:s2+$0x380]  }
0x14d: {  	v2 =	vadd.f32 v56, v2  }
0x14e: {  	v58 =	vld [tilespmem:s0+$0x17800]  }
0x14f: {  	v2 =	vadd.f32 v57, v2  }
0x150: {  	v59 =	vld [tilespmem:s0+$0x17880]  }
0x151: {  	v2 =	vadd.f32 v3, v2  }
0x152: {  	v3 =	vld [tilespmem:s0+$0x17900]  }
0x153: {  	v2 =	vadd.f32 v58, v2  }
0x154: {  	v60 =	vld [tilespmem:s0+$0x17980]  }
0x155: {  	v2 =	vadd.f32 v59, v2  }
0x156: {  	v61 =	vld [tilespmem:s0+$0x17A00]  }
0x157: {  	v2 =	vadd.f32 v3, v2  }
0x158: {  	v3 =	vld [tilespmem:s0+$0x17A80]  }
0x159: {  	v2 =	vadd.f32 v60, v2  }
0x15a: {  	v62 =	vld [tilespmem:s0+$0x17B00]  }
0x15b: {  	v2 =	vadd.f32 v61, v2  }
0x15c: {  	v63 =	vld [tilespmem:s0+$0x17B80]  }
0x15d: {  	v2 =	vadd.f32 v3, v2;
	_ =	sdelay $0x1  }
0x15e: {  	v2 =	vadd.f32 v62, v2  }
0x15f: {  	s5 =	simm.s32 $0x10;
	s2 =	simm.s32 $0x80  }
0x160: {  	s3 =	sand.u32 $0x1C00, s2;
	s0 =	sand.u32 $0x70, s5;
	v2 =	vadd.f32 v63, v2  }
0x161: {  	s0 =	sor.u32 s0, s3;
	s3 =	simm.s32 $0x20  }
.LBB2_6:
0x162: {  	p0 =	sne.s32 s3, $0x270;
	s5 =	sadd.s32 $0x16400, s0;
	[tilespmem:s1+$0x0] =	vst v2  }
0x163: {  	v2 =	vld [tilespmem:s5+$0x80]  }
0x164: {  	v3 =	vld [tilespmem:s0+$0x16400];
	_ =	sdelay $0x1  }
0x165: {  	v4 =	vld [tilespmem:s5+$0x100];
	_ =	sdelay $0x1  }
0x166: {  	v5 =	vld [tilespmem:s5+$0x180]  }
0x167: {  	v2 =	vadd.f32 v2, v3  }
0x168: {  	v3 =	vld [tilespmem:s5+$0x200]  }
0x169: {  	v2 =	vadd.f32 v4, v2  }
0x16a: {  	v4 =	vld [tilespmem:s5+$0x280]  }
0x16b: {  	v2 =	vadd.f32 v5, v2  }
0x16c: {  	v5 =	vld [tilespmem:s5+$0x300]  }
0x16d: {  	v2 =	vadd.f32 v3, v2  }
0x16e: {  	v3 =	vld [tilespmem:s5+$0x380]  }
0x16f: {  	v2 =	vadd.f32 v4, v2  }
0x170: {  	v4 =	vld [tilespmem:s0+$0x17800]  }
0x171: {  	v2 =	vadd.f32 v5, v2  }
0x172: {  	v5 =	vld [tilespmem:s0+$0x17880]  }
0x173: {  	v2 =	vadd.f32 v3, v2  }
0x174: {  	v3 =	vld [tilespmem:s0+$0x17900]  }
0x175: {  	v2 =	vadd.f32 v4, v2  }
0x176: {  	v4 =	vld [tilespmem:s0+$0x17980]  }
0x177: {  	v2 =	vadd.f32 v5, v2  }
0x178: {  	v5 =	vld [tilespmem:s0+$0x17A00]  }
0x179: {  	v2 =	vadd.f32 v3, v2  }
0x17a: {  	v3 =	vld [tilespmem:s0+$0x17A80]  }
0x17b: {  	v2 =	vadd.f32 v4, v2  }
0x17c: {  	v4 =	vld [tilespmem:s0+$0x17B00]  }
0x17d: {  	v2 =	vadd.f32 v5, v2  }
0x17e: {  	v5 =	vld [tilespmem:s0+$0x17B80]  }
0x17f: {  	v2 =	vadd.f32 v3, v2  }
.Ltmp2:
0x180: {  	(pc) =	sbr.rel @p0 .LBB2_6-.Ltmp2, $4  }
0x181: {  	v2 =	vadd.f32 v4, v2  }
0x182: {  	s2 =	sadd.s32 $0x80, s2  }
0x183: {  	s5 =	sand.u32 $0x1C00, s2;
	s0 =	sand.u32 $0x70, s3;
	v2 =	vadd.f32 v5, v2  }
0x184: {  	s1 =	sadd.s32 $0x10, s1;
	s3 =	sadd.s32 $0x10, s3;
	s0 =	sor.u32 s0, s5  }
0x185: {  	s2 =	sadd.s32 $0x16400, s0;
	[tilespmem:s1+$0x0] =	vst v2  }
0x186: {  	v2 =	vld [tilespmem:s2+$0x80]  }
0x187: {  	v3 =	vld [tilespmem:s0+$0x16400];
	_ =	sdelay $0x1  }
0x188: {  	v4 =	vld [tilespmem:s2+$0x100];
	_ =	sdelay $0x1  }
0x189: {  	v5 =	vld [tilespmem:s2+$0x180]  }
0x18a: {  	v2 =	vadd.f32 v2, v3  }
0x18b: {  	v3 =	vld [tilespmem:s2+$0x200]  }
0x18c: {  	v2 =	vadd.f32 v4, v2  }
0x18d: {  	v56 =	vld [tilespmem:s2+$0x280]  }
0x18e: {  	v2 =	vadd.f32 v5, v2  }
0x18f: {  	v57 =	vld [tilespmem:s2+$0x300]  }
0x190: {  	v2 =	vadd.f32 v3, v2  }
0x191: {  	v3 =	vld [tilespmem:s2+$0x380]  }
0x192: {  	v2 =	vadd.f32 v56, v2  }
0x193: {  	v58 =	vld [tilespmem:s0+$0x17800]  }
0x194: {  	v2 =	vadd.f32 v57, v2  }
0x195: {  	v59 =	vld [tilespmem:s0+$0x17880]  }
0x196: {  	v2 =	vadd.f32 v3, v2  }
0x197: {  	v3 =	vld [tilespmem:s0+$0x17900]  }
0x198: {  	v2 =	vadd.f32 v58, v2  }
0x199: {  	v60 =	vld [tilespmem:s0+$0x17980]  }
0x19a: {  	v2 =	vadd.f32 v59, v2  }
0x19b: {  	v61 =	vld [tilespmem:s0+$0x17A00]  }
0x19c: {  	v2 =	vadd.f32 v3, v2  }
0x19d: {  	v3 =	vld [tilespmem:s0+$0x17A80]  }
0x19e: {  	v2 =	vadd.f32 v60, v2  }
0x19f: {  	v62 =	vld [tilespmem:s0+$0x17B00]  }
0x1a0: {  	v2 =	vadd.f32 v61, v2  }
0x1a1: {  	v63 =	vld [tilespmem:s0+$0x17B80]  }
0x1a2: {  	v2 =	vadd.f32 v3, v2;
	_ =	sdelay $0x1  }
0x1a3: {  	v2 =	vadd.f32 v62, v2;
	_ =	sdelay $0x1  }
0x1a4: {  	v2 =	vadd.f32 v63, v2  }
0x1a5: {  	s1 =	sadd.s32 $0x10, s1  }
0x1a6: {  	s3 =	simm.s32 $0x100;
	s2 =	rddreg [dreg:$0x14];
	[tilespmem:s1+$0x0] =	vst v2  }
0x1a7: {  	[hbm4b:s2+s30] =	stream.strided.scatter [tilespmem:s29], [sflag:$0x1], $0x280, s3, s30, $0x38;
	[tilespmem:$0x1B400] =	vst v63  }
0x1a8: {  	_ =	swait.ge [sflag:s28], $0x280  }
0x1a9: {  	s31 =	sadd.s32 $0x1, s31;
	s5 =	rddreg [dreg:$0x15]  }
0x1aa: {  	p0 =	sne.s32 s31, s5  }
.Ltmp3:
0x1ab: {  	_ = 	snop;
	(pc) =	sbr.rel @p0 .LBB2_1-.Ltmp3, $3  }
0x1ac: {  	_ =	sdelay $0x1  }
0x1ad: {  	[sflag:s28] =	ssyncset.done $0x0  }
0x1ae: {  	[sflag:s28] =	ssyncadd.s32 $0xFFFFFD80  }
0x1af: {  	_ =	sfence.sel $0x180000  }
0x1b0: {  	[bflag:$0x0] =	sbarrier.arrive $0xFFFF  }
0x1b1: {  	_ =	strace $0x90000047  }
0x1b2: {  	s0 =	stileid.u32;
	[bflag:$0x2] =	sbarrier.arrive $0xFFFF  }
0x1b3: {  	p0 =	sne.s32 s0, $0x0;
	s0 =	rddreg [dreg:$0x2]  }
0x1b4: {  	s0 =	sadd.s32 @!p0 $0x100000, s0  }
0x1b5: {  	[sflag:s0] =	ssyncadd.tile.s32 @!p0 $0x1;
	_ =	shalt  }
.Lfunc_end2:
_tile_overlayer_lowered:
.L_overlay_start_2:
0x1b6: {  	(tag) =	ssettag $0x2  }
0x1b7: {  	s0 =	rddreg [dreg:$0x0];
	s2 =	stileid.u32  }
0x1b8: {  	s1 =	rddreg [dreg:$0x1];
	p0 =	sne.s32 s2, $0x0  }
0x1b9: {  	s3 =	rddreg [dreg:$0x2];
	[bflag:$0x3] =	sbarrier.arrive $0xFFFF;
	s2 =	simm.s32 @!p0 $0x1C01  }
0x1ba: {  	[timem:s3], [sflag:s2] =	dma.local @!p0 [hbm:s0], s1  }
0x1bb: {  	s0 =	simm.s32 @!p0 $0x1  }
0x1bc: {  	_ =	swait.ge @!p0 [sflag:s0], s1  }
0x1bd: {  	s1 =	ssub.s32 @!p0 $0x0, s1;
	[sflag:s0] =	ssyncset.done @!p0 $0x0  }
0x1be: {  	[sflag:s0] =	ssyncadd.s32 @!p0 s1  }
0x1bf: {  	[bflag:$0x3] =	sbarrier.arrive $0xFFFF  }
0x1c0: {  	_ =	shalt  }

</sc_bundles>
